<compile_context>
chip_gen: v7x
topology: tpu7x:2x2x1
jax: 0.10.2.dev20260603
libtpu: 0.0.44.dev20260713+nightly
codegen_flags: <defaults>
</compile_context>

<pallas_src>
import jax
import jax.numpy as jnp
import numpy as np
from jax import lax
from jax.experimental import pallas as pl
from jax.experimental.pallas import tpu as pltpu
from jax.experimental.pallas import tpu_sc as plsc

GRID_N = 200
NBINS = GRID_N * GRID_N
NORM = float(25000 * 80)
CLIP_MAX = np.float32(GRID_N - 1 - 1e-6)

NC = 2
NS = 16
L = 16
BLK = 128

TB = 64
T = TB * BLK
UNROLL = 8


def _bin16(xv, yv):
  xv = jnp.clip(xv, 0.0, CLIP_MAX)
  yv = jnp.clip(yv, 0.0, CLIP_MAX)
  xi = (xv + 0.5).astype(jnp.int32)
  yi = (yv + 0.5).astype(jnp.int32)
  return xi * GRID_N + yi


def _make_sc_body(n_tail_valid, tail_pad):
  def _sc_hist_body(z_hbm, tail_hbm, out_hbm,
                    bufa, bufb, tailbuf, hist, sema, semb, semt):
    nw = NC * NS
    nb = z_hbm.shape[0]
    num_tiles = -(-nb // TB)
    tiles_per_worker = -(-num_tiles // nw)
    last_base = nb - TB

    wid = lax.axis_index("c") * NS + lax.axis_index("s")

    iota = lax.iota(jnp.int32, L)
    ones_f = jnp.ones((L,), jnp.float32)

    bufs = (bufa, bufb)
    sems = (sema, semb)

    tail_handle = pltpu.async_copy(tail_hbm, tailbuf, semt)

    def _start(t):
      base = jnp.minimum((wid + t * nw) * TB, last_base)
      s = t % 2
      return pltpu.async_copy(z_hbm.at[pl.ds(base, TB)], bufs[s], sems[s])

    handles = [None, None]
    handles[0] = _start(0)

    zeros_f = jnp.zeros((L,), jnp.float32)

    def _zero(i):
      hist[pl.ds(i * L, L)] = zeros_f
    plsc.parallel_loop(0, NBINS // L, 1, unroll=8)(_zero)

    for t in range(tiles_per_worker):
      b = t % 2
      if t + 1 < tiles_per_worker:
        handles[(t + 1) % 2] = _start(t + 1)
      handles[b].wait()

      tile_start = (wid + t * nw) * T
      base_pts = jnp.minimum(tile_start, last_base * BLK)
      off = tile_start - base_pts
      buf = bufs[b]

      if t + 1 < tiles_per_worker:
        def _group(g, buf=buf):
          blk = g >> 3
          j = (g & 7) * L
          flat = _bin16(buf[blk, 0, pl.ds(j, L)], buf[blk, 1, pl.ds(j, L)])
          plsc.addupdate_scatter(hist, [flat], ones_f)
      else:
        def _group(g, buf=buf, off=off):
          blk = g >> 3
          j = (g & 7) * L
          flat = _bin16(buf[blk, 0, pl.ds(j, L)], buf[blk, 1, pl.ds(j, L)])
          valid = (g * L + iota) >= off
          plsc.addupdate_scatter(hist, [flat], ones_f, mask=valid)

      plsc.parallel_loop(0, T // L, 1, unroll=UNROLL)(_group)

    tail_handle.wait()
    if n_tail_valid:
      @pl.when(wid == 0)
      def _tail():
        def _tgroup(g):
          flat = _bin16(tailbuf[0, pl.ds(g * L, L)],
                        tailbuf[1, pl.ds(g * L, L)])
          valid = (g * L + iota) < n_tail_valid
          plsc.addupdate_scatter(hist, [flat], ones_f, mask=valid)
        plsc.parallel_loop(0, tail_pad // L, 1, unroll=1)(_tgroup)

    pltpu.sync_copy(hist, out_hbm.at[wid])

  return _sc_hist_body


def _merge_body(partials_ref, grid_ref, out_ref):
  s = jnp.sum(partials_ref[...], axis=0)
  prob = s / NORM
  out_ref[...] = jnp.where(grid_ref[...] != 0, 0.0, prob)


@jax.jit
def kernel(all_points, grid):
  n = all_points.shape[0]
  nb = n // BLK
  nh = nb * BLK
  n_tail = n - nh
  tail_pad = -(-n_tail // L) * L if n_tail else L

  z3 = all_points[:nh].reshape(nb, BLK, 2).transpose(0, 2, 1)
  tail = jnp.pad(all_points[nh:].T, ((0, 0), (0, tail_pad - n_tail)))

  grid_flat = grid.reshape(-1)
  sc_hist = pl.kernel(
      _make_sc_body(n_tail, tail_pad),
      out_type=jax.ShapeDtypeStruct((NC * NS, NBINS), jnp.float32),
      mesh=plsc.VectorSubcoreMesh(
          core_axis_name="c", subcore_axis_name="s",
          num_cores=NC, num_subcores=NS),
      compiler_params=pltpu.CompilerParams(needs_layout_passes=False),
      scratch_types=[
          pltpu.VMEM((TB, 2, BLK), jnp.float32),
          pltpu.VMEM((TB, 2, BLK), jnp.float32),
          pltpu.VMEM((2, tail_pad), jnp.float32),
          pltpu.VMEM((NBINS,), jnp.float32),
          pltpu.SemaphoreType.DMA,
          pltpu.SemaphoreType.DMA,
          pltpu.SemaphoreType.DMA,
      ],
  )
  partials = sc_hist(z3, tail)
  merge = pl.pallas_call(
      _merge_body,
      out_shape=jax.ShapeDtypeStruct((NBINS,), jnp.float32),
  )
  return merge(partials, grid_flat).reshape(GRID_N, GRID_N)

# --- scband reference (transcript-rebuilt; emitter-appended) ---
"""Pipeline reference for scband-monte-carlo-target-13314398618134 (READ-ONLY COPY).

The authoritative reference and input builder live on the scoring server;
editing this copy changes nothing except your own understanding.
"""

import jax, jax.numpy as jnp
import numpy as np

GRID_SIZE = 200
NUM_TARGET_TRAJ = 25000
TARGET_STEPS = 80


def setup_inputs(seed: int = 0) -> dict:
    key = jax.random.key(seed)
    k1, k2 = jax.random.split(key)
    n_points = NUM_TARGET_TRAJ * (TARGET_STEPS + 1)
    all_points = jax.random.uniform(k1, (n_points, 2), dtype=jnp.float32) * (GRID_SIZE - 1)
    grid = (jax.random.uniform(k2, (GRID_SIZE, GRID_SIZE)) < 0.05).astype(jnp.float32)
    return {"all_points": all_points, "grid": grid}


def reference(all_points, grid):
    # Faithful port of MonteCarloTarget.calculate_probability
    pts = jnp.clip(all_points, 0.0, GRID_SIZE - 1 - 1e-06)
    x_idx = jnp.clip((pts[:, 0] + 0.5).astype(jnp.int32), 0, GRID_SIZE - 1)
    y_idx = jnp.clip((pts[:, 1] + 0.5).astype(jnp.int32), 0, GRID_SIZE - 1)
    flat_indices = x_idx * GRID_SIZE + y_idx
    max_index = GRID_SIZE * GRID_SIZE - 1
    flat_indices = jnp.clip(flat_indices, 0, max_index)
    hist = jnp.bincount(flat_indices, minlength=GRID_SIZE ** 2, length=GRID_SIZE ** 2)
    hist = hist[: GRID_SIZE ** 2].reshape(GRID_SIZE, GRID_SIZE).astype(jnp.float32)
    target_prob = hist / float(NUM_TARGET_TRAJ * TARGET_STEPS)
    target_prob = jnp.where(grid.astype(bool), 0.0, target_prob)
    return target_prob

if __name__ == "__main__":
    import jax
    _d = setup_inputs()
    print(jax.jit(kernel)(*tuple(_d.values())))

</pallas_src>

<mosaic_0001>
#map = affine_map<(d0, d1) -> (0, 0, 0)>
#map1 = affine_map<(d0, d1) -> (0, 0)>
module attributes {stable_mosaic.version = 14 : i64} {
  func.func @_sc_hist_body(%arg0: i32, %arg1: i32, %arg2: memref<15820x2x128xf32, #tpu.memory_space<hbm>>, %arg3: memref<2x48xf32, #tpu.memory_space<hbm>>, %arg4: memref<32x40000xf32, #tpu.memory_space<hbm>>, %arg5: memref<64x2x128xf32, #tpu.memory_space<vmem>>, %arg6: memref<64x2x128xf32, #tpu.memory_space<vmem>>, %arg7: memref<2x48xf32, #tpu.memory_space<vmem>>, %arg8: memref<40000xf32, #tpu.memory_space<vmem>>, %arg9: memref<!tpu.dma_semaphore, #tpu.memory_space<semaphore_mem>>, %arg10: memref<!tpu.dma_semaphore, #tpu.memory_space<semaphore_mem>>, %arg11: memref<!tpu.dma_semaphore, #tpu.memory_space<semaphore_mem>>) attributes {dimension_semantics = [#tpu.dimension_semantics<core_parallel>, #tpu.dimension_semantics<subcore_parallel>], iteration_bounds = array<i64: 2, 16>, scalar_prefetch = 0 : i64, scratch_operands = 7 : i64, tpu.core_type = #tpu.core_type<sc_vector_subcore>, window_params = [{transform_indices = #map}, {transform_indices = #map1}, {transform_indices = #map1}]} {
    %mul3A = arith.constant 16 : i32
    %mul3A_0 = arith.muli %arg0, %mul3A : i32
    %add3A = arith.addi %mul3A_0, %arg1 : i32
    %iota3A = tpu.iota {dimensions = array<i32: 0>} : vector<16xi32>
    %broadcast_in_dim3A = arith.constant 1.000000e+00 : f32
    %broadcast_in_dim3A_1 = vector.broadcast %broadcast_in_dim3A : f32 to vector<16xf32>
    tpu.enqueue_dma source(%arg3 : memref<2x48xf32, #tpu.memory_space<hbm>>) target(%arg7 : memref<2x48xf32, #tpu.memory_space<vmem>>) target_semaphore(%arg11 : memref<!tpu.dma_semaphore, #tpu.memory_space<semaphore_mem>>)
    %add3A_2 = arith.constant 0 : i32
    %add3A_3 = arith.addi %add3A, %add3A_2 : i32
    %mul3A_4 = arith.constant 64 : i32
    %mul3A_5 = arith.muli %add3A_3, %mul3A_4 : i32
    %min3A = arith.constant 15756 : i32
    %min3A_6 = arith.minsi %mul3A_5, %min3A : i32
    %dma_start3A = arith.constant 0 : i32
    %dma_start3A_7 = arith.constant 0 : i32
    %dma_start3A_8 = tpu.memref_slice %arg2[%min3A_6, %dma_start3A, %dma_start3A_7] : memref<15820x2x128xf32, #tpu.memory_space<hbm>> -> memref<64x2x128xf32, #tpu.memory_space<hbm>>
    %dma_start3A_9 = arith.constant 0 : i32
    %dma_start3A_10 = arith.constant 0 : i32
    %dma_start3A_11 = tpu.memref_slice %arg2[%min3A_6, %dma_start3A_9, %dma_start3A_10] : memref<15820x2x128xf32, #tpu.memory_space<hbm>> -> memref<64x2x128xf32, #tpu.memory_space<hbm>>
    tpu.enqueue_dma source(%dma_start3A_11 : memref<64x2x128xf32, #tpu.memory_space<hbm>>) target(%arg5 : memref<64x2x128xf32, #tpu.memory_space<vmem>>) target_semaphore(%arg9 : memref<!tpu.dma_semaphore, #tpu.memory_space<semaphore_mem>>)
    %broadcast_in_dim3A_12 = arith.constant 0.000000e+00 : f32
    %broadcast_in_dim3A_13 = vector.broadcast %broadcast_in_dim3A_12 : f32 to vector<16xf32>
    %parallel_loop3A = arith.constant 0 : i32
    %parallel_loop3A_14 = arith.constant 2500 : i32
    %parallel_loop3A_15 = arith.constant 1 : i32
    scf.for %parallel_loop3A_228 = %parallel_loop3A to %parallel_loop3A_14 step %parallel_loop3A_15  : i32 {
      %parallel_loop3A_229 = arith.constant 16 : i32
      %parallel_loop3A_230 = arith.muli %parallel_loop3A_228, %parallel_loop3A_229 : i32
      %parallel_loop3A_231 = arith.index_cast %parallel_loop3A_230 : i32 to index
      %parallel_loop3A_232 = tpu.vector_load %arg8[%parallel_loop3A_231] {strides = array<i32>} : memref<40000xf32, #tpu.memory_space<vmem>>, vector<16xf32>,
      tpu.vector_store %arg8[%parallel_loop3A_231], %broadcast_in_dim3A_13 {strides = array<i32>} : memref<40000xf32, #tpu.memory_space<vmem>>, vector<16xf32>,
    } {sc.loop_unroll_factor = 8 : i64, sc.parallel_access}
    %add3A_16 = arith.constant 32 : i32
    %add3A_17 = arith.addi %add3A, %add3A_16 : i32
    %mul3A_18 = arith.constant 64 : i32
    %mul3A_19 = arith.muli %add3A_17, %mul3A_18 : i32
    %min3A_20 = arith.constant 15756 : i32
    %min3A_21 = arith.minsi %mul3A_19, %min3A_20 : i32
    %dma_start3A_22 = arith.constant 0 : i32
    %dma_start3A_23 = arith.constant 0 : i32
    %dma_start3A_24 = tpu.memref_slice %arg2[%min3A_21, %dma_start3A_22, %dma_start3A_23] : memref<15820x2x128xf32, #tpu.memory_space<hbm>> -> memref<64x2x128xf32, #tpu.memory_space<hbm>>
    %dma_start3A_25 = arith.constant 0 : i32
    %dma_start3A_26 = arith.constant 0 : i32
    %dma_start3A_27 = tpu.memref_slice %arg2[%min3A_21, %dma_start3A_25, %dma_start3A_26] : memref<15820x2x128xf32, #tpu.memory_space<hbm>> -> memref<64x2x128xf32, #tpu.memory_space<hbm>>
    tpu.enqueue_dma source(%dma_start3A_27 : memref<64x2x128xf32, #tpu.memory_space<hbm>>) target(%arg6 : memref<64x2x128xf32, #tpu.memory_space<vmem>>) target_semaphore(%arg10 : memref<!tpu.dma_semaphore, #tpu.memory_space<semaphore_mem>>)
    %dma_wait3A = arith.constant 0 : i32
    %dma_wait3A_28 = arith.constant 0 : i32
    %dma_wait3A_29 = tpu.memref_slice %arg2[%min3A_6, %dma_wait3A, %dma_wait3A_28] : memref<15820x2x128xf32, #tpu.memory_space<hbm>> -> memref<64x2x128xf32, #tpu.memory_space<hbm>>
    %dma_wait3A_30 = arith.constant 0 : i32
    %dma_wait3A_31 = arith.constant 0 : i32
    %dma_wait3A_32 = tpu.memref_slice %arg2[%min3A_6, %dma_wait3A_30, %dma_wait3A_31] : memref<15820x2x128xf32, #tpu.memory_space<hbm>> -> memref<64x2x128xf32, #tpu.memory_space<hbm>>
    tpu.wait_dma2 semaphore(%arg9 : memref<!tpu.dma_semaphore, #tpu.memory_space<semaphore_mem>>) src(%dma_wait3A_32 : memref<64x2x128xf32, #tpu.memory_space<hbm>>) dst(%arg5 : memref<64x2x128xf32, #tpu.memory_space<vmem>>)
    %add3A_33 = arith.constant 0 : i32
    %add3A_34 = arith.addi %add3A, %add3A_33 : i32
    %mul3A_35 = arith.constant 8192 : i32
    %mul3A_36 = arith.muli %add3A_34, %mul3A_35 : i32
    %min3A_37 = arith.constant 2016768 : i32
    %min3A_38 = arith.minsi %mul3A_36, %min3A_37 : i32
    %sub3A = arith.subi %mul3A_36, %min3A_38 : i32
    %parallel_loop3A_39 = arith.constant 0 : i32
    %parallel_loop3A_40 = arith.constant 512 : i32
    %parallel_loop3A_41 = arith.constant 1 : i32
    scf.for %parallel_loop3A_228 = %parallel_loop3A_39 to %parallel_loop3A_40 step %parallel_loop3A_41  : i32 {
      %parallel_loop3A_229 = arith.constant 3 : i32
      %parallel_loop3A_230 = arith.shrsi %parallel_loop3A_228, %parallel_loop3A_229 : i32
      %parallel_loop3A_231 = arith.constant 7 : i32
      %parallel_loop3A_232 = arith.andi %parallel_loop3A_228, %parallel_loop3A_231 : i32
      %parallel_loop3A_233 = arith.constant 16 : i32
      %parallel_loop3A_234 = arith.muli %parallel_loop3A_232, %parallel_loop3A_233 : i32
      %parallel_loop3A_235 = arith.constant 0 : i32
      %parallel_loop3A_236 = arith.index_cast %parallel_loop3A_230 : i32 to index
      %parallel_loop3A_237 = arith.index_cast %parallel_loop3A_235 : i32 to index
      %parallel_loop3A_238 = arith.index_cast %parallel_loop3A_234 : i32 to index
      %parallel_loop3A_239 = tpu.vector_load %arg5[%parallel_loop3A_236, %parallel_loop3A_237, %parallel_loop3A_238] {strides = array<i32>} : memref<64x2x128xf32, #tpu.memory_space<vmem>>, vector<16xf32>,
      %parallel_loop3A_240 = arith.constant 1 : i32
      %parallel_loop3A_241 = arith.index_cast %parallel_loop3A_230 : i32 to index
      %parallel_loop3A_242 = arith.index_cast %parallel_loop3A_240 : i32 to index
      %parallel_loop3A_243 = arith.index_cast %parallel_loop3A_234 : i32 to index
      %parallel_loop3A_244 = tpu.vector_load %arg5[%parallel_loop3A_241, %parallel_loop3A_242, %parallel_loop3A_243] {strides = array<i32>} : memref<64x2x128xf32, #tpu.memory_space<vmem>>, vector<16xf32>,
      %parallel_loop3A_245 = arith.constant 0.000000e+00 : f32
      %parallel_loop3A_246 = arith.constant 1.990000e+02 : f32
      %parallel_loop3A_247 = vector.broadcast %parallel_loop3A_245 : f32 to vector<16xf32>
      %parallel_loop3A_248 = arith.maximumf %parallel_loop3A_247, %parallel_loop3A_239 : vector<16xf32>
      %parallel_loop3A_249 = vector.broadcast %parallel_loop3A_246 : f32 to vector<16xf32>
      %parallel_loop3A_250 = arith.minimumf %parallel_loop3A_249, %parallel_loop3A_248 : vector<16xf32>
      %parallel_loop3A_251 = arith.constant 0.000000e+00 : f32
      %parallel_loop3A_252 = arith.constant 1.990000e+02 : f32
      %parallel_loop3A_253 = vector.broadcast %parallel_loop3A_251 : f32 to vector<16xf32>
      %parallel_loop3A_254 = arith.maximumf %parallel_loop3A_253, %parallel_loop3A_244 : vector<16xf32>
      %parallel_loop3A_255 = vector.broadcast %parallel_loop3A_252 : f32 to vector<16xf32>
      %parallel_loop3A_256 = arith.minimumf %parallel_loop3A_255, %parallel_loop3A_254 : vector<16xf32>
      %parallel_loop3A_257 = arith.constant 5.000000e-01 : f32
      %parallel_loop3A_258 = vector.broadcast %parallel_loop3A_257 : f32 to vector<16xf32>
      %parallel_loop3A_259 = arith.addf %parallel_loop3A_250, %parallel_loop3A_258 : vector<16xf32>
      %parallel_loop3A_260 = arith.fptosi %parallel_loop3A_259 : vector<16xf32> to vector<16xi32>
      %parallel_loop3A_261 = arith.constant 5.000000e-01 : f32
      %parallel_loop3A_262 = vector.broadcast %parallel_loop3A_261 : f32 to vector<16xf32>
      %parallel_loop3A_263 = arith.addf %parallel_loop3A_256, %parallel_loop3A_262 : vector<16xf32>
      %parallel_loop3A_264 = arith.fptosi %parallel_loop3A_263 : vector<16xf32> to vector<16xi32>
      %parallel_loop3A_265 = arith.constant 200 : i32
      %parallel_loop3A_266 = vector.broadcast %parallel_loop3A_265 : i32 to vector<16xi32>
      %parallel_loop3A_267 = arith.muli %parallel_loop3A_260, %parallel_loop3A_266 : vector<16xi32>
      %parallel_loop3A_268 = arith.addi %parallel_loop3A_267, %parallel_loop3A_264 : vector<16xi32>
      tpu.vector_store_idx %arg8[%parallel_loop3A_268], %broadcast_in_dim3A_1 {add = true} : memref<40000xf32, #tpu.memory_space<vmem>>[vector<16xi32>], vector<16xf32>,
    } {sc.loop_unroll_factor = 8 : i64, sc.parallel_access}
    %add3A_42 = arith.constant 64 : i32
    %add3A_43 = arith.addi %add3A, %add3A_42 : i32
    %mul3A_44 = arith.constant 64 : i32
    %mul3A_45 = arith.muli %add3A_43, %mul3A_44 : i32
    %min3A_46 = arith.constant 15756 : i32
    %min3A_47 = arith.minsi %mul3A_45, %min3A_46 : i32
    %dma_start3A_48 = arith.constant 0 : i32
    %dma_start3A_49 = arith.constant 0 : i32
    %dma_start3A_50 = tpu.memref_slice %arg2[%min3A_47, %dma_start3A_48, %dma_start3A_49] : memref<15820x2x128xf32, #tpu.memory_space<hbm>> -> memref<64x2x128xf32, #tpu.memory_space<hbm>>
    %dma_start3A_51 = arith.constant 0 : i32
    %dma_start3A_52 = arith.constant 0 : i32
    %dma_start3A_53 = tpu.memref_slice %arg2[%min3A_47, %dma_start3A_51, %dma_start3A_52] : memref<15820x2x128xf32, #tpu.memory_space<hbm>> -> memref<64x2x128xf32, #tpu.memory_space<hbm>>
    tpu.enqueue_dma source(%dma_start3A_53 : memref<64x2x128xf32, #tpu.memory_space<hbm>>) target(%arg5 : memref<64x2x128xf32, #tpu.memory_space<vmem>>) target_semaphore(%arg9 : memref<!tpu.dma_semaphore, #tpu.memory_space<semaphore_mem>>)
    %dma_wait3A_54 = arith.constant 0 : i32
    %dma_wait3A_55 = arith.constant 0 : i32
    %dma_wait3A_56 = tpu.memref_slice %arg2[%min3A_21, %dma_wait3A_54, %dma_wait3A_55] : memref<15820x2x128xf32, #tpu.memory_space<hbm>> -> memref<64x2x128xf32, #tpu.memory_space<hbm>>
    %dma_wait3A_57 = arith.constant 0 : i32
    %dma_wait3A_58 = arith.constant 0 : i32
    %dma_wait3A_59 = tpu.memref_slice %arg2[%min3A_21, %dma_wait3A_57, %dma_wait3A_58] : memref<15820x2x128xf32, #tpu.memory_space<hbm>> -> memref<64x2x128xf32, #tpu.memory_space<hbm>>
    tpu.wait_dma2 semaphore(%arg10 : memref<!tpu.dma_semaphore, #tpu.memory_space<semaphore_mem>>) src(%dma_wait3A_59 : memref<64x2x128xf32, #tpu.memory_space<hbm>>) dst(%arg6 : memref<64x2x128xf32, #tpu.memory_space<vmem>>)
    %add3A_60 = arith.constant 32 : i32
    %add3A_61 = arith.addi %add3A, %add3A_60 : i32
    %mul3A_62 = arith.constant 8192 : i32
    %mul3A_63 = arith.muli %add3A_61, %mul3A_62 : i32
    %min3A_64 = arith.constant 2016768 : i32
    %min3A_65 = arith.minsi %mul3A_63, %min3A_64 : i32
    %sub3A_66 = arith.subi %mul3A_63, %min3A_65 : i32
    %parallel_loop3A_67 = arith.constant 0 : i32
    %parallel_loop3A_68 = arith.constant 512 : i32
    %parallel_loop3A_69 = arith.constant 1 : i32
    scf.for %parallel_loop3A_228 = %parallel_loop3A_67 to %parallel_loop3A_68 step %parallel_loop3A_69  : i32 {
      %parallel_loop3A_229 = arith.constant 3 : i32
      %parallel_loop3A_230 = arith.shrsi %parallel_loop3A_228, %parallel_loop3A_229 : i32
      %parallel_loop3A_231 = arith.constant 7 : i32
      %parallel_loop3A_232 = arith.andi %parallel_loop3A_228, %parallel_loop3A_231 : i32
      %parallel_loop3A_233 = arith.constant 16 : i32
      %parallel_loop3A_234 = arith.muli %parallel_loop3A_232, %parallel_loop3A_233 : i32
      %parallel_loop3A_235 = arith.constant 0 : i32
      %parallel_loop3A_236 = arith.index_cast %parallel_loop3A_230 : i32 to index
      %parallel_loop3A_237 = arith.index_cast %parallel_loop3A_235 : i32 to index
      %parallel_loop3A_238 = arith.index_cast %parallel_loop3A_234 : i32 to index
      %parallel_loop3A_239 = tpu.vector_load %arg6[%parallel_loop3A_236, %parallel_loop3A_237, %parallel_loop3A_238] {strides = array<i32>} : memref<64x2x128xf32, #tpu.memory_space<vmem>>, vector<16xf32>,
      %parallel_loop3A_240 = arith.constant 1 : i32
      %parallel_loop3A_241 = arith.index_cast %parallel_loop3A_230 : i32 to index
      %parallel_loop3A_242 = arith.index_cast %parallel_loop3A_240 : i32 to index
      %parallel_loop3A_243 = arith.index_cast %parallel_loop3A_234 : i32 to index
      %parallel_loop3A_244 = tpu.vector_load %arg6[%parallel_loop3A_241, %parallel_loop3A_242, %parallel_loop3A_243] {strides = array<i32>} : memref<64x2x128xf32, #tpu.memory_space<vmem>>, vector<16xf32>,
      %parallel_loop3A_245 = arith.constant 0.000000e+00 : f32
      %parallel_loop3A_246 = arith.constant 1.990000e+02 : f32
      %parallel_loop3A_247 = vector.broadcast %parallel_loop3A_245 : f32 to vector<16xf32>
      %parallel_loop3A_248 = arith.maximumf %parallel_loop3A_247, %parallel_loop3A_239 : vector<16xf32>
      %parallel_loop3A_249 = vector.broadcast %parallel_loop3A_246 : f32 to vector<16xf32>
      %parallel_loop3A_250 = arith.minimumf %parallel_loop3A_249, %parallel_loop3A_248 : vector<16xf32>
      %parallel_loop3A_251 = arith.constant 0.000000e+00 : f32
      %parallel_loop3A_252 = arith.constant 1.990000e+02 : f32
      %parallel_loop3A_253 = vector.broadcast %parallel_loop3A_251 : f32 to vector<16xf32>
      %parallel_loop3A_254 = arith.maximumf %parallel_loop3A_253, %parallel_loop3A_244 : vector<16xf32>
      %parallel_loop3A_255 = vector.broadcast %parallel_loop3A_252 : f32 to vector<16xf32>
      %parallel_loop3A_256 = arith.minimumf %parallel_loop3A_255, %parallel_loop3A_254 : vector<16xf32>
      %parallel_loop3A_257 = arith.constant 5.000000e-01 : f32
      %parallel_loop3A_258 = vector.broadcast %parallel_loop3A_257 : f32 to vector<16xf32>
      %parallel_loop3A_259 = arith.addf %parallel_loop3A_250, %parallel_loop3A_258 : vector<16xf32>
      %parallel_loop3A_260 = arith.fptosi %parallel_loop3A_259 : vector<16xf32> to vector<16xi32>
      %parallel_loop3A_261 = arith.constant 5.000000e-01 : f32
      %parallel_loop3A_262 = vector.broadcast %parallel_loop3A_261 : f32 to vector<16xf32>
      %parallel_loop3A_263 = arith.addf %parallel_loop3A_256, %parallel_loop3A_262 : vector<16xf32>
      %parallel_loop3A_264 = arith.fptosi %parallel_loop3A_263 : vector<16xf32> to vector<16xi32>
      %parallel_loop3A_265 = arith.constant 200 : i32
      %parallel_loop3A_266 = vector.broadcast %parallel_loop3A_265 : i32 to vector<16xi32>
      %parallel_loop3A_267 = arith.muli %parallel_loop3A_260, %parallel_loop3A_266 : vector<16xi32>
      %parallel_loop3A_268 = arith.addi %parallel_loop3A_267, %parallel_loop3A_264 : vector<16xi32>
      tpu.vector_store_idx %arg8[%parallel_loop3A_268], %broadcast_in_dim3A_1 {add = true} : memref<40000xf32, #tpu.memory_space<vmem>>[vector<16xi32>], vector<16xf32>,
    } {sc.loop_unroll_factor = 8 : i64, sc.parallel_access}
    %add3A_70 = arith.constant 96 : i32
    %add3A_71 = arith.addi %add3A, %add3A_70 : i32
    %mul3A_72 = arith.constant 64 : i32
    %mul3A_73 = arith.muli %add3A_71, %mul3A_72 : i32
    %min3A_74 = arith.constant 15756 : i32
    %min3A_75 = arith.minsi %mul3A_73, %min3A_74 : i32
    %dma_start3A_76 = arith.constant 0 : i32
    %dma_start3A_77 = arith.constant 0 : i32
    %dma_start3A_78 = tpu.memref_slice %arg2[%min3A_75, %dma_start3A_76, %dma_start3A_77] : memref<15820x2x128xf32, #tpu.memory_space<hbm>> -> memref<64x2x128xf32, #tpu.memory_space<hbm>>
    %dma_start3A_79 = arith.constant 0 : i32
    %dma_start3A_80 = arith.constant 0 : i32
    %dma_start3A_81 = tpu.memref_slice %arg2[%min3A_75, %dma_start3A_79, %dma_start3A_80] : memref<15820x2x128xf32, #tpu.memory_space<hbm>> -> memref<64x2x128xf32, #tpu.memory_space<hbm>>
    tpu.enqueue_dma source(%dma_start3A_81 : memref<64x2x128xf32, #tpu.memory_space<hbm>>) target(%arg6 : memref<64x2x128xf32, #tpu.memory_space<vmem>>) target_semaphore(%arg10 : memref<!tpu.dma_semaphore, #tpu.memory_space<semaphore_mem>>)
    %dma_wait3A_82 = arith.constant 0 : i32
    %dma_wait3A_83 = arith.constant 0 : i32
    %dma_wait3A_84 = tpu.memref_slice %arg2[%min3A_47, %dma_wait3A_82, %dma_wait3A_83] : memref<15820x2x128xf32, #tpu.memory_space<hbm>> -> memref<64x2x128xf32, #tpu.memory_space<hbm>>
    %dma_wait3A_85 = arith.constant 0 : i32
    %dma_wait3A_86 = arith.constant 0 : i32
    %dma_wait3A_87 = tpu.memref_slice %arg2[%min3A_47, %dma_wait3A_85, %dma_wait3A_86] : memref<15820x2x128xf32, #tpu.memory_space<hbm>> -> memref<64x2x128xf32, #tpu.memory_space<hbm>>
    tpu.wait_dma2 semaphore(%arg9 : memref<!tpu.dma_semaphore, #tpu.memory_space<semaphore_mem>>) src(%dma_wait3A_87 : memref<64x2x128xf32, #tpu.memory_space<hbm>>) dst(%arg5 : memref<64x2x128xf32, #tpu.memory_space<vmem>>)
    %add3A_88 = arith.constant 64 : i32
    %add3A_89 = arith.addi %add3A, %add3A_88 : i32
    %mul3A_90 = arith.constant 8192 : i32
    %mul3A_91 = arith.muli %add3A_89, %mul3A_90 : i32
    %min3A_92 = arith.constant 2016768 : i32
    %min3A_93 = arith.minsi %mul3A_91, %min3A_92 : i32
    %sub3A_94 = arith.subi %mul3A_91, %min3A_93 : i32
    %parallel_loop3A_95 = arith.constant 0 : i32
    %parallel_loop3A_96 = arith.constant 512 : i32
    %parallel_loop3A_97 = arith.constant 1 : i32
    scf.for %parallel_loop3A_228 = %parallel_loop3A_95 to %parallel_loop3A_96 step %parallel_loop3A_97  : i32 {
      %parallel_loop3A_229 = arith.constant 3 : i32
      %parallel_loop3A_230 = arith.shrsi %parallel_loop3A_228, %parallel_loop3A_229 : i32
      %parallel_loop3A_231 = arith.constant 7 : i32
      %parallel_loop3A_232 = arith.andi %parallel_loop3A_228, %parallel_loop3A_231 : i32
      %parallel_loop3A_233 = arith.constant 16 : i32
      %parallel_loop3A_234 = arith.muli %parallel_loop3A_232, %parallel_loop3A_233 : i32
      %parallel_loop3A_235 = arith.constant 0 : i32
      %parallel_loop3A_236 = arith.index_cast %parallel_loop3A_230 : i32 to index
      %parallel_loop3A_237 = arith.index_cast %parallel_loop3A_235 : i32 to index
      %parallel_loop3A_238 = arith.index_cast %parallel_loop3A_234 : i32 to index
      %parallel_loop3A_239 = tpu.vector_load %arg5[%parallel_loop3A_236, %parallel_loop3A_237, %parallel_loop3A_238] {strides = array<i32>} : memref<64x2x128xf32, #tpu.memory_space<vmem>>, vector<16xf32>,
      %parallel_loop3A_240 = arith.constant 1 : i32
      %parallel_loop3A_241 = arith.index_cast %parallel_loop3A_230 : i32 to index
      %parallel_loop3A_242 = arith.index_cast %parallel_loop3A_240 : i32 to index
      %parallel_loop3A_243 = arith.index_cast %parallel_loop3A_234 : i32 to index
      %parallel_loop3A_244 = tpu.vector_load %arg5[%parallel_loop3A_241, %parallel_loop3A_242, %parallel_loop3A_243] {strides = array<i32>} : memref<64x2x128xf32, #tpu.memory_space<vmem>>, vector<16xf32>,
      %parallel_loop3A_245 = arith.constant 0.000000e+00 : f32
      %parallel_loop3A_246 = arith.constant 1.990000e+02 : f32
      %parallel_loop3A_247 = vector.broadcast %parallel_loop3A_245 : f32 to vector<16xf32>
      %parallel_loop3A_248 = arith.maximumf %parallel_loop3A_247, %parallel_loop3A_239 : vector<16xf32>
      %parallel_loop3A_249 = vector.broadcast %parallel_loop3A_246 : f32 to vector<16xf32>
      %parallel_loop3A_250 = arith.minimumf %parallel_loop3A_249, %parallel_loop3A_248 : vector<16xf32>
      %parallel_loop3A_251 = arith.constant 0.000000e+00 : f32
      %parallel_loop3A_252 = arith.constant 1.990000e+02 : f32
      %parallel_loop3A_253 = vector.broadcast %parallel_loop3A_251 : f32 to vector<16xf32>
      %parallel_loop3A_254 = arith.maximumf %parallel_loop3A_253, %parallel_loop3A_244 : vector<16xf32>
      %parallel_loop3A_255 = vector.broadcast %parallel_loop3A_252 : f32 to vector<16xf32>
      %parallel_loop3A_256 = arith.minimumf %parallel_loop3A_255, %parallel_loop3A_254 : vector<16xf32>
      %parallel_loop3A_257 = arith.constant 5.000000e-01 : f32
      %parallel_loop3A_258 = vector.broadcast %parallel_loop3A_257 : f32 to vector<16xf32>
      %parallel_loop3A_259 = arith.addf %parallel_loop3A_250, %parallel_loop3A_258 : vector<16xf32>
      %parallel_loop3A_260 = arith.fptosi %parallel_loop3A_259 : vector<16xf32> to vector<16xi32>
      %parallel_loop3A_261 = arith.constant 5.000000e-01 : f32
      %parallel_loop3A_262 = vector.broadcast %parallel_loop3A_261 : f32 to vector<16xf32>
      %parallel_loop3A_263 = arith.addf %parallel_loop3A_256, %parallel_loop3A_262 : vector<16xf32>
      %parallel_loop3A_264 = arith.fptosi %parallel_loop3A_263 : vector<16xf32> to vector<16xi32>
      %parallel_loop3A_265 = arith.constant 200 : i32
      %parallel_loop3A_266 = vector.broadcast %parallel_loop3A_265 : i32 to vector<16xi32>
      %parallel_loop3A_267 = arith.muli %parallel_loop3A_260, %parallel_loop3A_266 : vector<16xi32>
      %parallel_loop3A_268 = arith.addi %parallel_loop3A_267, %parallel_loop3A_264 : vector<16xi32>
      tpu.vector_store_idx %arg8[%parallel_loop3A_268], %broadcast_in_dim3A_1 {add = true} : memref<40000xf32, #tpu.memory_space<vmem>>[vector<16xi32>], vector<16xf32>,
    } {sc.loop_unroll_factor = 8 : i64, sc.parallel_access}
    %add3A_98 = arith.constant 128 : i32
    %add3A_99 = arith.addi %add3A, %add3A_98 : i32
    %mul3A_100 = arith.constant 64 : i32
    %mul3A_101 = arith.muli %add3A_99, %mul3A_100 : i32
    %min3A_102 = arith.constant 15756 : i32
    %min3A_103 = arith.minsi %mul3A_101, %min3A_102 : i32
    %dma_start3A_104 = arith.constant 0 : i32
    %dma_start3A_105 = arith.constant 0 : i32
    %dma_start3A_106 = tpu.memref_slice %arg2[%min3A_103, %dma_start3A_104, %dma_start3A_105] : memref<15820x2x128xf32, #tpu.memory_space<hbm>> -> memref<64x2x128xf32, #tpu.memory_space<hbm>>
    %dma_start3A_107 = arith.constant 0 : i32
    %dma_start3A_108 = arith.constant 0 : i32
    %dma_start3A_109 = tpu.memref_slice %arg2[%min3A_103, %dma_start3A_107, %dma_start3A_108] : memref<15820x2x128xf32, #tpu.memory_space<hbm>> -> memref<64x2x128xf32, #tpu.memory_space<hbm>>
    tpu.enqueue_dma source(%dma_start3A_109 : memref<64x2x128xf32, #tpu.memory_space<hbm>>) target(%arg5 : memref<64x2x128xf32, #tpu.memory_space<vmem>>) target_semaphore(%arg9 : memref<!tpu.dma_semaphore, #tpu.memory_space<semaphore_mem>>)
    %dma_wait3A_110 = arith.constant 0 : i32
    %dma_wait3A_111 = arith.constant 0 : i32
    %dma_wait3A_112 = tpu.memref_slice %arg2[%min3A_75, %dma_wait3A_110, %dma_wait3A_111] : memref<15820x2x128xf32, #tpu.memory_space<hbm>> -> memref<64x2x128xf32, #tpu.memory_space<hbm>>
    %dma_wait3A_113 = arith.constant 0 : i32
    %dma_wait3A_114 = arith.constant 0 : i32
    %dma_wait3A_115 = tpu.memref_slice %arg2[%min3A_75, %dma_wait3A_113, %dma_wait3A_114] : memref<15820x2x128xf32, #tpu.memory_space<hbm>> -> memref<64x2x128xf32, #tpu.memory_space<hbm>>
    tpu.wait_dma2 semaphore(%arg10 : memref<!tpu.dma_semaphore, #tpu.memory_space<semaphore_mem>>) src(%dma_wait3A_115 : memref<64x2x128xf32, #tpu.memory_space<hbm>>) dst(%arg6 : memref<64x2x128xf32, #tpu.memory_space<vmem>>)
    %add3A_116 = arith.constant 96 : i32
    %add3A_117 = arith.addi %add3A, %add3A_116 : i32
    %mul3A_118 = arith.constant 8192 : i32
    %mul3A_119 = arith.muli %add3A_117, %mul3A_118 : i32
    %min3A_120 = arith.constant 2016768 : i32
    %min3A_121 = arith.minsi %mul3A_119, %min3A_120 : i32
    %sub3A_122 = arith.subi %mul3A_119, %min3A_121 : i32
    %parallel_loop3A_123 = arith.constant 0 : i32
    %parallel_loop3A_124 = arith.constant 512 : i32
    %parallel_loop3A_125 = arith.constant 1 : i32
    scf.for %parallel_loop3A_228 = %parallel_loop3A_123 to %parallel_loop3A_124 step %parallel_loop3A_125  : i32 {
      %parallel_loop3A_229 = arith.constant 3 : i32
      %parallel_loop3A_230 = arith.shrsi %parallel_loop3A_228, %parallel_loop3A_229 : i32
      %parallel_loop3A_231 = arith.constant 7 : i32
      %parallel_loop3A_232 = arith.andi %parallel_loop3A_228, %parallel_loop3A_231 : i32
      %parallel_loop3A_233 = arith.constant 16 : i32
      %parallel_loop3A_234 = arith.muli %parallel_loop3A_232, %parallel_loop3A_233 : i32
      %parallel_loop3A_235 = arith.constant 0 : i32
      %parallel_loop3A_236 = arith.index_cast %parallel_loop3A_230 : i32 to index
      %parallel_loop3A_237 = arith.index_cast %parallel_loop3A_235 : i32 to index
      %parallel_loop3A_238 = arith.index_cast %parallel_loop3A_234 : i32 to index
      %parallel_loop3A_239 = tpu.vector_load %arg6[%parallel_loop3A_236, %parallel_loop3A_237, %parallel_loop3A_238] {strides = array<i32>} : memref<64x2x128xf32, #tpu.memory_space<vmem>>, vector<16xf32>,
      %parallel_loop3A_240 = arith.constant 1 : i32
      %parallel_loop3A_241 = arith.index_cast %parallel_loop3A_230 : i32 to index
      %parallel_loop3A_242 = arith.index_cast %parallel_loop3A_240 : i32 to index
      %parallel_loop3A_243 = arith.index_cast %parallel_loop3A_234 : i32 to index
      %parallel_loop3A_244 = tpu.vector_load %arg6[%parallel_loop3A_241, %parallel_loop3A_242, %parallel_loop3A_243] {strides = array<i32>} : memref<64x2x128xf32, #tpu.memory_space<vmem>>, vector<16xf32>,
      %parallel_loop3A_245 = arith.constant 0.000000e+00 : f32
      %parallel_loop3A_246 = arith.constant 1.990000e+02 : f32
      %parallel_loop3A_247 = vector.broadcast %parallel_loop3A_245 : f32 to vector<16xf32>
      %parallel_loop3A_248 = arith.maximumf %parallel_loop3A_247, %parallel_loop3A_239 : vector<16xf32>
      %parallel_loop3A_249 = vector.broadcast %parallel_loop3A_246 : f32 to vector<16xf32>
      %parallel_loop3A_250 = arith.minimumf %parallel_loop3A_249, %parallel_loop3A_248 : vector<16xf32>
      %parallel_loop3A_251 = arith.constant 0.000000e+00 : f32
      %parallel_loop3A_252 = arith.constant 1.990000e+02 : f32
      %parallel_loop3A_253 = vector.broadcast %parallel_loop3A_251 : f32 to vector<16xf32>
      %parallel_loop3A_254 = arith.maximumf %parallel_loop3A_253, %parallel_loop3A_244 : vector<16xf32>
      %parallel_loop3A_255 = vector.broadcast %parallel_loop3A_252 : f32 to vector<16xf32>
      %parallel_loop3A_256 = arith.minimumf %parallel_loop3A_255, %parallel_loop3A_254 : vector<16xf32>
      %parallel_loop3A_257 = arith.constant 5.000000e-01 : f32
      %parallel_loop3A_258 = vector.broadcast %parallel_loop3A_257 : f32 to vector<16xf32>
      %parallel_loop3A_259 = arith.addf %parallel_loop3A_250, %parallel_loop3A_258 : vector<16xf32>
      %parallel_loop3A_260 = arith.fptosi %parallel_loop3A_259 : vector<16xf32> to vector<16xi32>
      %parallel_loop3A_261 = arith.constant 5.000000e-01 : f32
      %parallel_loop3A_262 = vector.broadcast %parallel_loop3A_261 : f32 to vector<16xf32>
      %parallel_loop3A_263 = arith.addf %parallel_loop3A_256, %parallel_loop3A_262 : vector<16xf32>
      %parallel_loop3A_264 = arith.fptosi %parallel_loop3A_263 : vector<16xf32> to vector<16xi32>
      %parallel_loop3A_265 = arith.constant 200 : i32
      %parallel_loop3A_266 = vector.broadcast %parallel_loop3A_265 : i32 to vector<16xi32>
      %parallel_loop3A_267 = arith.muli %parallel_loop3A_260, %parallel_loop3A_266 : vector<16xi32>
      %parallel_loop3A_268 = arith.addi %parallel_loop3A_267, %parallel_loop3A_264 : vector<16xi32>
      tpu.vector_store_idx %arg8[%parallel_loop3A_268], %broadcast_in_dim3A_1 {add = true} : memref<40000xf32, #tpu.memory_space<vmem>>[vector<16xi32>], vector<16xf32>,
    } {sc.loop_unroll_factor = 8 : i64, sc.parallel_access}
    %add3A_126 = arith.constant 160 : i32
    %add3A_127 = arith.addi %add3A, %add3A_126 : i32
    %mul3A_128 = arith.constant 64 : i32
    %mul3A_129 = arith.muli %add3A_127, %mul3A_128 : i32
    %min3A_130 = arith.constant 15756 : i32
    %min3A_131 = arith.minsi %mul3A_129, %min3A_130 : i32
    %dma_start3A_132 = arith.constant 0 : i32
    %dma_start3A_133 = arith.constant 0 : i32
    %dma_start3A_134 = tpu.memref_slice %arg2[%min3A_131, %dma_start3A_132, %dma_start3A_133] : memref<15820x2x128xf32, #tpu.memory_space<hbm>> -> memref<64x2x128xf32, #tpu.memory_space<hbm>>
    %dma_start3A_135 = arith.constant 0 : i32
    %dma_start3A_136 = arith.constant 0 : i32
    %dma_start3A_137 = tpu.memref_slice %arg2[%min3A_131, %dma_start3A_135, %dma_start3A_136] : memref<15820x2x128xf32, #tpu.memory_space<hbm>> -> memref<64x2x128xf32, #tpu.memory_space<hbm>>
    tpu.enqueue_dma source(%dma_start3A_137 : memref<64x2x128xf32, #tpu.memory_space<hbm>>) target(%arg6 : memref<64x2x128xf32, #tpu.memory_space<vmem>>) target_semaphore(%arg10 : memref<!tpu.dma_semaphore, #tpu.memory_space<semaphore_mem>>)
    %dma_wait3A_138 = arith.constant 0 : i32
    %dma_wait3A_139 = arith.constant 0 : i32
    %dma_wait3A_140 = tpu.memref_slice %arg2[%min3A_103, %dma_wait3A_138, %dma_wait3A_139] : memref<15820x2x128xf32, #tpu.memory_space<hbm>> -> memref<64x2x128xf32, #tpu.memory_space<hbm>>
    %dma_wait3A_141 = arith.constant 0 : i32
    %dma_wait3A_142 = arith.constant 0 : i32
    %dma_wait3A_143 = tpu.memref_slice %arg2[%min3A_103, %dma_wait3A_141, %dma_wait3A_142] : memref<15820x2x128xf32, #tpu.memory_space<hbm>> -> memref<64x2x128xf32, #tpu.memory_space<hbm>>
    tpu.wait_dma2 semaphore(%arg9 : memref<!tpu.dma_semaphore, #tpu.memory_space<semaphore_mem>>) src(%dma_wait3A_143 : memref<64x2x128xf32, #tpu.memory_space<hbm>>) dst(%arg5 : memref<64x2x128xf32, #tpu.memory_space<vmem>>)
    %add3A_144 = arith.constant 128 : i32
    %add3A_145 = arith.addi %add3A, %add3A_144 : i32
    %mul3A_146 = arith.constant 8192 : i32
    %mul3A_147 = arith.muli %add3A_145, %mul3A_146 : i32
    %min3A_148 = arith.constant 2016768 : i32
    %min3A_149 = arith.minsi %mul3A_147, %min3A_148 : i32
    %sub3A_150 = arith.subi %mul3A_147, %min3A_149 : i32
    %parallel_loop3A_151 = arith.constant 0 : i32
    %parallel_loop3A_152 = arith.constant 512 : i32
    %parallel_loop3A_153 = arith.constant 1 : i32
    scf.for %parallel_loop3A_228 = %parallel_loop3A_151 to %parallel_loop3A_152 step %parallel_loop3A_153  : i32 {
      %parallel_loop3A_229 = arith.constant 3 : i32
      %parallel_loop3A_230 = arith.shrsi %parallel_loop3A_228, %parallel_loop3A_229 : i32
      %parallel_loop3A_231 = arith.constant 7 : i32
      %parallel_loop3A_232 = arith.andi %parallel_loop3A_228, %parallel_loop3A_231 : i32
      %parallel_loop3A_233 = arith.constant 16 : i32
      %parallel_loop3A_234 = arith.muli %parallel_loop3A_232, %parallel_loop3A_233 : i32
      %parallel_loop3A_235 = arith.constant 0 : i32
      %parallel_loop3A_236 = arith.index_cast %parallel_loop3A_230 : i32 to index
      %parallel_loop3A_237 = arith.index_cast %parallel_loop3A_235 : i32 to index
      %parallel_loop3A_238 = arith.index_cast %parallel_loop3A_234 : i32 to index
      %parallel_loop3A_239 = tpu.vector_load %arg5[%parallel_loop3A_236, %parallel_loop3A_237, %parallel_loop3A_238] {strides = array<i32>} : memref<64x2x128xf32, #tpu.memory_space<vmem>>, vector<16xf32>,
      %parallel_loop3A_240 = arith.constant 1 : i32
      %parallel_loop3A_241 = arith.index_cast %parallel_loop3A_230 : i32 to index
      %parallel_loop3A_242 = arith.index_cast %parallel_loop3A_240 : i32 to index
      %parallel_loop3A_243 = arith.index_cast %parallel_loop3A_234 : i32 to index
      %parallel_loop3A_244 = tpu.vector_load %arg5[%parallel_loop3A_241, %parallel_loop3A_242, %parallel_loop3A_243] {strides = array<i32>} : memref<64x2x128xf32, #tpu.memory_space<vmem>>, vector<16xf32>,
      %parallel_loop3A_245 = arith.constant 0.000000e+00 : f32
      %parallel_loop3A_246 = arith.constant 1.990000e+02 : f32
      %parallel_loop3A_247 = vector.broadcast %parallel_loop3A_245 : f32 to vector<16xf32>
      %parallel_loop3A_248 = arith.maximumf %parallel_loop3A_247, %parallel_loop3A_239 : vector<16xf32>
      %parallel_loop3A_249 = vector.broadcast %parallel_loop3A_246 : f32 to vector<16xf32>
      %parallel_loop3A_250 = arith.minimumf %parallel_loop3A_249, %parallel_loop3A_248 : vector<16xf32>
      %parallel_loop3A_251 = arith.constant 0.000000e+00 : f32
      %parallel_loop3A_252 = arith.constant 1.990000e+02 : f32
      %parallel_loop3A_253 = vector.broadcast %parallel_loop3A_251 : f32 to vector<16xf32>
      %parallel_loop3A_254 = arith.maximumf %parallel_loop3A_253, %parallel_loop3A_244 : vector<16xf32>
      %parallel_loop3A_255 = vector.broadcast %parallel_loop3A_252 : f32 to vector<16xf32>
      %parallel_loop3A_256 = arith.minimumf %parallel_loop3A_255, %parallel_loop3A_254 : vector<16xf32>
      %parallel_loop3A_257 = arith.constant 5.000000e-01 : f32
      %parallel_loop3A_258 = vector.broadcast %parallel_loop3A_257 : f32 to vector<16xf32>
      %parallel_loop3A_259 = arith.addf %parallel_loop3A_250, %parallel_loop3A_258 : vector<16xf32>
      %parallel_loop3A_260 = arith.fptosi %parallel_loop3A_259 : vector<16xf32> to vector<16xi32>
      %parallel_loop3A_261 = arith.constant 5.000000e-01 : f32
      %parallel_loop3A_262 = vector.broadcast %parallel_loop3A_261 : f32 to vector<16xf32>
      %parallel_loop3A_263 = arith.addf %parallel_loop3A_256, %parallel_loop3A_262 : vector<16xf32>
      %parallel_loop3A_264 = arith.fptosi %parallel_loop3A_263 : vector<16xf32> to vector<16xi32>
      %parallel_loop3A_265 = arith.constant 200 : i32
      %parallel_loop3A_266 = vector.broadcast %parallel_loop3A_265 : i32 to vector<16xi32>
      %parallel_loop3A_267 = arith.muli %parallel_loop3A_260, %parallel_loop3A_266 : vector<16xi32>
      %parallel_loop3A_268 = arith.addi %parallel_loop3A_267, %parallel_loop3A_264 : vector<16xi32>
      tpu.vector_store_idx %arg8[%parallel_loop3A_268], %broadcast_in_dim3A_1 {add = true} : memref<40000xf32, #tpu.memory_space<vmem>>[vector<16xi32>], vector<16xf32>,
    } {sc.loop_unroll_factor = 8 : i64, sc.parallel_access}
    %add3A_154 = arith.constant 192 : i32
    %add3A_155 = arith.addi %add3A, %add3A_154 : i32
    %mul3A_156 = arith.constant 64 : i32
    %mul3A_157 = arith.muli %add3A_155, %mul3A_156 : i32
    %min3A_158 = arith.constant 15756 : i32
    %min3A_159 = arith.minsi %mul3A_157, %min3A_158 : i32
    %dma_start3A_160 = arith.constant 0 : i32
    %dma_start3A_161 = arith.constant 0 : i32
    %dma_start3A_162 = tpu.memref_slice %arg2[%min3A_159, %dma_start3A_160, %dma_start3A_161] : memref<15820x2x128xf32, #tpu.memory_space<hbm>> -> memref<64x2x128xf32, #tpu.memory_space<hbm>>
    %dma_start3A_163 = arith.constant 0 : i32
    %dma_start3A_164 = arith.constant 0 : i32
    %dma_start3A_165 = tpu.memref_slice %arg2[%min3A_159, %dma_start3A_163, %dma_start3A_164] : memref<15820x2x128xf32, #tpu.memory_space<hbm>> -> memref<64x2x128xf32, #tpu.memory_space<hbm>>
    tpu.enqueue_dma source(%dma_start3A_165 : memref<64x2x128xf32, #tpu.memory_space<hbm>>) target(%arg5 : memref<64x2x128xf32, #tpu.memory_space<vmem>>) target_semaphore(%arg9 : memref<!tpu.dma_semaphore, #tpu.memory_space<semaphore_mem>>)
    %dma_wait3A_166 = arith.constant 0 : i32
    %dma_wait3A_167 = arith.constant 0 : i32
    %dma_wait3A_168 = tpu.memref_slice %arg2[%min3A_131, %dma_wait3A_166, %dma_wait3A_167] : memref<15820x2x128xf32, #tpu.memory_space<hbm>> -> memref<64x2x128xf32, #tpu.memory_space<hbm>>
    %dma_wait3A_169 = arith.constant 0 : i32
    %dma_wait3A_170 = arith.constant 0 : i32
    %dma_wait3A_171 = tpu.memref_slice %arg2[%min3A_131, %dma_wait3A_169, %dma_wait3A_170] : memref<15820x2x128xf32, #tpu.memory_space<hbm>> -> memref<64x2x128xf32, #tpu.memory_space<hbm>>
    tpu.wait_dma2 semaphore(%arg10 : memref<!tpu.dma_semaphore, #tpu.memory_space<semaphore_mem>>) src(%dma_wait3A_171 : memref<64x2x128xf32, #tpu.memory_space<hbm>>) dst(%arg6 : memref<64x2x128xf32, #tpu.memory_space<vmem>>)
    %add3A_172 = arith.constant 160 : i32
    %add3A_173 = arith.addi %add3A, %add3A_172 : i32
    %mul3A_174 = arith.constant 8192 : i32
    %mul3A_175 = arith.muli %add3A_173, %mul3A_174 : i32
    %min3A_176 = arith.constant 2016768 : i32
    %min3A_177 = arith.minsi %mul3A_175, %min3A_176 : i32
    %sub3A_178 = arith.subi %mul3A_175, %min3A_177 : i32
    %parallel_loop3A_179 = arith.constant 0 : i32
    %parallel_loop3A_180 = arith.constant 512 : i32
    %parallel_loop3A_181 = arith.constant 1 : i32
    scf.for %parallel_loop3A_228 = %parallel_loop3A_179 to %parallel_loop3A_180 step %parallel_loop3A_181  : i32 {
      %parallel_loop3A_229 = arith.constant 3 : i32
      %parallel_loop3A_230 = arith.shrsi %parallel_loop3A_228, %parallel_loop3A_229 : i32
      %parallel_loop3A_231 = arith.constant 7 : i32
      %parallel_loop3A_232 = arith.andi %parallel_loop3A_228, %parallel_loop3A_231 : i32
      %parallel_loop3A_233 = arith.constant 16 : i32
      %parallel_loop3A_234 = arith.muli %parallel_loop3A_232, %parallel_loop3A_233 : i32
      %parallel_loop3A_235 = arith.constant 0 : i32
      %parallel_loop3A_236 = arith.index_cast %parallel_loop3A_230 : i32 to index
      %parallel_loop3A_237 = arith.index_cast %parallel_loop3A_235 : i32 to index
      %parallel_loop3A_238 = arith.index_cast %parallel_loop3A_234 : i32 to index
      %parallel_loop3A_239 = tpu.vector_load %arg6[%parallel_loop3A_236, %parallel_loop3A_237, %parallel_loop3A_238] {strides = array<i32>} : memref<64x2x128xf32, #tpu.memory_space<vmem>>, vector<16xf32>,
      %parallel_loop3A_240 = arith.constant 1 : i32
      %parallel_loop3A_241 = arith.index_cast %parallel_loop3A_230 : i32 to index
      %parallel_loop3A_242 = arith.index_cast %parallel_loop3A_240 : i32 to index
      %parallel_loop3A_243 = arith.index_cast %parallel_loop3A_234 : i32 to index
      %parallel_loop3A_244 = tpu.vector_load %arg6[%parallel_loop3A_241, %parallel_loop3A_242, %parallel_loop3A_243] {strides = array<i32>} : memref<64x2x128xf32, #tpu.memory_space<vmem>>, vector<16xf32>,
      %parallel_loop3A_245 = arith.constant 0.000000e+00 : f32
      %parallel_loop3A_246 = arith.constant 1.990000e+02 : f32
      %parallel_loop3A_247 = vector.broadcast %parallel_loop3A_245 : f32 to vector<16xf32>
      %parallel_loop3A_248 = arith.maximumf %parallel_loop3A_247, %parallel_loop3A_239 : vector<16xf32>
      %parallel_loop3A_249 = vector.broadcast %parallel_loop3A_246 : f32 to vector<16xf32>
      %parallel_loop3A_250 = arith.minimumf %parallel_loop3A_249, %parallel_loop3A_248 : vector<16xf32>
      %parallel_loop3A_251 = arith.constant 0.000000e+00 : f32
      %parallel_loop3A_252 = arith.constant 1.990000e+02 : f32
      %parallel_loop3A_253 = vector.broadcast %parallel_loop3A_251 : f32 to vector<16xf32>
      %parallel_loop3A_254 = arith.maximumf %parallel_loop3A_253, %parallel_loop3A_244 : vector<16xf32>
      %parallel_loop3A_255 = vector.broadcast %parallel_loop3A_252 : f32 to vector<16xf32>
      %parallel_loop3A_256 = arith.minimumf %parallel_loop3A_255, %parallel_loop3A_254 : vector<16xf32>
      %parallel_loop3A_257 = arith.constant 5.000000e-01 : f32
      %parallel_loop3A_258 = vector.broadcast %parallel_loop3A_257 : f32 to vector<16xf32>
      %parallel_loop3A_259 = arith.addf %parallel_loop3A_250, %parallel_loop3A_258 : vector<16xf32>
      %parallel_loop3A_260 = arith.fptosi %parallel_loop3A_259 : vector<16xf32> to vector<16xi32>
      %parallel_loop3A_261 = arith.constant 5.000000e-01 : f32
      %parallel_loop3A_262 = vector.broadcast %parallel_loop3A_261 : f32 to vector<16xf32>
      %parallel_loop3A_263 = arith.addf %parallel_loop3A_256, %parallel_loop3A_262 : vector<16xf32>
      %parallel_loop3A_264 = arith.fptosi %parallel_loop3A_263 : vector<16xf32> to vector<16xi32>
      %parallel_loop3A_265 = arith.constant 200 : i32
      %parallel_loop3A_266 = vector.broadcast %parallel_loop3A_265 : i32 to vector<16xi32>
      %parallel_loop3A_267 = arith.muli %parallel_loop3A_260, %parallel_loop3A_266 : vector<16xi32>
      %parallel_loop3A_268 = arith.addi %parallel_loop3A_267, %parallel_loop3A_264 : vector<16xi32>
      tpu.vector_store_idx %arg8[%parallel_loop3A_268], %broadcast_in_dim3A_1 {add = true} : memref<40000xf32, #tpu.memory_space<vmem>>[vector<16xi32>], vector<16xf32>,
    } {sc.loop_unroll_factor = 8 : i64, sc.parallel_access}
    %add3A_182 = arith.constant 224 : i32
    %add3A_183 = arith.addi %add3A, %add3A_182 : i32
    %mul3A_184 = arith.constant 64 : i32
    %mul3A_185 = arith.muli %add3A_183, %mul3A_184 : i32
    %min3A_186 = arith.constant 15756 : i32
    %min3A_187 = arith.minsi %mul3A_185, %min3A_186 : i32
    %dma_start3A_188 = arith.constant 0 : i32
    %dma_start3A_189 = arith.constant 0 : i32
    %dma_start3A_190 = tpu.memref_slice %arg2[%min3A_187, %dma_start3A_188, %dma_start3A_189] : memref<15820x2x128xf32, #tpu.memory_space<hbm>> -> memref<64x2x128xf32, #tpu.memory_space<hbm>>
    %dma_start3A_191 = arith.constant 0 : i32
    %dma_start3A_192 = arith.constant 0 : i32
    %dma_start3A_193 = tpu.memref_slice %arg2[%min3A_187, %dma_start3A_191, %dma_start3A_192] : memref<15820x2x128xf32, #tpu.memory_space<hbm>> -> memref<64x2x128xf32, #tpu.memory_space<hbm>>
    tpu.enqueue_dma source(%dma_start3A_193 : memref<64x2x128xf32, #tpu.memory_space<hbm>>) target(%arg6 : memref<64x2x128xf32, #tpu.memory_space<vmem>>) target_semaphore(%arg10 : memref<!tpu.dma_semaphore, #tpu.memory_space<semaphore_mem>>)
    %dma_wait3A_194 = arith.constant 0 : i32
    %dma_wait3A_195 = arith.constant 0 : i32
    %dma_wait3A_196 = tpu.memref_slice %arg2[%min3A_159, %dma_wait3A_194, %dma_wait3A_195] : memref<15820x2x128xf32, #tpu.memory_space<hbm>> -> memref<64x2x128xf32, #tpu.memory_space<hbm>>
    %dma_wait3A_197 = arith.constant 0 : i32
    %dma_wait3A_198 = arith.constant 0 : i32
    %dma_wait3A_199 = tpu.memref_slice %arg2[%min3A_159, %dma_wait3A_197, %dma_wait3A_198] : memref<15820x2x128xf32, #tpu.memory_space<hbm>> -> memref<64x2x128xf32, #tpu.memory_space<hbm>>
    tpu.wait_dma2 semaphore(%arg9 : memref<!tpu.dma_semaphore, #tpu.memory_space<semaphore_mem>>) src(%dma_wait3A_199 : memref<64x2x128xf32, #tpu.memory_space<hbm>>) dst(%arg5 : memref<64x2x128xf32, #tpu.memory_space<vmem>>)
    %add3A_200 = arith.constant 192 : i32
    %add3A_201 = arith.addi %add3A, %add3A_200 : i32
    %mul3A_202 = arith.constant 8192 : i32
    %mul3A_203 = arith.muli %add3A_201, %mul3A_202 : i32
    %min3A_204 = arith.constant 2016768 : i32
    %min3A_205 = arith.minsi %mul3A_203, %min3A_204 : i32
    %sub3A_206 = arith.subi %mul3A_203, %min3A_205 : i32
    %parallel_loop3A_207 = arith.constant 0 : i32
    %parallel_loop3A_208 = arith.constant 512 : i32
    %parallel_loop3A_209 = arith.constant 1 : i32
    scf.for %parallel_loop3A_228 = %parallel_loop3A_207 to %parallel_loop3A_208 step %parallel_loop3A_209  : i32 {
      %parallel_loop3A_229 = arith.constant 3 : i32
      %parallel_loop3A_230 = arith.shrsi %parallel_loop3A_228, %parallel_loop3A_229 : i32
      %parallel_loop3A_231 = arith.constant 7 : i32
      %parallel_loop3A_232 = arith.andi %parallel_loop3A_228, %parallel_loop3A_231 : i32
      %parallel_loop3A_233 = arith.constant 16 : i32
      %parallel_loop3A_234 = arith.muli %parallel_loop3A_232, %parallel_loop3A_233 : i32
      %parallel_loop3A_235 = arith.constant 0 : i32
      %parallel_loop3A_236 = arith.index_cast %parallel_loop3A_230 : i32 to index
      %parallel_loop3A_237 = arith.index_cast %parallel_loop3A_235 : i32 to index
      %parallel_loop3A_238 = arith.index_cast %parallel_loop3A_234 : i32 to index
      %parallel_loop3A_239 = tpu.vector_load %arg5[%parallel_loop3A_236, %parallel_loop3A_237, %parallel_loop3A_238] {strides = array<i32>} : memref<64x2x128xf32, #tpu.memory_space<vmem>>, vector<16xf32>,
      %parallel_loop3A_240 = arith.constant 1 : i32
      %parallel_loop3A_241 = arith.index_cast %parallel_loop3A_230 : i32 to index
      %parallel_loop3A_242 = arith.index_cast %parallel_loop3A_240 : i32 to index
      %parallel_loop3A_243 = arith.index_cast %parallel_loop3A_234 : i32 to index
      %parallel_loop3A_244 = tpu.vector_load %arg5[%parallel_loop3A_241, %parallel_loop3A_242, %parallel_loop3A_243] {strides = array<i32>} : memref<64x2x128xf32, #tpu.memory_space<vmem>>, vector<16xf32>,
      %parallel_loop3A_245 = arith.constant 0.000000e+00 : f32
      %parallel_loop3A_246 = arith.constant 1.990000e+02 : f32
      %parallel_loop3A_247 = vector.broadcast %parallel_loop3A_245 : f32 to vector<16xf32>
      %parallel_loop3A_248 = arith.maximumf %parallel_loop3A_247, %parallel_loop3A_239 : vector<16xf32>
      %parallel_loop3A_249 = vector.broadcast %parallel_loop3A_246 : f32 to vector<16xf32>
      %parallel_loop3A_250 = arith.minimumf %parallel_loop3A_249, %parallel_loop3A_248 : vector<16xf32>
      %parallel_loop3A_251 = arith.constant 0.000000e+00 : f32
      %parallel_loop3A_252 = arith.constant 1.990000e+02 : f32
      %parallel_loop3A_253 = vector.broadcast %parallel_loop3A_251 : f32 to vector<16xf32>
      %parallel_loop3A_254 = arith.maximumf %parallel_loop3A_253, %parallel_loop3A_244 : vector<16xf32>
      %parallel_loop3A_255 = vector.broadcast %parallel_loop3A_252 : f32 to vector<16xf32>
      %parallel_loop3A_256 = arith.minimumf %parallel_loop3A_255, %parallel_loop3A_254 : vector<16xf32>
      %parallel_loop3A_257 = arith.constant 5.000000e-01 : f32
      %parallel_loop3A_258 = vector.broadcast %parallel_loop3A_257 : f32 to vector<16xf32>
      %parallel_loop3A_259 = arith.addf %parallel_loop3A_250, %parallel_loop3A_258 : vector<16xf32>
      %parallel_loop3A_260 = arith.fptosi %parallel_loop3A_259 : vector<16xf32> to vector<16xi32>
      %parallel_loop3A_261 = arith.constant 5.000000e-01 : f32
      %parallel_loop3A_262 = vector.broadcast %parallel_loop3A_261 : f32 to vector<16xf32>
      %parallel_loop3A_263 = arith.addf %parallel_loop3A_256, %parallel_loop3A_262 : vector<16xf32>
      %parallel_loop3A_264 = arith.fptosi %parallel_loop3A_263 : vector<16xf32> to vector<16xi32>
      %parallel_loop3A_265 = arith.constant 200 : i32
      %parallel_loop3A_266 = vector.broadcast %parallel_loop3A_265 : i32 to vector<16xi32>
      %parallel_loop3A_267 = arith.muli %parallel_loop3A_260, %parallel_loop3A_266 : vector<16xi32>
      %parallel_loop3A_268 = arith.addi %parallel_loop3A_267, %parallel_loop3A_264 : vector<16xi32>
      tpu.vector_store_idx %arg8[%parallel_loop3A_268], %broadcast_in_dim3A_1 {add = true} : memref<40000xf32, #tpu.memory_space<vmem>>[vector<16xi32>], vector<16xf32>,
    } {sc.loop_unroll_factor = 8 : i64, sc.parallel_access}
    %dma_wait3A_210 = arith.constant 0 : i32
    %dma_wait3A_211 = arith.constant 0 : i32
    %dma_wait3A_212 = tpu.memref_slice %arg2[%min3A_187, %dma_wait3A_210, %dma_wait3A_211] : memref<15820x2x128xf32, #tpu.memory_space<hbm>> -> memref<64x2x128xf32, #tpu.memory_space<hbm>>
    %dma_wait3A_213 = arith.constant 0 : i32
    %dma_wait3A_214 = arith.constant 0 : i32
    %dma_wait3A_215 = tpu.memref_slice %arg2[%min3A_187, %dma_wait3A_213, %dma_wait3A_214] : memref<15820x2x128xf32, #tpu.memory_space<hbm>> -> memref<64x2x128xf32, #tpu.memory_space<hbm>>
    tpu.wait_dma2 semaphore(%arg10 : memref<!tpu.dma_semaphore, #tpu.memory_space<semaphore_mem>>) src(%dma_wait3A_215 : memref<64x2x128xf32, #tpu.memory_space<hbm>>) dst(%arg6 : memref<64x2x128xf32, #tpu.memory_space<vmem>>)
    %add3A_216 = arith.constant 224 : i32
    %add3A_217 = arith.addi %add3A, %add3A_216 : i32
    %mul3A_218 = arith.constant 8192 : i32
    %mul3A_219 = arith.muli %add3A_217, %mul3A_218 : i32
    %min3A_220 = arith.constant 2016768 : i32
    %min3A_221 = arith.minsi %mul3A_219, %min3A_220 : i32
    %sub3A_222 = arith.subi %mul3A_219, %min3A_221 : i32
    %parallel_loop3A_223 = arith.constant 0 : i32
    %parallel_loop3A_224 = arith.constant 512 : i32
    %parallel_loop3A_225 = arith.constant 1 : i32
    scf.for %parallel_loop3A_228 = %parallel_loop3A_223 to %parallel_loop3A_224 step %parallel_loop3A_225  : i32 {
      %parallel_loop3A_229 = arith.constant 3 : i32
      %parallel_loop3A_230 = arith.shrsi %parallel_loop3A_228, %parallel_loop3A_229 : i32
      %parallel_loop3A_231 = arith.constant 7 : i32
      %parallel_loop3A_232 = arith.andi %parallel_loop3A_228, %parallel_loop3A_231 : i32
      %parallel_loop3A_233 = arith.constant 16 : i32
      %parallel_loop3A_234 = arith.muli %parallel_loop3A_232, %parallel_loop3A_233 : i32
      %parallel_loop3A_235 = arith.constant 0 : i32
      %parallel_loop3A_236 = arith.index_cast %parallel_loop3A_230 : i32 to index
      %parallel_loop3A_237 = arith.index_cast %parallel_loop3A_235 : i32 to index
      %parallel_loop3A_238 = arith.index_cast %parallel_loop3A_234 : i32 to index
      %parallel_loop3A_239 = tpu.vector_load %arg6[%parallel_loop3A_236, %parallel_loop3A_237, %parallel_loop3A_238] {strides = array<i32>} : memref<64x2x128xf32, #tpu.memory_space<vmem>>, vector<16xf32>,
      %parallel_loop3A_240 = arith.constant 1 : i32
      %parallel_loop3A_241 = arith.index_cast %parallel_loop3A_230 : i32 to index
      %parallel_loop3A_242 = arith.index_cast %parallel_loop3A_240 : i32 to index
      %parallel_loop3A_243 = arith.index_cast %parallel_loop3A_234 : i32 to index
      %parallel_loop3A_244 = tpu.vector_load %arg6[%parallel_loop3A_241, %parallel_loop3A_242, %parallel_loop3A_243] {strides = array<i32>} : memref<64x2x128xf32, #tpu.memory_space<vmem>>, vector<16xf32>,
      %parallel_loop3A_245 = arith.constant 0.000000e+00 : f32
      %parallel_loop3A_246 = arith.constant 1.990000e+02 : f32
      %parallel_loop3A_247 = vector.broadcast %parallel_loop3A_245 : f32 to vector<16xf32>
      %parallel_loop3A_248 = arith.maximumf %parallel_loop3A_247, %parallel_loop3A_239 : vector<16xf32>
      %parallel_loop3A_249 = vector.broadcast %parallel_loop3A_246 : f32 to vector<16xf32>
      %parallel_loop3A_250 = arith.minimumf %parallel_loop3A_249, %parallel_loop3A_248 : vector<16xf32>
      %parallel_loop3A_251 = arith.constant 0.000000e+00 : f32
      %parallel_loop3A_252 = arith.constant 1.990000e+02 : f32
      %parallel_loop3A_253 = vector.broadcast %parallel_loop3A_251 : f32 to vector<16xf32>
      %parallel_loop3A_254 = arith.maximumf %parallel_loop3A_253, %parallel_loop3A_244 : vector<16xf32>
      %parallel_loop3A_255 = vector.broadcast %parallel_loop3A_252 : f32 to vector<16xf32>
      %parallel_loop3A_256 = arith.minimumf %parallel_loop3A_255, %parallel_loop3A_254 : vector<16xf32>
      %parallel_loop3A_257 = arith.constant 5.000000e-01 : f32
      %parallel_loop3A_258 = vector.broadcast %parallel_loop3A_257 : f32 to vector<16xf32>
      %parallel_loop3A_259 = arith.addf %parallel_loop3A_250, %parallel_loop3A_258 : vector<16xf32>
      %parallel_loop3A_260 = arith.fptosi %parallel_loop3A_259 : vector<16xf32> to vector<16xi32>
      %parallel_loop3A_261 = arith.constant 5.000000e-01 : f32
      %parallel_loop3A_262 = vector.broadcast %parallel_loop3A_261 : f32 to vector<16xf32>
      %parallel_loop3A_263 = arith.addf %parallel_loop3A_256, %parallel_loop3A_262 : vector<16xf32>
      %parallel_loop3A_264 = arith.fptosi %parallel_loop3A_263 : vector<16xf32> to vector<16xi32>
      %parallel_loop3A_265 = arith.constant 200 : i32
      %parallel_loop3A_266 = vector.broadcast %parallel_loop3A_265 : i32 to vector<16xi32>
      %parallel_loop3A_267 = arith.muli %parallel_loop3A_260, %parallel_loop3A_266 : vector<16xi32>
      %parallel_loop3A_268 = arith.addi %parallel_loop3A_267, %parallel_loop3A_264 : vector<16xi32>
      %parallel_loop3A_269 = arith.constant 16 : i32
      %parallel_loop3A_270 = arith.muli %parallel_loop3A_228, %parallel_loop3A_269 : i32
      %parallel_loop3A_271 = vector.broadcast %parallel_loop3A_270 : i32 to vector<16xi32>
      %parallel_loop3A_272 = arith.addi %parallel_loop3A_271, %iota3A : vector<16xi32>
      %parallel_loop3A_273 = vector.broadcast %sub3A_222 : i32 to vector<16xi32>
      %parallel_loop3A_274 = arith.cmpi sge, %parallel_loop3A_272, %parallel_loop3A_273 : vector<16xi32>
      tpu.vector_store_idx %arg8[%parallel_loop3A_268], %broadcast_in_dim3A_1 masked %parallel_loop3A_274 {add = true} : memref<40000xf32, #tpu.memory_space<vmem>>[vector<16xi32>], vector<16xf32>, vector<16xi1>
    } {sc.loop_unroll_factor = 8 : i64, sc.parallel_access}
    tpu.wait_dma2 semaphore(%arg11 : memref<!tpu.dma_semaphore, #tpu.memory_space<semaphore_mem>>) src(%arg3 : memref<2x48xf32, #tpu.memory_space<hbm>>) dst(%arg7 : memref<2x48xf32, #tpu.memory_space<vmem>>)
    %eq3A = arith.constant 0 : i32
    %eq3A_226 = arith.cmpi eq, %add3A, %eq3A : i32
    %convert_element_type3A = arith.extui %eq3A_226 : i1 to i32
    %cond3A = arith.constant 0 : i32
    %cond3A_227 = arith.cmpi ne, %convert_element_type3A, %cond3A : i32
    scf.if %cond3A_227 {
      %parallel_loop3A_228 = arith.constant 0 : i32
      %parallel_loop3A_229 = arith.constant 3 : i32
      %parallel_loop3A_230 = arith.constant 1 : i32
      scf.for %parallel_loop3A_231 = %parallel_loop3A_228 to %parallel_loop3A_229 step %parallel_loop3A_230  : i32 {
        %parallel_loop3A_232 = arith.constant 16 : i32
        %parallel_loop3A_233 = arith.muli %parallel_loop3A_231, %parallel_loop3A_232 : i32
        %parallel_loop3A_234 = arith.constant 0 : i32
        %parallel_loop3A_235 = arith.index_cast %parallel_loop3A_234 : i32 to index
        %parallel_loop3A_236 = arith.index_cast %parallel_loop3A_233 : i32 to index
        %parallel_loop3A_237 = tpu.vector_load %arg7[%parallel_loop3A_235, %parallel_loop3A_236] {strides = array<i32>} : memref<2x48xf32, #tpu.memory_space<vmem>>, vector<16xf32>,
        %parallel_loop3A_238 = arith.constant 16 : i32
        %parallel_loop3A_239 = arith.muli %parallel_loop3A_231, %parallel_loop3A_238 : i32
        %parallel_loop3A_240 = arith.constant 1 : i32
        %parallel_loop3A_241 = arith.index_cast %parallel_loop3A_240 : i32 to index
        %parallel_loop3A_242 = arith.index_cast %parallel_loop3A_239 : i32 to index
        %parallel_loop3A_243 = tpu.vector_load %arg7[%parallel_loop3A_241, %parallel_loop3A_242] {strides = array<i32>} : memref<2x48xf32, #tpu.memory_space<vmem>>, vector<16xf32>,
        %parallel_loop3A_244 = arith.constant 0.000000e+00 : f32
        %parallel_loop3A_245 = arith.constant 1.990000e+02 : f32
        %parallel_loop3A_246 = vector.broadcast %parallel_loop3A_244 : f32 to vector<16xf32>
        %parallel_loop3A_247 = arith.maximumf %parallel_loop3A_246, %parallel_loop3A_237 : vector<16xf32>
        %parallel_loop3A_248 = vector.broadcast %parallel_loop3A_245 : f32 to vector<16xf32>
        %parallel_loop3A_249 = arith.minimumf %parallel_loop3A_248, %parallel_loop3A_247 : vector<16xf32>
        %parallel_loop3A_250 = arith.constant 0.000000e+00 : f32
        %parallel_loop3A_251 = arith.constant 1.990000e+02 : f32
        %parallel_loop3A_252 = vector.broadcast %parallel_loop3A_250 : f32 to vector<16xf32>
        %parallel_loop3A_253 = arith.maximumf %parallel_loop3A_252, %parallel_loop3A_243 : vector<16xf32>
        %parallel_loop3A_254 = vector.broadcast %parallel_loop3A_251 : f32 to vector<16xf32>
        %parallel_loop3A_255 = arith.minimumf %parallel_loop3A_254, %parallel_loop3A_253 : vector<16xf32>
        %parallel_loop3A_256 = arith.constant 5.000000e-01 : f32
        %parallel_loop3A_257 = vector.broadcast %parallel_loop3A_256 : f32 to vector<16xf32>
        %parallel_loop3A_258 = arith.addf %parallel_loop3A_249, %parallel_loop3A_257 : vector<16xf32>
        %parallel_loop3A_259 = arith.fptosi %parallel_loop3A_258 : vector<16xf32> to vector<16xi32>
        %parallel_loop3A_260 = arith.constant 5.000000e-01 : f32
        %parallel_loop3A_261 = vector.broadcast %parallel_loop3A_260 : f32 to vector<16xf32>
        %parallel_loop3A_262 = arith.addf %parallel_loop3A_255, %parallel_loop3A_261 : vector<16xf32>
        %parallel_loop3A_263 = arith.fptosi %parallel_loop3A_262 : vector<16xf32> to vector<16xi32>
        %parallel_loop3A_264 = arith.constant 200 : i32
        %parallel_loop3A_265 = vector.broadcast %parallel_loop3A_264 : i32 to vector<16xi32>
        %parallel_loop3A_266 = arith.muli %parallel_loop3A_259, %parallel_loop3A_265 : vector<16xi32>
        %parallel_loop3A_267 = arith.addi %parallel_loop3A_266, %parallel_loop3A_263 : vector<16xi32>
        %parallel_loop3A_268 = arith.constant 16 : i32
        %parallel_loop3A_269 = arith.muli %parallel_loop3A_231, %parallel_loop3A_268 : i32
        %parallel_loop3A_270 = vector.broadcast %parallel_loop3A_269 : i32 to vector<16xi32>
        %parallel_loop3A_271 = arith.addi %parallel_loop3A_270, %iota3A : vector<16xi32>
        %parallel_loop3A_272 = arith.constant 40 : i32
        %parallel_loop3A_273 = vector.broadcast %parallel_loop3A_272 : i32 to vector<16xi32>
        %parallel_loop3A_274 = arith.cmpi slt, %parallel_loop3A_271, %parallel_loop3A_273 : vector<16xi32>
        tpu.vector_store_idx %arg8[%parallel_loop3A_267], %broadcast_in_dim3A_1 masked %parallel_loop3A_274 {add = true} : memref<40000xf32, #tpu.memory_space<vmem>>[vector<16xi32>], vector<16xf32>, vector<16xi1>
      } {sc.loop_unroll_factor = 1 : i64, sc.parallel_access}
    } else {
    }
    "tpu.region"() ({
      %run_scoped3A = tpu.sem_alloc : memref<!tpu.dma_semaphore, #tpu.memory_space<semaphore_mem>>
      %dma_start3A_228 = arith.constant 0 : i32
      %dma_start3A_229 = tpu.memref_slice %arg4[%add3A, %dma_start3A_228] : memref<32x40000xf32, #tpu.memory_space<hbm>> -> memref<1x40000xf32, #tpu.memory_space<hbm>>
      %dma_start3A_230 = tpu.memref_squeeze %dma_start3A_229 : memref<1x40000xf32, #tpu.memory_space<hbm>> -> memref<40000xf32, #tpu.memory_space<hbm>>
      %dma_start3A_231 = arith.constant 0 : i32
      %dma_start3A_232 = tpu.memref_slice %arg4[%add3A, %dma_start3A_231] : memref<32x40000xf32, #tpu.memory_space<hbm>> -> memref<1x40000xf32, #tpu.memory_space<hbm>>
      %dma_start3A_233 = tpu.memref_squeeze %dma_start3A_232 : memref<1x40000xf32, #tpu.memory_space<hbm>> -> memref<40000xf32, #tpu.memory_space<hbm>>
      tpu.enqueue_dma source(%arg8 : memref<40000xf32, #tpu.memory_space<vmem>>) target(%dma_start3A_233 : memref<40000xf32, #tpu.memory_space<hbm>>) target_semaphore(%run_scoped3A : memref<!tpu.dma_semaphore, #tpu.memory_space<semaphore_mem>>)
      %dma_wait3A_234 = arith.constant 0 : i32
      %dma_wait3A_235 = tpu.memref_slice %arg4[%add3A, %dma_wait3A_234] : memref<32x40000xf32, #tpu.memory_space<hbm>> -> memref<1x40000xf32, #tpu.memory_space<hbm>>
      %dma_wait3A_236 = tpu.memref_squeeze %dma_wait3A_235 : memref<1x40000xf32, #tpu.memory_space<hbm>> -> memref<40000xf32, #tpu.memory_space<hbm>>
      %dma_wait3A_237 = arith.constant 0 : i32
      %dma_wait3A_238 = tpu.memref_slice %arg4[%add3A, %dma_wait3A_237] : memref<32x40000xf32, #tpu.memory_space<hbm>> -> memref<1x40000xf32, #tpu.memory_space<hbm>>
      %dma_wait3A_239 = tpu.memref_squeeze %dma_wait3A_238 : memref<1x40000xf32, #tpu.memory_space<hbm>> -> memref<40000xf32, #tpu.memory_space<hbm>>
      tpu.wait_dma2 semaphore(%run_scoped3A : memref<!tpu.dma_semaphore, #tpu.memory_space<semaphore_mem>>) src(%arg8 : memref<40000xf32, #tpu.memory_space<vmem>>) dst(%dma_wait3A_239 : memref<40000xf32, #tpu.memory_space<hbm>>)
      tpu.yield
    }) : () -> ()
    return
  }
}

module attributes {stable_mosaic.version = 14 : i64} {
  func.func @_merge_body(%arg0: memref<32x40000xf32, #tpu.memory_space<vmem>>, %arg1: memref<40000xf32, #tpu.memory_space<vmem>>, %arg2: memref<40000xf32, #tpu.memory_space<vmem>>) attributes {dimension_semantics = [], scalar_prefetch = 0 : i64, scratch_operands = 0 : i64, tpu.core_type = #tpu.core_type<tc>} {
    %get3A = arith.constant 0 : index
    %get3A_0 = arith.constant 0 : index
    %get3A_1 = vector.load %arg0[%get3A, %get3A_0] : memref<32x40000xf32, #tpu.memory_space<vmem>>, vector<32x40000xf32>
    %reduce_sum3A = arith.constant dense<0.000000e+00> : vector<40000xf32>
    %reduce_sum3A_2 = vector.multi_reduction <add>, %get3A_1, %reduce_sum3A [0] : vector<32x40000xf32> to vector<40000xf32>
    %div3A = arith.constant 2.000000e+06 : f32
    %div3A_3 = vector.broadcast %div3A : f32 to vector<40000xf32>
    %div3A_4 = arith.divf %reduce_sum3A_2, %div3A_3 : vector<40000xf32>
    %get3A_5 = arith.constant 0 : index
    %get3A_6 = vector.load %arg1[%get3A_5] : memref<40000xf32, #tpu.memory_space<vmem>>, vector<40000xf32>
    %ne3A = arith.constant 0.000000e+00 : f32
    %ne3A_7 = vector.broadcast %ne3A : f32 to vector<40000xf32>
    %ne3A_8 = arith.cmpf one, %get3A_6, %ne3A_7 : vector<40000xf32>
    %jit3A = arith.constant 0.000000e+00 : f32
    %broadcast_in_dim3A = vector.broadcast %jit3A : f32 to vector<40000xf32>
    %select_n3A = arith.select %ne3A_8, %broadcast_in_dim3A, %div3A_4 : vector<40000xi1>, vector<40000xf32>
    %swap3A = arith.constant 0 : index
    %swap3A_9 = vector.load %arg2[%swap3A] : memref<40000xf32, #tpu.memory_space<vmem>>, vector<40000xf32>
    tpu.vector_store %arg2[%swap3A], %select_n3A {strides = array<i32>} : memref<40000xf32, #tpu.memory_space<vmem>>, vector<40000xf32>,
    return
  }
}

</mosaic_0001>

<sc_bundles>
// kernel: kernel.4.cloned.1.call-start
scs
__scs_entry_jumppad:
0x0: {  	(pc) =	sbr.rel $0x88, $3  }
0x1: {  	(tag) =	ssettag $0x0;
	lr =	simm.s32 $0x1  }
0x2: {  	[smem:$0x3F9F] =	sst lr;
	_ =	strace $0xD0000000  }
0x3: {  	_ = 	snop  }
0x4: {  	_ = 	snop  }
0x5: {  	_ = 	snop  }
0x6: {  	_ = 	snop  }
0x7: {  	_ = 	snop  }
__scs_overlays_trampoline_lowered:
0x8: {  	[smem:$0x3FAE] =	sst s0  }
0x9: {  	[smem:$0x3FAF] =	sst s1  }
0xa: {  	[smem:$0x3FB0] =	sst s2  }
0xb: {  	[smem:$0x3FB1] =	sst s3  }
0xc: {  	[smem:$0x3FB2] =	sst s4  }
0xd: {  	[smem:$0x3FB3] =	sst s5  }
0xe: {  	[smem:$0x3FB4] =	sst s6  }
0xf: {  	[smem:$0x3FB5] =	sst s7  }
0x10: {  	[smem:$0x3FB6] =	sst s8  }
0x11: {  	[smem:$0x3FB7] =	sst s9;
	s0 =	simm.s32 @!p0 $0x0  }
0x12: {  	s1 =	sld [smem:$0x3F9D];
	s0 =	simm.s32 @p0 $0x1  }
0x13: {  	[smem:$0x3FB8] =	sst s0;
	s0 =	simm.s32 @!p1 $0x0  }
0x14: {  	s2 =	sld [smem:$0x3F9C];
	s0 =	simm.s32 @p1 $0x1  }
0x15: {  	[smem:$0x3FB9] =	sst s0;
	s0 =	simm.s32 @!p2 $0x0  }
0x16: {  	s3 =	sld [smem:$0x3FDB];
	s0 =	simm.s32 @p2 $0x1  }
0x17: {  	s4 =	simm.s32 $0x1BF5;
	[smem:$0x3FBB] =	sst s0  }
0x18: {  	s0 =	sld [smem:$0x3F9E];
	_ =	swait.ge [sflag:s4], $0x0  }
0x19: {  	s7 =	sld [smem:$0x3F9F]  }
0x1a: {  	s8 =	sadd.s32 $0xFFFFE003, lr  }
0x1b: {  	s9 =	sadd.s32 $0xFFFFFEF7, lr;
	s5 =	simm.s32 $0xFFFFFFFF;
	p2 =	slt.u32 s8, $0xFFFFF086  }
0x1c: {  	p1 =	slt.u32 s9, $0xF7A;
	s5 =	simm.s32 @!p2 $0x0  }
0x1d: {  	s5 =	simm.s32 @p1 $0x1;
	p0 =	seq.s32 s7, s2  }
0x1e: {  	s7 =	smul.u32 @!p0 $0xF7A, s2;
	p2 =	seq.s32 @!p0 s5, $0x0  }
0x1f: {  	s9 =	smul.u32 $0xF7A, s1;
	s8 =	simm.s32 @!p0 $0x1BF5;
	p2 =	por !p2, p0  }
0x20: {  	[sflag:s8] =	ssyncset.s32 @!p0 $0xFFFFF086;
	s6 =	sadd.s32 @!p0 s3, s7;
	s7 =	simm.s32 @!p0 $0x108  }
0x21: {  	s3 =	sadd.s32 s3, s9;
	s6 =	sadd.s32 @!p0 $0x88, s6;
	s7 =	simm.s32 @p2 $0x1082  }
0x22: {  	[simem:s7], [sflag:s8] =	dma.local @!p0 [hbm:s6], $0xF7A  }
0x23: {  	s9 =	sor.u32 $0xD0000000, s2;
	s6 =	simm.s32 $0x108;
	_ =	swait.ge @!p0 [sflag:s8], $0x0  }
0x24: {  	s3 =	sadd.s32 $0x88, s3;
	s6 =	simm.s32 @!p1 $0x1082;
	[sflag:s4] =	ssyncset.s32 $0xFFFFF086  }
0x25: {  	[simem:s6], [sflag:s4] =	dma.local [hbm:s3], $0xF7A  }
0x26: {  	[smem:$0x3F9F] =	sst s1;
	(tag) =	ssettag s2;
	_ =	strace s9  }
0x27: {  	s1 =	sld [smem:$0x3FAF]  }
0x28: {  	s2 =	sld [smem:$0x3FB0]  }
0x29: {  	s4 =	sld [smem:$0x3FB2]  }
0x2a: {  	p0 =	seq.s32 s5, $0x0;
	s5 =	sld [smem:$0x3FB3]  }
0x2b: {  	s6 =	sld [smem:$0x3FB4]  }
0x2c: {  	s7 =	sld [smem:$0x3FB5]  }
0x2d: {  	s3 =	simm.s32 $0x108;
	s8 =	sld [smem:$0x3FB6]  }
0x2e: {  	s3 =	simm.s32 @!p0 $0x1082;
	s9 =	sld [smem:$0x3FB7]  }
0x2f: {  	lr =	sadd.s32 s0, s3;
	s0 =	sld [smem:$0x3FAE]  }
0x30: {  	s3 =	sld [smem:$0x3FB1]  }
0x31: {  	[smem:$0x3FBA] =	sst s10  }
0x32: {  	s10 =	sld [smem:$0x3FB8];
	_ =	sdelay $0x3  }
0x33: {  	p0 =	seq.s32 s10, $0x1;
	s10 =	sld [smem:$0x3FBA];
	_ =	sdelay $0x3  }
0x34: {  	[smem:$0x3FBA] =	sst s10  }
0x35: {  	s10 =	sld [smem:$0x3FB9];
	_ =	sdelay $0x3  }
0x36: {  	p1 =	seq.s32 s10, $0x1;
	s10 =	sld [smem:$0x3FBA];
	_ =	sdelay $0x3  }
0x37: {  	[smem:$0x3FBA] =	sst s10  }
0x38: {  	s10 =	sld [smem:$0x3FBB]  }
0x39: {  	_ = 	snop;
	(pc) =	sbr.ind lr, $3  }
0x3a: {  	_ = 	snop  }
0x3b: {  	_ = 	snop  }
0x3c: {  	p2 =	seq.s32 s10, $0x1;
	s10 =	sld [smem:$0x3FBA]  }
0x3d: {  	_ =	shalt  }
0x3e: {  	_ =	shalt  }
0x3f: {  	_ =	shalt  }
0x40: {  	_ =	shalt  }
0x41: {  	_ =	shalt  }
0x42: {  	_ =	shalt  }
0x43: {  	_ =	shalt  }
0x44: {  	_ =	shalt  }
0x45: {  	_ =	shalt  }
0x46: {  	_ =	shalt  }
0x47: {  	_ =	shalt  }
0x48: {  	_ =	shalt  }
0x49: {  	_ =	shalt  }
0x4a: {  	_ =	shalt  }
0x4b: {  	_ =	shalt  }
0x4c: {  	_ =	shalt  }
0x4d: {  	_ =	shalt  }
0x4e: {  	_ =	shalt  }
0x4f: {  	_ =	shalt  }
0x50: {  	_ =	shalt  }
0x51: {  	_ =	shalt  }
0x52: {  	_ =	shalt  }
0x53: {  	_ =	shalt  }
0x54: {  	_ =	shalt  }
0x55: {  	_ =	shalt  }
0x56: {  	_ =	shalt  }
0x57: {  	_ =	shalt  }
0x58: {  	_ =	shalt  }
0x59: {  	_ =	shalt  }
0x5a: {  	_ =	shalt  }
0x5b: {  	_ =	shalt  }
0x5c: {  	_ =	shalt  }
0x5d: {  	_ =	shalt  }
0x5e: {  	_ =	shalt  }
0x5f: {  	_ =	shalt  }
0x60: {  	_ =	shalt  }
0x61: {  	_ =	shalt  }
0x62: {  	_ =	shalt  }
0x63: {  	_ =	shalt  }
0x64: {  	_ =	shalt  }
0x65: {  	_ =	shalt  }
0x66: {  	_ =	shalt  }
0x67: {  	_ =	shalt  }
0x68: {  	_ =	shalt  }
0x69: {  	_ =	shalt  }
0x6a: {  	_ =	shalt  }
0x6b: {  	_ =	shalt  }
0x6c: {  	_ =	shalt  }
0x6d: {  	_ =	shalt  }
0x6e: {  	_ =	shalt  }
0x6f: {  	_ =	shalt  }
0x70: {  	_ =	shalt  }
0x71: {  	_ =	shalt  }
0x72: {  	_ =	shalt  }
0x73: {  	_ =	shalt  }
0x74: {  	_ =	shalt  }
0x75: {  	_ =	shalt  }
0x76: {  	_ =	shalt  }
0x77: {  	_ =	shalt  }
0x78: {  	_ =	shalt  }
0x79: {  	_ =	shalt  }
0x7a: {  	_ =	shalt  }
0x7b: {  	_ =	shalt  }
0x7c: {  	_ =	shalt  }
0x7d: {  	_ =	shalt  }
0x7e: {  	_ =	shalt  }
0x7f: {  	_ =	shalt  }
0x80: {  	_ =	shalt  }
0x81: {  	_ =	shalt  }
0x82: {  	_ =	shalt  }
0x83: {  	_ =	shalt  }
0x84: {  	_ =	shalt  }
0x85: {  	_ =	shalt  }
0x86: {  	_ =	shalt  }
0x87: {  	_ =	shalt  }
.Lfunc_end0:
.L_simem_size_0:
called_computation_lowered:
.L_overlay_start_0:
0x88: {  	s2 =	sld [smem:$0x3FD9]  }
0x89: {  	s3 =	sld [smem:$0x3FFE];
	_ =	sdelay $0x1  }
0x8a: {  	s1 =	srdreg.scid  }
0x8b: {  	s0 =	sand.u32 $0x1, s1  }
0x8c: {  	s17 =	sshll.u32 s0, $0xA;
	s2 =	sadd.s32 s3, s2  }
0x8d: {  	s2 =	sadd.s32 s2, s17  }
0x8e: {  	[smem:$0x3FC6] =	sst s2  }
0x8f: {  	_ = 	snop  }
0x90: {  	s2 =	sld [smem:$0x3FD0];
	(tm) =	ssettm $0x1  }
0x91: {  	s18 =	sld [smem:$0x3FFB];
	_ =	sdelay $0x3  }
0x92: {  	_ =	strace s18  }
0x93: {  	s3 =	sld [smem:$0x3FFC];
	_ =	sdelay $0x3  }
0x94: {  	_ =	strace s3  }
0x95: {  	s3 =	sld [smem:$0x3FFD];
	_ =	sdelay $0x3  }
0x96: {  	_ =	strace s3  }
0x97: {  	_ =	strace $0x8FFFFFFF  }
0x98: {  	s19 =	sld [smem:$0x3FDB];
	_ =	sdelay $0x1  }
0x99: {  	s4 =	simm.s32 $_scs_section_size  }
0x9a: {  	s5 =	simm.s32 $_size__tile_overlayer_lowered;
	s6 =	simm.s32 $_tile_overlayer_lowered  }
0x9b: {  	s22 =	simm.s32 $0x1BFF;
	s21 =	sshll.u32 s6, $0x1;
	s3 =	sadd.s32 s4, s19  }
0x9c: {  	s7 =	simm.s32 $0x0;
	s20 =	sshll.u32 s5, $0x1;
	s5 =	sadd.s32 s21, s3  }
0x9d: {  	[timem:s7], [sflag:s22] =	dma.local [hbm:s5], s20  }
0x9e: {  	_ =	swait.ge [sflag:s22], s20  }
0x9f: {  	s4 =	ssub.s32 $0x0, s20;
	[sflag:s22] =	ssyncset.done $0x0  }
0xa0: {  	[sflag:s22] =	ssyncadd.s32 s4;
	_ =	sdelay $0x1  }
0xa1: {  	s23 =	simm.s32 $0x1B8B  }
0xa2: {  	_ =	swait.ge [sflag:s23], $0x1  }
0xa3: {  	[sflag:s23] =	ssyncset.done $0x0  }
0xa4: {  	s25 =	simm.s32 $0x1B8E;
	s24 =	sld [smem:$0x3FFE];
	[sflag:s23] =	ssyncadd.s32 $0xFFFFFFFF  }
0xa5: {  	s26 =	simm.s32 $execute0_lowered;
	[smem:$0x3FD2] =	sst s25  }
0xa6: {  	s5 =	sshll.u32 s26, $0x1;
	_ =	strace $0x80000046;
	[dreg:$0x1] =	wrdreg $0xFFFFFFFF  }
0xa7: {  	s28 =	simm.s32 $_size_execute0_lowered;
	s3 =	sadd.s32 s3, s5;
	[dreg:$0x0] =	wrdreg $0x0  }
0xa8: {  	s5 =	sshll.u32 s28, $0x1;
	[dreg:$0x2] =	wrdreg s3  }
0xa9: {  	[dreg:$0x3] =	wrdreg s5  }
0xaa: {  	[dreg:$0x4] =	wrdreg $0xC0  }
0xab: {  	_ =	task [dreg:s7], $0x5FFFF  }
0xac: {  	[dreg:$0x1] =	wrdreg $0xFFFFFFFF  }
0xad: {  	[dreg:$0x0] =	wrdreg $0x60  }
0xae: {  	[dreg:$0x2] =	wrdreg s24  }
0xaf: {  	[dreg:$0x3] =	wrdreg s2  }
0xb0: {  	[dreg:$0x4] =	wrdreg $0x9  }
0xb1: {  	_ =	task.clear_ibuf [dreg:s7], $0x5FFFF;
	_ =	strace $0x90000046  }
0xb2: {  	s29 =	simm.s32 $0x9;
	_ =	strace $0x80000048  }
0xb3: {  	_ =	swait.ge [sflag:s29], $0x1  }
0xb4: {  	[sflag:s29] =	ssyncadd.s32 $0xFFFFFFFF  }
0xb5: {  	_ =	strace $0x90000048  }
0xb6: {  	_ =	sfence  }
0xb7: {  	s30 =	sld [smem:$0x0];
	_ =	sdelay $0x2  }
0xb8: {  	s31 =	sshll.u32 s1, $0xD;
	s1 =	sshrl.u32 s1, $0x2  }
0xb9: {  	s3 =	sand.u32 $0x4000, s31;
	s1 =	sadd.s32 s1, s30  }
0xba: {  	s0 =	sor.u32 s3, s0;
	s1 =	sshll.u32 s1, $0x11  }
0xbb: {  	s0 =	sor.u32 s1, s0  }
0xbc: {  	s0 =	sadd.s32 $0x8F2B, s0  }
0xbd: {  	[sflag:s0] =	ssyncadd.remote.s32 $0x1  }
0xbe: {  	_ =	sfence.sel $0xFFFF  }
0xbf: {  	[dreg:$0x0] =	wrdreg $0xFFFFFFFF;
	(pc) =	sbr.abs _section_cstart, $3  }
0xc0: {  	[dreg:$0x1] =	wrdreg $0xFFFFFFFF  }
0xc1: {  	_ =	task.clear_ibuf [dreg:s7], $0x2FFFF;
	_ =	strace $0x9FFFFFFF  }
0xc2: {  	(tm) =	ssettm $0x7FFFFFFF  }
0xc3: {  	_ =	shalt  }
tec
execute0_lowered:
.L_overlay_start_1:
0x0: {  	(tag) =	ssettag $0x1  }
0x1: {  	s0 =	srdreg.scid;
	s1 =	rddreg [dreg:$0x0]  }
0x2: {  	s5 =	stileid.u32;
	s3 =	simm.s32 $0x0;
	s14 =	simm.s32 $0x8000  }
0x3: {  	s15 =	simm.s32 $0x4000;
	s16 =	simm.s32 $0x1;
	s17 =	simm.s32 $0x8100  }
0x4: {  	s18 =	simm.s32 $0x2;
	s20 =	simm.s32 $0x80;
	s21 =	simm.s32 $0x400  }
0x5: {  	s22 =	simm.s32 $0x4;
	s23 =	simm.s32 $0x0;
	s0 =	sand.u32 $0x1, s0  }
0x6: {  	[smem:$0x7FF] =	sst s3;
	s11 =	sadd.s32 $0x800, s1;
	s2 =	sshll.u32 s0, $0x4  }
0x7: {  	_ =	strace $0x80000047;
	s0 =	ssub.s32 $0x2, s0;
	s2 =	sor.u32 s5, s2  }
0x8: {  	s5 =	sshll.u32 s5, $0x7;
	s31 =	sshrl.u32 s0, $0x1;
	s4 =	sshrl.u32 s2, $0x3  }
0x9: {  	s5 =	sand.u32 $0x380, s5;
	s6 =	sshll.u32 s2, $0xB;
	s10 =	sor.u32 $0xE0, s2  }
0xa: {  	s0 =	ssub.s32 s0, s31;
	s4 =	smul.u32 $0x4E400, s4;
	s12 =	sshll.u32 s10, $0x6  }
0xb: {  	p0 =	sne.s32 s2, $0x0;
	s13 =	sshll.u32 s10, $0xD;
	s12 =	smin.u32 s12, $0x3D8C  }
0xc: {  	s13 =	smax.u32 s13, $0x1EC600;
	s4 =	sor.u32 s5, s4;
	s12 =	sshll.u32 s12, $0x5  }
.Ltmp0:
0xd: {  	s19 =	sadd.s32 $0xFFE13A00, s13;
	s4 =	sshrl.u32 s4, $0x3;
	(pc) =	sbr.rel .LBB2_1-.Ltmp0, $4  }
0xe: {  	v0 =	vlaneseq.u32;
	s13 =	smax.u32 s0, $0x1;
	s1 =	sadd.s32 s4, s1;
	s4 =	sadd.s32 s11, s6  }
0xf: {  	v4 =	vmul.u32 $0xFFFFFFFF, v0;
	v1 =	vmov s19;
	s19 =	simm.s32 $0x3;
	s11 =	sadd.s32 s11, s12;
	s5 =	sadd.s32 $0x10000, s4  }
0x10: {  	s6 =	sadd.s32 $0x20000, s4;
	s7 =	sadd.s32 $0x30000, s4;
	s8 =	sadd.s32 $0x40000, s4  }
0x11: {  	v2 =	vimm.f32 $0.0e+00;
	v3 =	vimm.f32 $1.000000000e+00;
	v4 =	vadd.s32 $0x28, v4;
	s9 =	sadd.s32 $0x50000, s4;
	s10 =	sadd.s32 $0x60000, s4;
	s12 =	sadd.s32 $0x7C200, s1  }
.LBB2_24:
0x12: {  	v6 =	vld [tilespmem:s1+$0x0];
	_ =	sdelay $0x2  }
0x13: {  	v5 =	vmax.f32 v5, $0.0e+00  }
0x14: {  	v5 =	vmin.f32 v5, $1.990000000e+02  }
0x15: {  	v5 =	vadd.f32 $5.000000000e-01, v5;
	v6 =	vmax.f32 v6, $0.0e+00  }
0x16: {  	v6 =	vmin.f32 v6, $1.990000000e+02  }
0x17: {  	v5 =	vtrunc.f32 v5;
	v6 =	vadd.f32 $5.000000000e-01, v6  }
0x18: {  	v5 =	vcvt.f32.s32 v5  }
0x19: {  	v6 =	vtrunc.f32 v6  }
0x1a: {  	v7 =	vmov s0;
	v5 =	vmul.u32 $0xC8, v5;
	v6 =	vcvt.f32.s32 v6  }
0x1b: {  	vm0 =	vlt.u32 v7, v4  }
0x1c: {  	v5 =	vadd.s32 v6, v5;
	_ =	sdelay $0x4  }
0x1d: {  	[tilespmem:v5+s17+$0x0] =	vst.idx.add.f32.msk vm0, v3  }
.LBB2_25:
0x1e: {  	s23 =	sadd.s32 $0x1, s23  }
0x1f: {  	p1 =	sne.s32 s23, s13  }
.Ltmp1:
0x20: {  	_ = 	snop;
	(pc) =	sbr.rel @!p1 .LBB2_26-.Ltmp1, $4  }
0x21: {  	[hbm4b:s12+s20] =	stream.strided.scatter [tilespmem:s17], [sflag:$0x4], $0x9C80, s21, s20, $0x38;
	[tilespmem:$0x11D80] =	vst v63  }
0x22: {  	_ =	swait.ge [sflag:s22], $0x9C80  }
0x23: {  	[sflag:s22] =	ssyncset.done $0x0  }
0x24: {  	[sflag:s22] =	ssyncadd.s32 $0xFFFF6380  }
.LBB2_1:
0x25: {  	s0 =	rddreg [dreg:$0x1]  }
0x26: {  	[tilespmem:s14], [sflag:$0x3] =	stream.linear.gather [hbm4b:s0+s3], $0x100, $0x38;
	[tilespmem:$0x11D80] =	vst v63  }
0x27: {  	s0 =	simm.s32 $0x8140  }
0x28: {  	[tilespmem:s3], [sflag:$0x1] =	stream.linear.gather [hbm4b:s4+s3], $0x4000, $0x38;
	[tilespmem:$0x11D80] =	vst v63  }
0x29: {  	[tilespmem:s0+$0xFFFFFFC0] =	vst v2  }
0x2a: {  	[tilespmem:s0+$0x30] =	vst v2  }
0x2b: {  	[tilespmem:s0+$0x20] =	vst v2  }
0x2c: {  	[tilespmem:s0+$0x10] =	vst v2  }
0x2d: {  	[tilespmem:s0+$0x0] =	vst v2  }
0x2e: {  	[tilespmem:s0+$0xFFFFFFF0] =	vst v2  }
0x2f: {  	s1 =	simm.s32 $0x0;
	[tilespmem:s0+$0xFFFFFFE0] =	vst v2  }
.LBB2_2:
0x30: {  	s1 =	sadd.s32 $0x8, s1;
	[tilespmem:s0+$0xFFFFFFD0] =	vst v2;
	s0 =	sadd.s32 $0x80, s0  }
0x31: {  	[tilespmem:s0+$0xFFFFFFC0] =	vst v2;
	p1 =	slt.u32 s1, $0x9B8  }
0x32: {  	[tilespmem:s0+$0x30] =	vst v2  }
.Ltmp2:
0x33: {  	[tilespmem:s0+$0x20] =	vst v2;
	(pc) =	sbr.rel @p1 .LBB2_2-.Ltmp2, $4  }
0x34: {  	[tilespmem:s0+$0x10] =	vst v2  }
0x35: {  	[tilespmem:s0+$0x0] =	vst v2  }
0x36: {  	[tilespmem:s0+$0xFFFFFFF0] =	vst v2  }
0x37: {  	[tilespmem:s0+$0xFFFFFFE0] =	vst v2  }
0x38: {  	[tilespmem:s0+$0xFFFFFFD0] =	vst v2;
	s0 =	simm.s32 $0x0  }
.LBB2_4:
0x39: {  	p1 =	sne.s32 s0, $0xC0  }
.Ltmp3:
0x3a: {  	_ = 	snop;
	(pc) =	sbr.rel @p1 .LBB2_4-.Ltmp3, $3  }
0x3b: {  	_ =	sdelay $0x1  }
0x3c: {  	s1 =	sshra.s32 s0, $0x2  }
0x3d: {  	s0 =	sadd.s32 $0x40, s0;
	[tilespmem:s1+$0x11D00] =	vst v2  }
0x3e: {  	[tilespmem:s15], [sflag:$0x2] =	stream.linear.gather [hbm4b:s5+s3], $0x4000, $0x38;
	[tilespmem:$0x11D80] =	vst v63  }
0x3f: {  	_ =	swait.ge [sflag:s16], $0x4000  }
0x40: {  	[sflag:s16] =	ssyncset.done $0x0  }
0x41: {  	s0 =	simm.s32 $0x80;
	[sflag:s16] =	ssyncadd.s32 $0xFFFFC000  }
0x42: {  	v5 =	vld [tilespmem:s0+$0xFFFFFFF0]  }
0x43: {  	v6 =	vld [tilespmem:s0+$0xFFFFFF90]  }
0x44: {  	v7 =	vld [tilespmem:s0+$0x70]  }
0x45: {  	v8 =	vld [tilespmem:s0+$0xFFFFFFA0]  }
0x46: {  	v9 =	vld [tilespmem:s0+$0xFFFFFFB0]  }
0x47: {  	v10 =	vld [tilespmem:s0+$0xFFFFFFC0]  }
0x48: {  	v11 =	vld [tilespmem:s0+$0xFFFFFFD0]  }
0x49: {  	v12 =	vld [tilespmem:s0+$0xFFFFFFE0]  }
0x4a: {  	v13 =	vld [tilespmem:s0+$0xFFFFFF80]  }
0x4b: {  	v15 =	vld [tilespmem:s0+$0x10]  }
0x4c: {  	v16 =	vld [tilespmem:s0+$0x20]  }
0x4d: {  	v17 =	vld [tilespmem:s0+$0x30]  }
0x4e: {  	v18 =	vld [tilespmem:s0+$0x40]  }
0x4f: {  	s31 =	simm.s32 $0x180;
	v19 =	vld [tilespmem:s0+$0x50]  }
0x50: {  	v24 =	vld [tilespmem:s31+$0x10]  }
0x51: {  	v25 =	vld [tilespmem:s31+$0x20]  }
0x52: {  	v26 =	vld [tilespmem:s31+$0x30];
	v5 =	vmax.f32 v5, $0.0e+00;
	v6 =	vmax.f32 v6, $0.0e+00  }
0x53: {  	v27 =	vld [tilespmem:s31+$0x40];
	v7 =	vmax.f32 v7, $0.0e+00;
	v8 =	vmax.f32 v8, $0.0e+00;
	v9 =	vmax.f32 v9, $0.0e+00  }
0x54: {  	v10 =	vmax.f32 v10, $0.0e+00;
	v11 =	vmax.f32 v11, $0.0e+00;
	v12 =	vmax.f32 v12, $0.0e+00  }
0x55: {  	v13 =	vmax.f32 v13, $0.0e+00;
	v15 =	vmax.f32 v15, $0.0e+00;
	v16 =	vmax.f32 v16, $0.0e+00  }
0x56: {  	v17 =	vmax.f32 v17, $0.0e+00;
	v18 =	vmax.f32 v18, $0.0e+00;
	v19 =	vmax.f32 v19, $0.0e+00  }
0x57: {  	v24 =	vmax.f32 v24, $0.0e+00;
	v25 =	vmax.f32 v25, $0.0e+00;
	v26 =	vmax.f32 v26, $0.0e+00  }
0x58: {  	v27 =	vmax.f32 v27, $0.0e+00;
	v5 =	vmin.f32 v5, $1.990000000e+02;
	v6 =	vmin.f32 v6, $1.990000000e+02  }
0x59: {  	v7 =	vmin.f32 v7, $1.990000000e+02;
	v8 =	vmin.f32 v8, $1.990000000e+02;
	v9 =	vmin.f32 v9, $1.990000000e+02  }
0x5a: {  	v10 =	vmin.f32 v10, $1.990000000e+02;
	v11 =	vmin.f32 v11, $1.990000000e+02;
	v13 =	vmin.f32 v13, $1.990000000e+02  }
0x5b: {  	v12 =	vmin.f32 v12, $1.990000000e+02;
	v15 =	vmin.f32 v15, $1.990000000e+02;
	v5 =	vadd.f32 $5.000000000e-01, v5  }
0x5c: {  	v16 =	vmin.f32 v16, $1.990000000e+02;
	v6 =	vadd.f32 $5.000000000e-01, v6;
	v7 =	vadd.f32 $5.000000000e-01, v7  }
0x5d: {  	v17 =	vmin.f32 v17, $1.990000000e+02;
	v13 =	vadd.f32 $5.000000000e-01, v13;
	v8 =	vadd.f32 $5.000000000e-01, v8  }
0x5e: {  	v18 =	vmin.f32 v18, $1.990000000e+02;
	v9 =	vadd.f32 $5.000000000e-01, v9;
	v10 =	vadd.f32 $5.000000000e-01, v10  }
0x5f: {  	v19 =	vmin.f32 v19, $1.990000000e+02;
	v11 =	vadd.f32 $5.000000000e-01, v11;
	v12 =	vadd.f32 $5.000000000e-01, v12  }
0x60: {  	v28 =	vld [tilespmem:s31+$0x50];
	v15 =	vadd.f32 $5.000000000e-01, v15;
	v5 =	vtrunc.f32 v5;
	v7 =	vtrunc.f32 v7  }
0x61: {  	v16 =	vadd.f32 $5.000000000e-01, v16;
	v13 =	vtrunc.f32 v13;
	v6 =	vtrunc.f32 v6  }
0x62: {  	v17 =	vadd.f32 $5.000000000e-01, v17;
	v8 =	vtrunc.f32 v8;
	v9 =	vtrunc.f32 v9  }
0x63: {  	v18 =	vadd.f32 $5.000000000e-01, v18;
	v10 =	vtrunc.f32 v10;
	v11 =	vtrunc.f32 v11  }
0x64: {  	v19 =	vadd.f32 $5.000000000e-01, v19;
	v12 =	vtrunc.f32 v12;
	v15 =	vtrunc.f32 v15  }
0x65: {  	v28 =	vmax.f32 v28, $0.0e+00;
	v16 =	vtrunc.f32 v16;
	v17 =	vtrunc.f32 v17  }
0x66: {  	v24 =	vmin.f32 v24, $1.990000000e+02;
	v18 =	vtrunc.f32 v18;
	v19 =	vtrunc.f32 v19  }
0x67: {  	v25 =	vmin.f32 v25, $1.990000000e+02;
	v5 =	vcvt.f32.s32 v5;
	v7 =	vcvt.f32.s32 v7  }
0x68: {  	v26 =	vmin.f32 v26, $1.990000000e+02;
	v13 =	vcvt.f32.s32 v13;
	v6 =	vcvt.f32.s32 v6  }
0x69: {  	v27 =	vmin.f32 v27, $1.990000000e+02;
	v8 =	vcvt.f32.s32 v8;
	v9 =	vcvt.f32.s32 v9  }
0x6a: {  	v28 =	vmin.f32 v28, $1.990000000e+02;
	v10 =	vcvt.f32.s32 v10;
	v11 =	vcvt.f32.s32 v11  }
0x6b: {  	v14 =	vld [tilespmem:s0+$0x0];
	v24 =	vadd.f32 $5.000000000e-01, v24;
	v12 =	vcvt.f32.s32 v12;
	v15 =	vcvt.f32.s32 v15  }
0x6c: {  	v20 =	vld [tilespmem:s31+$0xFFFFFFF0];
	v25 =	vadd.f32 $5.000000000e-01, v25;
	v16 =	vcvt.f32.s32 v16;
	v17 =	vcvt.f32.s32 v17  }
0x6d: {  	v21 =	vld [tilespmem:s31+$0xFFFFFF90];
	v63 =	vadd.f32 $5.000000000e-01, v27;
	v18 =	vcvt.f32.s32 v18;
	v19 =	vcvt.f32.s32 v19  }
0x6e: {  	v23 =	vld [tilespmem:s31+$0xFFFFFFA0];
	v5 =	vmul.u32 $0xC8, v5;
	v6 =	vmul.u32 $0xC8, v6;
	v8 =	vmul.u32 $0xC8, v8  }
0x6f: {  	v9 =	vmul.u32 $0xC8, v9;
	v10 =	vmul.u32 $0xC8, v10;
	v11 =	vmul.u32 $0xC8, v11  }
0x70: {  	v7 =	vadd.s32 v7, v5;
	v5 =	vmax.f32 v14, $0.0e+00;
	v15 =	vadd.s32 v15, v6  }
0x71: {  	v8 =	vadd.s32 v16, v8;
	v16 =	vmax.f32 v20, $0.0e+00;
	v17 =	vadd.s32 v17, v9  }
0x72: {  	v14 =	vld [tilespmem:s0+$0x60];
	v18 =	vadd.s32 v18, v10;
	v9 =	vmax.f32 v21, $0.0e+00;
	v20 =	vadd.s32 v19, v11  }
0x73: {  	v10 =	vld [tilespmem:s31+$0xFFFFFFD0];
	v21 =	vmax.f32 v23, $0.0e+00;
	v5 =	vmin.f32 v5, $1.990000000e+02;
	v16 =	vmin.f32 v16, $1.990000000e+02  }
0x74: {  	v11 =	vld [tilespmem:s31+$0xFFFFFFE0];
	v9 =	vmin.f32 v9, $1.990000000e+02;
	v5 =	vadd.f32 $5.000000000e-01, v5;
	v16 =	vadd.f32 $5.000000000e-01, v16  }
0x75: {  	v13 =	vmul.u32 $0xC8, v13;
	v19 =	vld [tilespmem:s31+$0xFFFFFF80];
	v21 =	vmin.f32 v21, $1.990000000e+02;
	v9 =	vadd.f32 $5.000000000e-01, v9  }
0x76: {  	v21 =	vadd.f32 $5.000000000e-01, v21;
	v5 =	vtrunc.f32 v5;
	v16 =	vtrunc.f32 v16  }
0x77: {  	v9 =	vtrunc.f32 v9;
	v22 =	vcvt.f32.s32 v5;
	v5 =	vmul.u32 $0xC8, v12;
	v12 =	vld [tilespmem:s31+$0x70]  }
0x78: {  	v21 =	vtrunc.f32 v21;
	v14 =	vmax.f32 v14, $0.0e+00;
	v16 =	vcvt.f32.s32 v16;
	[tilespmem:v15+s17+$0x0] =	vst.idx.add.f32.msk $0xffff, v3  }
0x79: {  	v10 =	vmax.f32 v10, $0.0e+00;
	v11 =	vmax.f32 v11, $0.0e+00;
	v15 =	vcvt.f32.s32 v9;
	[tilespmem:v17+s17+$0x0] =	vst.idx.add.f32.msk $0xffff, v3  }
0x7a: {  	v19 =	vmax.f32 v19, $0.0e+00;
	[tilespmem:v18+s17+$0x0] =	vst.idx.add.f32.msk $0xffff, v3;
	v18 =	vtrunc.f32 v25;
	v17 =	vtrunc.f32 v63  }
0x7b: {  	v14 =	vmin.f32 v14, $1.990000000e+02;
	v10 =	vmin.f32 v10, $1.990000000e+02;
	v19 =	vmin.f32 v19, $1.990000000e+02  }
0x7c: {  	v11 =	vmin.f32 v11, $1.990000000e+02;
	v14 =	vadd.f32 $5.000000000e-01, v14;
	v12 =	vmax.f32 v12, $0.0e+00  }
0x7d: {  	v13 =	vadd.s32 v22, v13;
	v22 =	vld [tilespmem:s31+$0xFFFFFFB0];
	v19 =	vadd.f32 $5.000000000e-01, v19;
	v12 =	vmin.f32 v12, $1.990000000e+02  }
0x7e: {  	v23 =	vld [tilespmem:s31+$0x0];
	v10 =	vadd.f32 $5.000000000e-01, v10;
	v14 =	vtrunc.f32 v14;
	v12 =	vadd.f32 $5.000000000e-01, v12  }
0x7f: {  	v11 =	vadd.f32 $5.000000000e-01, v11;
	v19 =	vtrunc.f32 v19;
	v6 =	vcvt.f32.s32 v14;
	v14 =	vld [tilespmem:s31+$0xFFFFFFC0]  }
0x80: {  	v16 =	vmul.u32 $0xC8, v16;
	v10 =	vtrunc.f32 v10;
	v12 =	vtrunc.f32 v12  }
0x81: {  	[tilespmem:v8+s17+$0x0] =	vst.idx.add.f32.msk $0xffff, v3;
	v8 =	vmul.u32 $0xC8, v15;
	v29 =	vtrunc.f32 v11;
	v12 =	vcvt.f32.s32 v12  }
0x82: {  	[tilespmem:v7+s17+$0x0] =	vst.idx.add.f32.msk $0xffff, v3;
	v11 =	vadd.f32 $5.000000000e-01, v28;
	v7 =	vcvt.f32.s32 v19;
	v22 =	vmax.f32 v22, $0.0e+00  }
0x83: {  	v22 =	vmin.f32 v22, $1.990000000e+02;
	v12 =	vadd.s32 v12, v16;
	v16 =	vmax.f32 v23, $0.0e+00;
	v23 =	vld [tilespmem:s31+$0x60]  }
0x84: {  	v19 =	vcvt.f32.s32 v21;
	v22 =	vadd.f32 $5.000000000e-01, v22;
	v14 =	vmax.f32 v14, $0.0e+00  }
0x85: {  	v15 =	vcvt.f32.s32 v10;
	[tilespmem:v13+s17+$0x0] =	vst.idx.add.f32.msk $0xffff, v3;
	v13 =	vadd.f32 $5.000000000e-01, v26;
	v14 =	vmin.f32 v14, $1.990000000e+02  }
0x86: {  	v7 =	vmul.u32 $0xC8, v7;
	v22 =	vtrunc.f32 v22;
	v14 =	vadd.f32 $5.000000000e-01, v14  }
0x87: {  	v10 =	vmul.u32 $0xC8, v19;
	v19 =	vtrunc.f32 v24;
	v21 =	vcvt.f32.s32 v22  }
0x88: {  	v16 =	vmin.f32 v16, $1.990000000e+02;
	v14 =	vtrunc.f32 v14;
	v23 =	vmax.f32 v23, $0.0e+00  }
0x89: {  	v16 =	vadd.f32 $5.000000000e-01, v16;
	v22 =	vcvt.f32.s32 v14;
	v23 =	vmin.f32 v23, $1.990000000e+02  }
0x8a: {  	[tilespmem:v20+s17+$0x0] =	vst.idx.add.f32.msk $0xffff, v3;
	v20 =	vtrunc.f32 v13;
	v14 =	vcvt.f32.s32 v29;
	v9 =	vadd.f32 $5.000000000e-01, v23  }
0x8b: {  	s24 =	simm.s32 $0x8;
	s25 =	simm.s32 $0x280;
	v16 =	vtrunc.f32 v16;
	[tilespmem:v12+s17+$0x0] =	vst.idx.add.f32.msk $0xffff, v3;
	v12 =	vmul.u32 $0xC8, v21;
	v13 =	vmul.u32 $0xC8, v22  }
.LBB2_6:
0x8c: {  	v21 =	vld [tilespmem:s25+$0xFFFFFFF0];
	s24 =	sadd.s32 $0x8, s24;
	v11 =	vtrunc.f32 v11;
	v15 =	vmul.u32 $0xC8, v15;
	v9 =	vtrunc.f32 v9  }
0x8d: {  	v16 =	vcvt.f32.s32 v16;
	v19 =	vcvt.f32.s32 v19;
	v14 =	vmul.u32 $0xC8, v14;
	v22 =	vld [tilespmem:s25+$0xFFFFFF90];
	p1 =	slt.u32 s24, $0x1F8  }
0x8e: {  	v18 =	vcvt.f32.s32 v18;
	v20 =	vcvt.f32.s32 v20;
	v24 =	vadd.s32 v6, v5;
	v23 =	vld [tilespmem:s25+$0x70]  }
0x8f: {  	v11 =	vcvt.f32.s32 v11;
	v7 =	vadd.s32 v16, v7;
	v16 =	vcvt.f32.s32 v17;
	v5 =	vmovc v14;
	v25 =	vld [tilespmem:s25+$0xFFFFFFA0]  }
0x90: {  	v6 =	vcvt.f32.s32 v9;
	v8 =	vadd.s32 v19, v8;
	v10 =	vadd.s32 v18, v10;
	v14 =	vld [tilespmem:s25+$0xFFFFFFB0]  }
0x91: {  	v12 =	vadd.s32 v20, v12;
	v13 =	vadd.s32 v16, v13;
	v9 =	vld [tilespmem:s25+$0xFFFFFFC0];
	v17 =	vmax.f32 v21, $0.0e+00  }
0x92: {  	v11 =	vadd.s32 v11, v15;
	v16 =	vmax.f32 v22, $0.0e+00;
	v18 =	vld [tilespmem:s25+$0xFFFFFFD0];
	v17 =	vmin.f32 v17, $1.990000000e+02  }
0x93: {  	v15 =	vmin.f32 v16, $1.990000000e+02;
	v16 =	vld [tilespmem:s25+$0xFFFFFFE0];
	v19 =	vmax.f32 v23, $0.0e+00;
	v17 =	vadd.f32 $5.000000000e-01, v17  }
0x94: {  	v20 =	vld [tilespmem:s25+$0xFFFFFF80];
	v15 =	vadd.f32 $5.000000000e-01, v15;
	v21 =	vmax.f32 v25, $0.0e+00;
	v19 =	vmin.f32 v19, $1.990000000e+02  }
0x95: {  	v22 =	vld [tilespmem:s25+$0x0];
	v14 =	vmax.f32 v14, $0.0e+00;
	v17 =	vtrunc.f32 v17;
	v19 =	vadd.f32 $5.000000000e-01, v19  }
0x96: {  	v21 =	vmin.f32 v21, $1.990000000e+02;
	v23 =	vld [tilespmem:s25+$0x10];
	v9 =	vmax.f32 v9, $0.0e+00;
	v17 =	vcvt.f32.s32 v17  }
0x97: {  	v14 =	vmin.f32 v14, $1.990000000e+02;
	v25 =	vld [tilespmem:s25+$0x20];
	v18 =	vmax.f32 v18, $0.0e+00;
	v19 =	vtrunc.f32 v19  }
0x98: {  	v26 =	vld [tilespmem:s25+$0x30];
	v16 =	vmax.f32 v16, $0.0e+00;
	v19 =	vcvt.f32.s32 v19;
	v17 =	vmul.u32 $0xC8, v17  }
0x99: {  	v9 =	vmin.f32 v9, $1.990000000e+02;
	v18 =	vmin.f32 v18, $1.990000000e+02;
	v20 =	vmax.f32 v20, $0.0e+00;
	v27 =	vld [tilespmem:s25+$0x40]  }
0x9a: {  	v16 =	vmin.f32 v16, $1.990000000e+02;
	v20 =	vmin.f32 v20, $1.990000000e+02;
	v28 =	vld [tilespmem:s25+$0x50];
	v17 =	vadd.s32 v19, v17  }
0x9b: {  	v21 =	vadd.f32 $5.000000000e-01, v21;
	v19 =	vmax.f32 v22, $0.0e+00;
	v20 =	vadd.f32 $5.000000000e-01, v20;
	v22 =	vld [tilespmem:s25+$0x60]  }
0x9c: {  	v14 =	vadd.f32 $5.000000000e-01, v14;
	v9 =	vadd.f32 $5.000000000e-01, v9;
	v23 =	vmax.f32 v23, $0.0e+00;
	[tilespmem:v7+s17+$0x0] =	vst.idx.add.f32.msk $0xffff, v3  }
0x9d: {  	v18 =	vadd.f32 $5.000000000e-01, v18;
	v16 =	vadd.f32 $5.000000000e-01, v16;
	v7 =	vmax.f32 v25, $0.0e+00;
	[tilespmem:v8+s17+$0x0] =	vst.idx.add.f32.msk $0xffff, v3  }
0x9e: {  	v8 =	vmin.f32 v19, $1.990000000e+02;
	v19 =	vmax.f32 v26, $0.0e+00;
	v25 =	vmax.f32 v27, $0.0e+00;
	[tilespmem:v10+s17+$0x0] =	vst.idx.add.f32.msk $0xffff, v3  }
0x9f: {  	v7 =	vmin.f32 v7, $1.990000000e+02;
	v10 =	vmin.f32 v23, $1.990000000e+02;
	v23 =	vmax.f32 v28, $0.0e+00;
	[tilespmem:v17+s17+$0x0] =	vst.idx.add.f32.msk $0xffff, v3  }
0xa0: {  	v17 =	vmin.f32 v19, $1.990000000e+02;
	v19 =	vmin.f32 v25, $1.990000000e+02;
	v22 =	vmax.f32 v22, $0.0e+00;
	[tilespmem:v12+s17+$0x0] =	vst.idx.add.f32.msk $0xffff, v3  }
0xa1: {  	v12 =	vtrunc.f32 v20;
	v20 =	vmin.f32 v23, $1.990000000e+02;
	v22 =	vmin.f32 v22, $1.990000000e+02;
	[tilespmem:v13+s17+$0x0] =	vst.idx.add.f32.msk $0xffff, v3  }
0xa2: {  	v13 =	vadd.f32 $5.000000000e-01, v8;
	v8 =	vtrunc.f32 v15;
	v15 =	vtrunc.f32 v21;
	[tilespmem:v11+s17+$0x0] =	vst.idx.add.f32.msk $0xffff, v3  }
0xa3: {  	v21 =	vadd.f32 $5.000000000e-01, v10;
	v10 =	vtrunc.f32 v14;
	v14 =	vtrunc.f32 v9;
	[tilespmem:v24+s17+$0x0] =	vst.idx.add.f32.msk $0xffff, v3  }
0xa4: {  	v18 =	vtrunc.f32 v18;
	v23 =	vadd.f32 $5.000000000e-01, v7;
	v24 =	vtrunc.f32 v16  }
0xa5: {  	v17 =	vadd.f32 $5.000000000e-01, v17;
	v25 =	vadd.f32 $5.000000000e-01, v19;
	v7 =	vcvt.f32.s32 v12  }
0xa6: {  	v8 =	vcvt.f32.s32 v8;
	v11 =	vadd.f32 $5.000000000e-01, v20;
	v9 =	vadd.f32 $5.000000000e-01, v22  }
.Ltmp4:
0xa7: {  	v12 =	vcvt.f32.s32 v15;
	v20 =	vcvt.f32.s32 v10;
	v7 =	vmul.u32 $0xC8, v7;
	(pc) =	sbr.rel @p1 .LBB2_6-.Ltmp4, $4  }
0xa8: {  	v22 =	vcvt.f32.s32 v14;
	v15 =	vcvt.f32.s32 v18;
	v8 =	vmul.u32 $0xC8, v8  }
0xa9: {  	v16 =	vtrunc.f32 v13;
	v10 =	vmul.u32 $0xC8, v12;
	v14 =	vcvt.f32.s32 v24  }
0xaa: {  	v18 =	vtrunc.f32 v23;
	v19 =	vtrunc.f32 v21;
	v12 =	vmul.u32 $0xC8, v20  }
0xab: {  	s25 =	sadd.s32 $0x100, s25;
	v20 =	vtrunc.f32 v17;
	v17 =	vtrunc.f32 v25;
	v13 =	vmul.u32 $0xC8, v22  }
0xac: {  	v16 =	vcvt.f32.s32 v16  }
0xad: {  	v19 =	vcvt.f32.s32 v19;
	v5 =	vadd.s32 v6, v5  }
0xae: {  	v18 =	vcvt.f32.s32 v18;
	v11 =	vtrunc.f32 v11;
	v7 =	vadd.s32 v16, v7  }
0xaf: {  	v17 =	vcvt.f32.s32 v17;
	v15 =	vmul.u32 $0xC8, v15;
	v8 =	vadd.s32 v19, v8  }
0xb0: {  	v9 =	vtrunc.f32 v9;
	v11 =	vcvt.f32.s32 v11;
	v10 =	vadd.s32 v18, v10  }
0xb1: {  	v14 =	vmul.u32 $0xC8, v14;
	v9 =	vcvt.f32.s32 v9;
	v13 =	vadd.s32 v17, v13  }
0xb2: {  	v16 =	vcvt.f32.s32 v20;
	v11 =	vadd.s32 v11, v15;
	[tilespmem:v5+s17+$0x0] =	vst.idx.add.f32.msk $0xffff, v3  }
0xb3: {  	v6 =	vadd.s32 v9, v14;
	[tilespmem:v7+s17+$0x0] =	vst.idx.add.f32.msk $0xffff, v3  }
0xb4: {  	v12 =	vadd.s32 v16, v12;
	[tilespmem:v8+s17+$0x0] =	vst.idx.add.f32.msk $0xffff, v3  }
0xb5: {  	[tilespmem:v10+s17+$0x0] =	vst.idx.add.f32.msk $0xffff, v3  }
0xb6: {  	[tilespmem:v13+s17+$0x0] =	vst.idx.add.f32.msk $0xffff, v3  }
0xb7: {  	[tilespmem:v11+s17+$0x0] =	vst.idx.add.f32.msk $0xffff, v3  }
0xb8: {  	[tilespmem:v6+s17+$0x0] =	vst.idx.add.f32.msk $0xffff, v3  }
0xb9: {  	[tilespmem:v12+s17+$0x0] =	vst.idx.add.f32.msk $0xffff, v3  }
0xba: {  	[tilespmem:s3], [sflag:$0x1] =	stream.linear.gather [hbm4b:s6+s3], $0x4000, $0x38;
	[tilespmem:$0x11D80] =	vst v63  }
0xbb: {  	_ =	swait.ge [sflag:s18], $0x4000  }
0xbc: {  	[sflag:s18] =	ssyncset.done $0x0  }
0xbd: {  	s0 =	simm.s32 $0x4080;
	[sflag:s18] =	ssyncadd.s32 $0xFFFFC000  }
0xbe: {  	v5 =	vld [tilespmem:s0+$0xFFFFFFF0]  }
0xbf: {  	v6 =	vld [tilespmem:s0+$0xFFFFFF90]  }
0xc0: {  	v7 =	vld [tilespmem:s0+$0x70]  }
0xc1: {  	v8 =	vld [tilespmem:s0+$0xFFFFFFA0]  }
0xc2: {  	v9 =	vld [tilespmem:s0+$0xFFFFFFB0]  }
0xc3: {  	v10 =	vld [tilespmem:s0+$0xFFFFFFC0]  }
0xc4: {  	v11 =	vld [tilespmem:s0+$0xFFFFFFD0]  }
0xc5: {  	v12 =	vld [tilespmem:s0+$0xFFFFFFE0]  }
0xc6: {  	v13 =	vld [tilespmem:s0+$0xFFFFFF80]  }
0xc7: {  	v15 =	vld [tilespmem:s0+$0x10]  }
0xc8: {  	v16 =	vld [tilespmem:s0+$0x20]  }
0xc9: {  	v17 =	vld [tilespmem:s0+$0x30]  }
0xca: {  	v18 =	vld [tilespmem:s0+$0x40]  }
0xcb: {  	s31 =	simm.s32 $0x4180;
	v19 =	vld [tilespmem:s0+$0x50]  }
0xcc: {  	v24 =	vld [tilespmem:s31+$0x10]  }
0xcd: {  	v25 =	vld [tilespmem:s31+$0x20]  }
0xce: {  	v26 =	vld [tilespmem:s31+$0x30];
	v5 =	vmax.f32 v5, $0.0e+00;
	v6 =	vmax.f32 v6, $0.0e+00  }
0xcf: {  	v27 =	vld [tilespmem:s31+$0x40];
	v7 =	vmax.f32 v7, $0.0e+00;
	v8 =	vmax.f32 v8, $0.0e+00;
	v9 =	vmax.f32 v9, $0.0e+00  }
0xd0: {  	v10 =	vmax.f32 v10, $0.0e+00;
	v11 =	vmax.f32 v11, $0.0e+00;
	v12 =	vmax.f32 v12, $0.0e+00  }
0xd1: {  	v13 =	vmax.f32 v13, $0.0e+00;
	v15 =	vmax.f32 v15, $0.0e+00;
	v16 =	vmax.f32 v16, $0.0e+00  }
0xd2: {  	v17 =	vmax.f32 v17, $0.0e+00;
	v18 =	vmax.f32 v18, $0.0e+00;
	v19 =	vmax.f32 v19, $0.0e+00  }
0xd3: {  	v24 =	vmax.f32 v24, $0.0e+00;
	v25 =	vmax.f32 v25, $0.0e+00;
	v26 =	vmax.f32 v26, $0.0e+00  }
0xd4: {  	v27 =	vmax.f32 v27, $0.0e+00;
	v5 =	vmin.f32 v5, $1.990000000e+02;
	v6 =	vmin.f32 v6, $1.990000000e+02  }
0xd5: {  	v7 =	vmin.f32 v7, $1.990000000e+02;
	v8 =	vmin.f32 v8, $1.990000000e+02;
	v9 =	vmin.f32 v9, $1.990000000e+02  }
0xd6: {  	v10 =	vmin.f32 v10, $1.990000000e+02;
	v11 =	vmin.f32 v11, $1.990000000e+02;
	v13 =	vmin.f32 v13, $1.990000000e+02  }
0xd7: {  	v12 =	vmin.f32 v12, $1.990000000e+02;
	v15 =	vmin.f32 v15, $1.990000000e+02;
	v5 =	vadd.f32 $5.000000000e-01, v5  }
0xd8: {  	v16 =	vmin.f32 v16, $1.990000000e+02;
	v6 =	vadd.f32 $5.000000000e-01, v6;
	v7 =	vadd.f32 $5.000000000e-01, v7  }
0xd9: {  	v17 =	vmin.f32 v17, $1.990000000e+02;
	v13 =	vadd.f32 $5.000000000e-01, v13;
	v8 =	vadd.f32 $5.000000000e-01, v8  }
0xda: {  	v18 =	vmin.f32 v18, $1.990000000e+02;
	v9 =	vadd.f32 $5.000000000e-01, v9;
	v10 =	vadd.f32 $5.000000000e-01, v10  }
0xdb: {  	v19 =	vmin.f32 v19, $1.990000000e+02;
	v11 =	vadd.f32 $5.000000000e-01, v11;
	v12 =	vadd.f32 $5.000000000e-01, v12  }
0xdc: {  	v28 =	vld [tilespmem:s31+$0x50];
	v15 =	vadd.f32 $5.000000000e-01, v15;
	v5 =	vtrunc.f32 v5;
	v7 =	vtrunc.f32 v7  }
0xdd: {  	v16 =	vadd.f32 $5.000000000e-01, v16;
	v13 =	vtrunc.f32 v13;
	v6 =	vtrunc.f32 v6  }
0xde: {  	v17 =	vadd.f32 $5.000000000e-01, v17;
	v8 =	vtrunc.f32 v8;
	v9 =	vtrunc.f32 v9  }
0xdf: {  	v18 =	vadd.f32 $5.000000000e-01, v18;
	v10 =	vtrunc.f32 v10;
	v11 =	vtrunc.f32 v11  }
0xe0: {  	v19 =	vadd.f32 $5.000000000e-01, v19;
	v12 =	vtrunc.f32 v12;
	v15 =	vtrunc.f32 v15  }
0xe1: {  	v28 =	vmax.f32 v28, $0.0e+00;
	v16 =	vtrunc.f32 v16;
	v17 =	vtrunc.f32 v17  }
0xe2: {  	v24 =	vmin.f32 v24, $1.990000000e+02;
	v18 =	vtrunc.f32 v18;
	v19 =	vtrunc.f32 v19  }
0xe3: {  	v25 =	vmin.f32 v25, $1.990000000e+02;
	v5 =	vcvt.f32.s32 v5;
	v7 =	vcvt.f32.s32 v7  }
0xe4: {  	v26 =	vmin.f32 v26, $1.990000000e+02;
	v13 =	vcvt.f32.s32 v13;
	v6 =	vcvt.f32.s32 v6  }
0xe5: {  	v27 =	vmin.f32 v27, $1.990000000e+02;
	v8 =	vcvt.f32.s32 v8;
	v9 =	vcvt.f32.s32 v9  }
0xe6: {  	v28 =	vmin.f32 v28, $1.990000000e+02;
	v10 =	vcvt.f32.s32 v10;
	v11 =	vcvt.f32.s32 v11  }
0xe7: {  	v14 =	vld [tilespmem:s0+$0x0];
	v24 =	vadd.f32 $5.000000000e-01, v24;
	v12 =	vcvt.f32.s32 v12;
	v15 =	vcvt.f32.s32 v15  }
0xe8: {  	v20 =	vld [tilespmem:s31+$0xFFFFFFF0];
	v25 =	vadd.f32 $5.000000000e-01, v25;
	v16 =	vcvt.f32.s32 v16;
	v17 =	vcvt.f32.s32 v17  }
0xe9: {  	v21 =	vld [tilespmem:s31+$0xFFFFFF90];
	v63 =	vadd.f32 $5.000000000e-01, v27;
	v18 =	vcvt.f32.s32 v18;
	v19 =	vcvt.f32.s32 v19  }
0xea: {  	v23 =	vld [tilespmem:s31+$0xFFFFFFA0];
	v5 =	vmul.u32 $0xC8, v5;
	v6 =	vmul.u32 $0xC8, v6;
	v8 =	vmul.u32 $0xC8, v8  }
0xeb: {  	v9 =	vmul.u32 $0xC8, v9;
	v10 =	vmul.u32 $0xC8, v10;
	v11 =	vmul.u32 $0xC8, v11  }
0xec: {  	v7 =	vadd.s32 v7, v5;
	v5 =	vmax.f32 v14, $0.0e+00;
	v15 =	vadd.s32 v15, v6  }
0xed: {  	v8 =	vadd.s32 v16, v8;
	v16 =	vmax.f32 v20, $0.0e+00;
	v17 =	vadd.s32 v17, v9  }
0xee: {  	v14 =	vld [tilespmem:s0+$0x60];
	v18 =	vadd.s32 v18, v10;
	v9 =	vmax.f32 v21, $0.0e+00;
	v20 =	vadd.s32 v19, v11  }
0xef: {  	v10 =	vld [tilespmem:s31+$0xFFFFFFD0];
	v21 =	vmax.f32 v23, $0.0e+00;
	v5 =	vmin.f32 v5, $1.990000000e+02;
	v16 =	vmin.f32 v16, $1.990000000e+02  }
0xf0: {  	v11 =	vld [tilespmem:s31+$0xFFFFFFE0];
	v9 =	vmin.f32 v9, $1.990000000e+02;
	v5 =	vadd.f32 $5.000000000e-01, v5;
	v16 =	vadd.f32 $5.000000000e-01, v16  }
0xf1: {  	v13 =	vmul.u32 $0xC8, v13;
	v19 =	vld [tilespmem:s31+$0xFFFFFF80];
	v21 =	vmin.f32 v21, $1.990000000e+02;
	v9 =	vadd.f32 $5.000000000e-01, v9  }
0xf2: {  	v21 =	vadd.f32 $5.000000000e-01, v21;
	v5 =	vtrunc.f32 v5;
	v16 =	vtrunc.f32 v16  }
0xf3: {  	v9 =	vtrunc.f32 v9;
	v22 =	vcvt.f32.s32 v5;
	v5 =	vmul.u32 $0xC8, v12;
	v12 =	vld [tilespmem:s31+$0x70]  }
0xf4: {  	v21 =	vtrunc.f32 v21;
	v14 =	vmax.f32 v14, $0.0e+00;
	v16 =	vcvt.f32.s32 v16;
	[tilespmem:v15+s17+$0x0] =	vst.idx.add.f32.msk $0xffff, v3  }
0xf5: {  	v10 =	vmax.f32 v10, $0.0e+00;
	v11 =	vmax.f32 v11, $0.0e+00;
	v15 =	vcvt.f32.s32 v9;
	[tilespmem:v17+s17+$0x0] =	vst.idx.add.f32.msk $0xffff, v3  }
0xf6: {  	v19 =	vmax.f32 v19, $0.0e+00;
	[tilespmem:v18+s17+$0x0] =	vst.idx.add.f32.msk $0xffff, v3;
	v18 =	vtrunc.f32 v25;
	v17 =	vtrunc.f32 v63  }
0xf7: {  	v14 =	vmin.f32 v14, $1.990000000e+02;
	v10 =	vmin.f32 v10, $1.990000000e+02;
	v19 =	vmin.f32 v19, $1.990000000e+02  }
0xf8: {  	v11 =	vmin.f32 v11, $1.990000000e+02;
	v14 =	vadd.f32 $5.000000000e-01, v14;
	v12 =	vmax.f32 v12, $0.0e+00  }
0xf9: {  	v13 =	vadd.s32 v22, v13;
	v22 =	vld [tilespmem:s31+$0xFFFFFFB0];
	v19 =	vadd.f32 $5.000000000e-01, v19;
	v12 =	vmin.f32 v12, $1.990000000e+02  }
0xfa: {  	v23 =	vld [tilespmem:s31+$0x0];
	v10 =	vadd.f32 $5.000000000e-01, v10;
	v14 =	vtrunc.f32 v14;
	v12 =	vadd.f32 $5.000000000e-01, v12  }
0xfb: {  	v11 =	vadd.f32 $5.000000000e-01, v11;
	v19 =	vtrunc.f32 v19;
	v6 =	vcvt.f32.s32 v14;
	v14 =	vld [tilespmem:s31+$0xFFFFFFC0]  }
0xfc: {  	v16 =	vmul.u32 $0xC8, v16;
	v10 =	vtrunc.f32 v10;
	v12 =	vtrunc.f32 v12  }
0xfd: {  	[tilespmem:v8+s17+$0x0] =	vst.idx.add.f32.msk $0xffff, v3;
	v8 =	vmul.u32 $0xC8, v15;
	v29 =	vtrunc.f32 v11;
	v12 =	vcvt.f32.s32 v12  }
0xfe: {  	[tilespmem:v7+s17+$0x0] =	vst.idx.add.f32.msk $0xffff, v3;
	v11 =	vadd.f32 $5.000000000e-01, v28;
	v7 =	vcvt.f32.s32 v19;
	v22 =	vmax.f32 v22, $0.0e+00  }
0xff: {  	v22 =	vmin.f32 v22, $1.990000000e+02;
	v12 =	vadd.s32 v12, v16;
	v16 =	vmax.f32 v23, $0.0e+00;
	v23 =	vld [tilespmem:s31+$0x60]  }
0x100: {  	v19 =	vcvt.f32.s32 v21;
	v22 =	vadd.f32 $5.000000000e-01, v22;
	v14 =	vmax.f32 v14, $0.0e+00  }
0x101: {  	v15 =	vcvt.f32.s32 v10;
	[tilespmem:v13+s17+$0x0] =	vst.idx.add.f32.msk $0xffff, v3;
	v13 =	vadd.f32 $5.000000000e-01, v26;
	v14 =	vmin.f32 v14, $1.990000000e+02  }
0x102: {  	v7 =	vmul.u32 $0xC8, v7;
	v22 =	vtrunc.f32 v22;
	v14 =	vadd.f32 $5.000000000e-01, v14  }
0x103: {  	v10 =	vmul.u32 $0xC8, v19;
	v19 =	vtrunc.f32 v24;
	v21 =	vcvt.f32.s32 v22  }
0x104: {  	v16 =	vmin.f32 v16, $1.990000000e+02;
	v14 =	vtrunc.f32 v14;
	v23 =	vmax.f32 v23, $0.0e+00  }
0x105: {  	v16 =	vadd.f32 $5.000000000e-01, v16;
	v22 =	vcvt.f32.s32 v14;
	v23 =	vmin.f32 v23, $1.990000000e+02  }
0x106: {  	[tilespmem:v20+s17+$0x0] =	vst.idx.add.f32.msk $0xffff, v3;
	v20 =	vtrunc.f32 v13;
	v14 =	vcvt.f32.s32 v29;
	v9 =	vadd.f32 $5.000000000e-01, v23  }
0x107: {  	s24 =	simm.s32 $0x8;
	s25 =	simm.s32 $0x4280;
	v16 =	vtrunc.f32 v16;
	[tilespmem:v12+s17+$0x0] =	vst.idx.add.f32.msk $0xffff, v3;
	v12 =	vmul.u32 $0xC8, v21;
	v13 =	vmul.u32 $0xC8, v22  }
.LBB2_8:
0x108: {  	v21 =	vld [tilespmem:s25+$0xFFFFFFF0];
	s24 =	sadd.s32 $0x8, s24;
	v11 =	vtrunc.f32 v11;
	v15 =	vmul.u32 $0xC8, v15;
	v9 =	vtrunc.f32 v9  }
0x109: {  	v16 =	vcvt.f32.s32 v16;
	v19 =	vcvt.f32.s32 v19;
	v14 =	vmul.u32 $0xC8, v14;
	v22 =	vld [tilespmem:s25+$0xFFFFFF90];
	p1 =	slt.u32 s24, $0x1F8  }
0x10a: {  	v18 =	vcvt.f32.s32 v18;
	v20 =	vcvt.f32.s32 v20;
	v24 =	vadd.s32 v6, v5;
	v23 =	vld [tilespmem:s25+$0x70]  }
0x10b: {  	v11 =	vcvt.f32.s32 v11;
	v7 =	vadd.s32 v16, v7;
	v16 =	vcvt.f32.s32 v17;
	v5 =	vmovc v14;
	v25 =	vld [tilespmem:s25+$0xFFFFFFA0]  }
0x10c: {  	v6 =	vcvt.f32.s32 v9;
	v8 =	vadd.s32 v19, v8;
	v10 =	vadd.s32 v18, v10;
	v14 =	vld [tilespmem:s25+$0xFFFFFFB0]  }
0x10d: {  	v12 =	vadd.s32 v20, v12;
	v13 =	vadd.s32 v16, v13;
	v9 =	vld [tilespmem:s25+$0xFFFFFFC0];
	v17 =	vmax.f32 v21, $0.0e+00  }
0x10e: {  	v11 =	vadd.s32 v11, v15;
	v16 =	vmax.f32 v22, $0.0e+00;
	v18 =	vld [tilespmem:s25+$0xFFFFFFD0];
	v17 =	vmin.f32 v17, $1.990000000e+02  }
0x10f: {  	v15 =	vmin.f32 v16, $1.990000000e+02;
	v16 =	vld [tilespmem:s25+$0xFFFFFFE0];
	v19 =	vmax.f32 v23, $0.0e+00;
	v17 =	vadd.f32 $5.000000000e-01, v17  }
0x110: {  	v20 =	vld [tilespmem:s25+$0xFFFFFF80];
	v15 =	vadd.f32 $5.000000000e-01, v15;
	v21 =	vmax.f32 v25, $0.0e+00;
	v19 =	vmin.f32 v19, $1.990000000e+02  }
0x111: {  	v22 =	vld [tilespmem:s25+$0x0];
	v14 =	vmax.f32 v14, $0.0e+00;
	v17 =	vtrunc.f32 v17;
	v19 =	vadd.f32 $5.000000000e-01, v19  }
0x112: {  	v21 =	vmin.f32 v21, $1.990000000e+02;
	v23 =	vld [tilespmem:s25+$0x10];
	v9 =	vmax.f32 v9, $0.0e+00;
	v17 =	vcvt.f32.s32 v17  }
0x113: {  	v14 =	vmin.f32 v14, $1.990000000e+02;
	v25 =	vld [tilespmem:s25+$0x20];
	v18 =	vmax.f32 v18, $0.0e+00;
	v19 =	vtrunc.f32 v19  }
0x114: {  	v26 =	vld [tilespmem:s25+$0x30];
	v16 =	vmax.f32 v16, $0.0e+00;
	v19 =	vcvt.f32.s32 v19;
	v17 =	vmul.u32 $0xC8, v17  }
0x115: {  	v9 =	vmin.f32 v9, $1.990000000e+02;
	v18 =	vmin.f32 v18, $1.990000000e+02;
	v20 =	vmax.f32 v20, $0.0e+00;
	v27 =	vld [tilespmem:s25+$0x40]  }
0x116: {  	v16 =	vmin.f32 v16, $1.990000000e+02;
	v20 =	vmin.f32 v20, $1.990000000e+02;
	v28 =	vld [tilespmem:s25+$0x50];
	v17 =	vadd.s32 v19, v17  }
0x117: {  	v21 =	vadd.f32 $5.000000000e-01, v21;
	v19 =	vmax.f32 v22, $0.0e+00;
	v20 =	vadd.f32 $5.000000000e-01, v20;
	v22 =	vld [tilespmem:s25+$0x60]  }
0x118: {  	v14 =	vadd.f32 $5.000000000e-01, v14;
	v9 =	vadd.f32 $5.000000000e-01, v9;
	v23 =	vmax.f32 v23, $0.0e+00;
	[tilespmem:v7+s17+$0x0] =	vst.idx.add.f32.msk $0xffff, v3  }
0x119: {  	v18 =	vadd.f32 $5.000000000e-01, v18;
	v16 =	vadd.f32 $5.000000000e-01, v16;
	v7 =	vmax.f32 v25, $0.0e+00;
	[tilespmem:v8+s17+$0x0] =	vst.idx.add.f32.msk $0xffff, v3  }
0x11a: {  	v8 =	vmin.f32 v19, $1.990000000e+02;
	v19 =	vmax.f32 v26, $0.0e+00;
	v25 =	vmax.f32 v27, $0.0e+00;
	[tilespmem:v10+s17+$0x0] =	vst.idx.add.f32.msk $0xffff, v3  }
0x11b: {  	v7 =	vmin.f32 v7, $1.990000000e+02;
	v10 =	vmin.f32 v23, $1.990000000e+02;
	v23 =	vmax.f32 v28, $0.0e+00;
	[tilespmem:v17+s17+$0x0] =	vst.idx.add.f32.msk $0xffff, v3  }
0x11c: {  	v17 =	vmin.f32 v19, $1.990000000e+02;
	v19 =	vmin.f32 v25, $1.990000000e+02;
	v22 =	vmax.f32 v22, $0.0e+00;
	[tilespmem:v12+s17+$0x0] =	vst.idx.add.f32.msk $0xffff, v3  }
0x11d: {  	v12 =	vtrunc.f32 v20;
	v20 =	vmin.f32 v23, $1.990000000e+02;
	v22 =	vmin.f32 v22, $1.990000000e+02;
	[tilespmem:v13+s17+$0x0] =	vst.idx.add.f32.msk $0xffff, v3  }
0x11e: {  	v13 =	vadd.f32 $5.000000000e-01, v8;
	v8 =	vtrunc.f32 v15;
	v15 =	vtrunc.f32 v21;
	[tilespmem:v11+s17+$0x0] =	vst.idx.add.f32.msk $0xffff, v3  }
0x11f: {  	v21 =	vadd.f32 $5.000000000e-01, v10;
	v10 =	vtrunc.f32 v14;
	v14 =	vtrunc.f32 v9;
	[tilespmem:v24+s17+$0x0] =	vst.idx.add.f32.msk $0xffff, v3  }
0x120: {  	v18 =	vtrunc.f32 v18;
	v23 =	vadd.f32 $5.000000000e-01, v7;
	v24 =	vtrunc.f32 v16  }
0x121: {  	v17 =	vadd.f32 $5.000000000e-01, v17;
	v25 =	vadd.f32 $5.000000000e-01, v19;
	v7 =	vcvt.f32.s32 v12  }
0x122: {  	v8 =	vcvt.f32.s32 v8;
	v11 =	vadd.f32 $5.000000000e-01, v20;
	v9 =	vadd.f32 $5.000000000e-01, v22  }
.Ltmp5:
0x123: {  	v12 =	vcvt.f32.s32 v15;
	v20 =	vcvt.f32.s32 v10;
	v7 =	vmul.u32 $0xC8, v7;
	(pc) =	sbr.rel @p1 .LBB2_8-.Ltmp5, $4  }
0x124: {  	v22 =	vcvt.f32.s32 v14;
	v15 =	vcvt.f32.s32 v18;
	v8 =	vmul.u32 $0xC8, v8  }
0x125: {  	v16 =	vtrunc.f32 v13;
	v10 =	vmul.u32 $0xC8, v12;
	v14 =	vcvt.f32.s32 v24  }
0x126: {  	v18 =	vtrunc.f32 v23;
	v19 =	vtrunc.f32 v21;
	v12 =	vmul.u32 $0xC8, v20  }
0x127: {  	s25 =	sadd.s32 $0x100, s25;
	v20 =	vtrunc.f32 v17;
	v17 =	vtrunc.f32 v25;
	v13 =	vmul.u32 $0xC8, v22  }
0x128: {  	v16 =	vcvt.f32.s32 v16  }
0x129: {  	v19 =	vcvt.f32.s32 v19;
	v5 =	vadd.s32 v6, v5  }
0x12a: {  	v18 =	vcvt.f32.s32 v18;
	v11 =	vtrunc.f32 v11;
	v7 =	vadd.s32 v16, v7  }
0x12b: {  	v17 =	vcvt.f32.s32 v17;
	v15 =	vmul.u32 $0xC8, v15;
	v8 =	vadd.s32 v19, v8  }
0x12c: {  	v9 =	vtrunc.f32 v9;
	v11 =	vcvt.f32.s32 v11;
	v10 =	vadd.s32 v18, v10  }
0x12d: {  	v14 =	vmul.u32 $0xC8, v14;
	v9 =	vcvt.f32.s32 v9;
	v13 =	vadd.s32 v17, v13  }
0x12e: {  	v16 =	vcvt.f32.s32 v20;
	v11 =	vadd.s32 v11, v15;
	[tilespmem:v5+s17+$0x0] =	vst.idx.add.f32.msk $0xffff, v3  }
0x12f: {  	v6 =	vadd.s32 v9, v14;
	[tilespmem:v7+s17+$0x0] =	vst.idx.add.f32.msk $0xffff, v3  }
0x130: {  	v12 =	vadd.s32 v16, v12;
	[tilespmem:v8+s17+$0x0] =	vst.idx.add.f32.msk $0xffff, v3  }
0x131: {  	[tilespmem:v10+s17+$0x0] =	vst.idx.add.f32.msk $0xffff, v3  }
0x132: {  	[tilespmem:v13+s17+$0x0] =	vst.idx.add.f32.msk $0xffff, v3  }
0x133: {  	[tilespmem:v11+s17+$0x0] =	vst.idx.add.f32.msk $0xffff, v3  }
0x134: {  	[tilespmem:v6+s17+$0x0] =	vst.idx.add.f32.msk $0xffff, v3  }
0x135: {  	[tilespmem:v12+s17+$0x0] =	vst.idx.add.f32.msk $0xffff, v3  }
0x136: {  	[tilespmem:s15], [sflag:$0x2] =	stream.linear.gather [hbm4b:s7+s3], $0x4000, $0x38;
	[tilespmem:$0x11D80] =	vst v63  }
0x137: {  	_ =	swait.ge [sflag:s16], $0x4000  }
0x138: {  	[sflag:s16] =	ssyncset.done $0x0  }
0x139: {  	s0 =	simm.s32 $0x80;
	[sflag:s16] =	ssyncadd.s32 $0xFFFFC000  }
0x13a: {  	v5 =	vld [tilespmem:s0+$0xFFFFFFF0]  }
0x13b: {  	v6 =	vld [tilespmem:s0+$0xFFFFFF90]  }
0x13c: {  	v7 =	vld [tilespmem:s0+$0x70]  }
0x13d: {  	v8 =	vld [tilespmem:s0+$0xFFFFFFA0]  }
0x13e: {  	v9 =	vld [tilespmem:s0+$0xFFFFFFB0]  }
0x13f: {  	v10 =	vld [tilespmem:s0+$0xFFFFFFC0]  }
0x140: {  	v11 =	vld [tilespmem:s0+$0xFFFFFFD0]  }
0x141: {  	v12 =	vld [tilespmem:s0+$0xFFFFFFE0]  }
0x142: {  	v13 =	vld [tilespmem:s0+$0xFFFFFF80]  }
0x143: {  	v15 =	vld [tilespmem:s0+$0x10]  }
0x144: {  	v16 =	vld [tilespmem:s0+$0x20]  }
0x145: {  	v17 =	vld [tilespmem:s0+$0x30]  }
0x146: {  	v18 =	vld [tilespmem:s0+$0x40]  }
0x147: {  	s31 =	simm.s32 $0x180;
	v19 =	vld [tilespmem:s0+$0x50]  }
0x148: {  	v24 =	vld [tilespmem:s31+$0x10]  }
0x149: {  	v25 =	vld [tilespmem:s31+$0x20]  }
0x14a: {  	v26 =	vld [tilespmem:s31+$0x30];
	v5 =	vmax.f32 v5, $0.0e+00;
	v6 =	vmax.f32 v6, $0.0e+00  }
0x14b: {  	v27 =	vld [tilespmem:s31+$0x40];
	v7 =	vmax.f32 v7, $0.0e+00;
	v8 =	vmax.f32 v8, $0.0e+00;
	v9 =	vmax.f32 v9, $0.0e+00  }
0x14c: {  	v10 =	vmax.f32 v10, $0.0e+00;
	v11 =	vmax.f32 v11, $0.0e+00;
	v12 =	vmax.f32 v12, $0.0e+00  }
0x14d: {  	v13 =	vmax.f32 v13, $0.0e+00;
	v15 =	vmax.f32 v15, $0.0e+00;
	v16 =	vmax.f32 v16, $0.0e+00  }
0x14e: {  	v17 =	vmax.f32 v17, $0.0e+00;
	v18 =	vmax.f32 v18, $0.0e+00;
	v19 =	vmax.f32 v19, $0.0e+00  }
0x14f: {  	v24 =	vmax.f32 v24, $0.0e+00;
	v25 =	vmax.f32 v25, $0.0e+00;
	v26 =	vmax.f32 v26, $0.0e+00  }
0x150: {  	v27 =	vmax.f32 v27, $0.0e+00;
	v5 =	vmin.f32 v5, $1.990000000e+02;
	v6 =	vmin.f32 v6, $1.990000000e+02  }
0x151: {  	v7 =	vmin.f32 v7, $1.990000000e+02;
	v8 =	vmin.f32 v8, $1.990000000e+02;
	v9 =	vmin.f32 v9, $1.990000000e+02  }
0x152: {  	v10 =	vmin.f32 v10, $1.990000000e+02;
	v11 =	vmin.f32 v11, $1.990000000e+02;
	v13 =	vmin.f32 v13, $1.990000000e+02  }
0x153: {  	v12 =	vmin.f32 v12, $1.990000000e+02;
	v15 =	vmin.f32 v15, $1.990000000e+02;
	v5 =	vadd.f32 $5.000000000e-01, v5  }
0x154: {  	v16 =	vmin.f32 v16, $1.990000000e+02;
	v6 =	vadd.f32 $5.000000000e-01, v6;
	v7 =	vadd.f32 $5.000000000e-01, v7  }
0x155: {  	v17 =	vmin.f32 v17, $1.990000000e+02;
	v13 =	vadd.f32 $5.000000000e-01, v13;
	v8 =	vadd.f32 $5.000000000e-01, v8  }
0x156: {  	v18 =	vmin.f32 v18, $1.990000000e+02;
	v9 =	vadd.f32 $5.000000000e-01, v9;
	v10 =	vadd.f32 $5.000000000e-01, v10  }
0x157: {  	v19 =	vmin.f32 v19, $1.990000000e+02;
	v11 =	vadd.f32 $5.000000000e-01, v11;
	v12 =	vadd.f32 $5.000000000e-01, v12  }
0x158: {  	v28 =	vld [tilespmem:s31+$0x50];
	v15 =	vadd.f32 $5.000000000e-01, v15;
	v5 =	vtrunc.f32 v5;
	v7 =	vtrunc.f32 v7  }
0x159: {  	v16 =	vadd.f32 $5.000000000e-01, v16;
	v13 =	vtrunc.f32 v13;
	v6 =	vtrunc.f32 v6  }
0x15a: {  	v17 =	vadd.f32 $5.000000000e-01, v17;
	v8 =	vtrunc.f32 v8;
	v9 =	vtrunc.f32 v9  }
0x15b: {  	v18 =	vadd.f32 $5.000000000e-01, v18;
	v10 =	vtrunc.f32 v10;
	v11 =	vtrunc.f32 v11  }
0x15c: {  	v19 =	vadd.f32 $5.000000000e-01, v19;
	v12 =	vtrunc.f32 v12;
	v15 =	vtrunc.f32 v15  }
0x15d: {  	v28 =	vmax.f32 v28, $0.0e+00;
	v16 =	vtrunc.f32 v16;
	v17 =	vtrunc.f32 v17  }
0x15e: {  	v24 =	vmin.f32 v24, $1.990000000e+02;
	v18 =	vtrunc.f32 v18;
	v19 =	vtrunc.f32 v19  }
0x15f: {  	v25 =	vmin.f32 v25, $1.990000000e+02;
	v5 =	vcvt.f32.s32 v5;
	v7 =	vcvt.f32.s32 v7  }
0x160: {  	v26 =	vmin.f32 v26, $1.990000000e+02;
	v13 =	vcvt.f32.s32 v13;
	v6 =	vcvt.f32.s32 v6  }
0x161: {  	v27 =	vmin.f32 v27, $1.990000000e+02;
	v8 =	vcvt.f32.s32 v8;
	v9 =	vcvt.f32.s32 v9  }
0x162: {  	v28 =	vmin.f32 v28, $1.990000000e+02;
	v10 =	vcvt.f32.s32 v10;
	v11 =	vcvt.f32.s32 v11  }
0x163: {  	v14 =	vld [tilespmem:s0+$0x0];
	v24 =	vadd.f32 $5.000000000e-01, v24;
	v12 =	vcvt.f32.s32 v12;
	v15 =	vcvt.f32.s32 v15  }
0x164: {  	v20 =	vld [tilespmem:s31+$0xFFFFFFF0];
	v25 =	vadd.f32 $5.000000000e-01, v25;
	v16 =	vcvt.f32.s32 v16;
	v17 =	vcvt.f32.s32 v17  }
0x165: {  	v21 =	vld [tilespmem:s31+$0xFFFFFF90];
	v63 =	vadd.f32 $5.000000000e-01, v27;
	v18 =	vcvt.f32.s32 v18;
	v19 =	vcvt.f32.s32 v19  }
0x166: {  	v23 =	vld [tilespmem:s31+$0xFFFFFFA0];
	v5 =	vmul.u32 $0xC8, v5;
	v6 =	vmul.u32 $0xC8, v6;
	v8 =	vmul.u32 $0xC8, v8  }
0x167: {  	v9 =	vmul.u32 $0xC8, v9;
	v10 =	vmul.u32 $0xC8, v10;
	v11 =	vmul.u32 $0xC8, v11  }
0x168: {  	v7 =	vadd.s32 v7, v5;
	v5 =	vmax.f32 v14, $0.0e+00;
	v15 =	vadd.s32 v15, v6  }
0x169: {  	v8 =	vadd.s32 v16, v8;
	v16 =	vmax.f32 v20, $0.0e+00;
	v17 =	vadd.s32 v17, v9  }
0x16a: {  	v14 =	vld [tilespmem:s0+$0x60];
	v18 =	vadd.s32 v18, v10;
	v9 =	vmax.f32 v21, $0.0e+00;
	v20 =	vadd.s32 v19, v11  }
0x16b: {  	v10 =	vld [tilespmem:s31+$0xFFFFFFD0];
	v21 =	vmax.f32 v23, $0.0e+00;
	v5 =	vmin.f32 v5, $1.990000000e+02;
	v16 =	vmin.f32 v16, $1.990000000e+02  }
0x16c: {  	v11 =	vld [tilespmem:s31+$0xFFFFFFE0];
	v9 =	vmin.f32 v9, $1.990000000e+02;
	v5 =	vadd.f32 $5.000000000e-01, v5;
	v16 =	vadd.f32 $5.000000000e-01, v16  }
0x16d: {  	v13 =	vmul.u32 $0xC8, v13;
	v19 =	vld [tilespmem:s31+$0xFFFFFF80];
	v21 =	vmin.f32 v21, $1.990000000e+02;
	v9 =	vadd.f32 $5.000000000e-01, v9  }
0x16e: {  	v21 =	vadd.f32 $5.000000000e-01, v21;
	v5 =	vtrunc.f32 v5;
	v16 =	vtrunc.f32 v16  }
0x16f: {  	v9 =	vtrunc.f32 v9;
	v22 =	vcvt.f32.s32 v5;
	v5 =	vmul.u32 $0xC8, v12;
	v12 =	vld [tilespmem:s31+$0x70]  }
0x170: {  	v21 =	vtrunc.f32 v21;
	v14 =	vmax.f32 v14, $0.0e+00;
	v16 =	vcvt.f32.s32 v16;
	[tilespmem:v15+s17+$0x0] =	vst.idx.add.f32.msk $0xffff, v3  }
0x171: {  	v10 =	vmax.f32 v10, $0.0e+00;
	v11 =	vmax.f32 v11, $0.0e+00;
	v15 =	vcvt.f32.s32 v9;
	[tilespmem:v17+s17+$0x0] =	vst.idx.add.f32.msk $0xffff, v3  }
0x172: {  	v19 =	vmax.f32 v19, $0.0e+00;
	[tilespmem:v18+s17+$0x0] =	vst.idx.add.f32.msk $0xffff, v3;
	v18 =	vtrunc.f32 v25;
	v17 =	vtrunc.f32 v63  }
0x173: {  	v14 =	vmin.f32 v14, $1.990000000e+02;
	v10 =	vmin.f32 v10, $1.990000000e+02;
	v19 =	vmin.f32 v19, $1.990000000e+02  }
0x174: {  	v11 =	vmin.f32 v11, $1.990000000e+02;
	v14 =	vadd.f32 $5.000000000e-01, v14;
	v12 =	vmax.f32 v12, $0.0e+00  }
0x175: {  	v13 =	vadd.s32 v22, v13;
	v22 =	vld [tilespmem:s31+$0xFFFFFFB0];
	v19 =	vadd.f32 $5.000000000e-01, v19;
	v12 =	vmin.f32 v12, $1.990000000e+02  }
0x176: {  	v23 =	vld [tilespmem:s31+$0x0];
	v10 =	vadd.f32 $5.000000000e-01, v10;
	v14 =	vtrunc.f32 v14;
	v12 =	vadd.f32 $5.000000000e-01, v12  }
0x177: {  	v11 =	vadd.f32 $5.000000000e-01, v11;
	v19 =	vtrunc.f32 v19;
	v6 =	vcvt.f32.s32 v14;
	v14 =	vld [tilespmem:s31+$0xFFFFFFC0]  }
0x178: {  	v16 =	vmul.u32 $0xC8, v16;
	v10 =	vtrunc.f32 v10;
	v12 =	vtrunc.f32 v12  }
0x179: {  	[tilespmem:v8+s17+$0x0] =	vst.idx.add.f32.msk $0xffff, v3;
	v8 =	vmul.u32 $0xC8, v15;
	v29 =	vtrunc.f32 v11;
	v12 =	vcvt.f32.s32 v12  }
0x17a: {  	[tilespmem:v7+s17+$0x0] =	vst.idx.add.f32.msk $0xffff, v3;
	v11 =	vadd.f32 $5.000000000e-01, v28;
	v7 =	vcvt.f32.s32 v19;
	v22 =	vmax.f32 v22, $0.0e+00  }
0x17b: {  	v22 =	vmin.f32 v22, $1.990000000e+02;
	v12 =	vadd.s32 v12, v16;
	v16 =	vmax.f32 v23, $0.0e+00;
	v23 =	vld [tilespmem:s31+$0x60]  }
0x17c: {  	v19 =	vcvt.f32.s32 v21;
	v22 =	vadd.f32 $5.000000000e-01, v22;
	v14 =	vmax.f32 v14, $0.0e+00  }
0x17d: {  	v15 =	vcvt.f32.s32 v10;
	[tilespmem:v13+s17+$0x0] =	vst.idx.add.f32.msk $0xffff, v3;
	v13 =	vadd.f32 $5.000000000e-01, v26;
	v14 =	vmin.f32 v14, $1.990000000e+02  }
0x17e: {  	v7 =	vmul.u32 $0xC8, v7;
	v22 =	vtrunc.f32 v22;
	v14 =	vadd.f32 $5.000000000e-01, v14  }
0x17f: {  	v10 =	vmul.u32 $0xC8, v19;
	v19 =	vtrunc.f32 v24;
	v21 =	vcvt.f32.s32 v22  }
0x180: {  	v16 =	vmin.f32 v16, $1.990000000e+02;
	v14 =	vtrunc.f32 v14;
	v23 =	vmax.f32 v23, $0.0e+00  }
0x181: {  	v16 =	vadd.f32 $5.000000000e-01, v16;
	v22 =	vcvt.f32.s32 v14;
	v23 =	vmin.f32 v23, $1.990000000e+02  }
0x182: {  	[tilespmem:v20+s17+$0x0] =	vst.idx.add.f32.msk $0xffff, v3;
	v20 =	vtrunc.f32 v13;
	v14 =	vcvt.f32.s32 v29;
	v9 =	vadd.f32 $5.000000000e-01, v23  }
0x183: {  	s24 =	simm.s32 $0x8;
	s25 =	simm.s32 $0x280;
	v16 =	vtrunc.f32 v16;
	[tilespmem:v12+s17+$0x0] =	vst.idx.add.f32.msk $0xffff, v3;
	v12 =	vmul.u32 $0xC8, v21;
	v13 =	vmul.u32 $0xC8, v22  }
.LBB2_10:
0x184: {  	v21 =	vld [tilespmem:s25+$0xFFFFFFF0];
	s24 =	sadd.s32 $0x8, s24;
	v11 =	vtrunc.f32 v11;
	v15 =	vmul.u32 $0xC8, v15;
	v9 =	vtrunc.f32 v9  }
0x185: {  	v16 =	vcvt.f32.s32 v16;
	v19 =	vcvt.f32.s32 v19;
	v14 =	vmul.u32 $0xC8, v14;
	v22 =	vld [tilespmem:s25+$0xFFFFFF90];
	p1 =	slt.u32 s24, $0x1F8  }
0x186: {  	v18 =	vcvt.f32.s32 v18;
	v20 =	vcvt.f32.s32 v20;
	v24 =	vadd.s32 v6, v5;
	v23 =	vld [tilespmem:s25+$0x70]  }
0x187: {  	v11 =	vcvt.f32.s32 v11;
	v7 =	vadd.s32 v16, v7;
	v16 =	vcvt.f32.s32 v17;
	v5 =	vmovc v14;
	v25 =	vld [tilespmem:s25+$0xFFFFFFA0]  }
0x188: {  	v6 =	vcvt.f32.s32 v9;
	v8 =	vadd.s32 v19, v8;
	v10 =	vadd.s32 v18, v10;
	v14 =	vld [tilespmem:s25+$0xFFFFFFB0]  }
0x189: {  	v12 =	vadd.s32 v20, v12;
	v13 =	vadd.s32 v16, v13;
	v9 =	vld [tilespmem:s25+$0xFFFFFFC0];
	v17 =	vmax.f32 v21, $0.0e+00  }
0x18a: {  	v11 =	vadd.s32 v11, v15;
	v16 =	vmax.f32 v22, $0.0e+00;
	v18 =	vld [tilespmem:s25+$0xFFFFFFD0];
	v17 =	vmin.f32 v17, $1.990000000e+02  }
0x18b: {  	v15 =	vmin.f32 v16, $1.990000000e+02;
	v16 =	vld [tilespmem:s25+$0xFFFFFFE0];
	v19 =	vmax.f32 v23, $0.0e+00;
	v17 =	vadd.f32 $5.000000000e-01, v17  }
0x18c: {  	v20 =	vld [tilespmem:s25+$0xFFFFFF80];
	v15 =	vadd.f32 $5.000000000e-01, v15;
	v21 =	vmax.f32 v25, $0.0e+00;
	v19 =	vmin.f32 v19, $1.990000000e+02  }
0x18d: {  	v22 =	vld [tilespmem:s25+$0x0];
	v14 =	vmax.f32 v14, $0.0e+00;
	v17 =	vtrunc.f32 v17;
	v19 =	vadd.f32 $5.000000000e-01, v19  }
0x18e: {  	v21 =	vmin.f32 v21, $1.990000000e+02;
	v23 =	vld [tilespmem:s25+$0x10];
	v9 =	vmax.f32 v9, $0.0e+00;
	v17 =	vcvt.f32.s32 v17  }
0x18f: {  	v14 =	vmin.f32 v14, $1.990000000e+02;
	v25 =	vld [tilespmem:s25+$0x20];
	v18 =	vmax.f32 v18, $0.0e+00;
	v19 =	vtrunc.f32 v19  }
0x190: {  	v26 =	vld [tilespmem:s25+$0x30];
	v16 =	vmax.f32 v16, $0.0e+00;
	v19 =	vcvt.f32.s32 v19;
	v17 =	vmul.u32 $0xC8, v17  }
0x191: {  	v9 =	vmin.f32 v9, $1.990000000e+02;
	v18 =	vmin.f32 v18, $1.990000000e+02;
	v20 =	vmax.f32 v20, $0.0e+00;
	v27 =	vld [tilespmem:s25+$0x40]  }
0x192: {  	v16 =	vmin.f32 v16, $1.990000000e+02;
	v20 =	vmin.f32 v20, $1.990000000e+02;
	v28 =	vld [tilespmem:s25+$0x50];
	v17 =	vadd.s32 v19, v17  }
0x193: {  	v21 =	vadd.f32 $5.000000000e-01, v21;
	v19 =	vmax.f32 v22, $0.0e+00;
	v20 =	vadd.f32 $5.000000000e-01, v20;
	v22 =	vld [tilespmem:s25+$0x60]  }
0x194: {  	v14 =	vadd.f32 $5.000000000e-01, v14;
	v9 =	vadd.f32 $5.000000000e-01, v9;
	v23 =	vmax.f32 v23, $0.0e+00;
	[tilespmem:v7+s17+$0x0] =	vst.idx.add.f32.msk $0xffff, v3  }
0x195: {  	v18 =	vadd.f32 $5.000000000e-01, v18;
	v16 =	vadd.f32 $5.000000000e-01, v16;
	v7 =	vmax.f32 v25, $0.0e+00;
	[tilespmem:v8+s17+$0x0] =	vst.idx.add.f32.msk $0xffff, v3  }
0x196: {  	v8 =	vmin.f32 v19, $1.990000000e+02;
	v19 =	vmax.f32 v26, $0.0e+00;
	v25 =	vmax.f32 v27, $0.0e+00;
	[tilespmem:v10+s17+$0x0] =	vst.idx.add.f32.msk $0xffff, v3  }
0x197: {  	v7 =	vmin.f32 v7, $1.990000000e+02;
	v10 =	vmin.f32 v23, $1.990000000e+02;
	v23 =	vmax.f32 v28, $0.0e+00;
	[tilespmem:v17+s17+$0x0] =	vst.idx.add.f32.msk $0xffff, v3  }
0x198: {  	v17 =	vmin.f32 v19, $1.990000000e+02;
	v19 =	vmin.f32 v25, $1.990000000e+02;
	v22 =	vmax.f32 v22, $0.0e+00;
	[tilespmem:v12+s17+$0x0] =	vst.idx.add.f32.msk $0xffff, v3  }
0x199: {  	v12 =	vtrunc.f32 v20;
	v20 =	vmin.f32 v23, $1.990000000e+02;
	v22 =	vmin.f32 v22, $1.990000000e+02;
	[tilespmem:v13+s17+$0x0] =	vst.idx.add.f32.msk $0xffff, v3  }
0x19a: {  	v13 =	vadd.f32 $5.000000000e-01, v8;
	v8 =	vtrunc.f32 v15;
	v15 =	vtrunc.f32 v21;
	[tilespmem:v11+s17+$0x0] =	vst.idx.add.f32.msk $0xffff, v3  }
0x19b: {  	v21 =	vadd.f32 $5.000000000e-01, v10;
	v10 =	vtrunc.f32 v14;
	v14 =	vtrunc.f32 v9;
	[tilespmem:v24+s17+$0x0] =	vst.idx.add.f32.msk $0xffff, v3  }
0x19c: {  	v18 =	vtrunc.f32 v18;
	v23 =	vadd.f32 $5.000000000e-01, v7;
	v24 =	vtrunc.f32 v16  }
0x19d: {  	v17 =	vadd.f32 $5.000000000e-01, v17;
	v25 =	vadd.f32 $5.000000000e-01, v19;
	v7 =	vcvt.f32.s32 v12  }
0x19e: {  	v8 =	vcvt.f32.s32 v8;
	v11 =	vadd.f32 $5.000000000e-01, v20;
	v9 =	vadd.f32 $5.000000000e-01, v22  }
.Ltmp6:
0x19f: {  	v12 =	vcvt.f32.s32 v15;
	v20 =	vcvt.f32.s32 v10;
	v7 =	vmul.u32 $0xC8, v7;
	(pc) =	sbr.rel @p1 .LBB2_10-.Ltmp6, $4  }
0x1a0: {  	v22 =	vcvt.f32.s32 v14;
	v15 =	vcvt.f32.s32 v18;
	v8 =	vmul.u32 $0xC8, v8  }
0x1a1: {  	v16 =	vtrunc.f32 v13;
	v10 =	vmul.u32 $0xC8, v12;
	v14 =	vcvt.f32.s32 v24  }
0x1a2: {  	v18 =	vtrunc.f32 v23;
	v19 =	vtrunc.f32 v21;
	v12 =	vmul.u32 $0xC8, v20  }
0x1a3: {  	s25 =	sadd.s32 $0x100, s25;
	v20 =	vtrunc.f32 v17;
	v17 =	vtrunc.f32 v25;
	v13 =	vmul.u32 $0xC8, v22  }
0x1a4: {  	v16 =	vcvt.f32.s32 v16  }
0x1a5: {  	v19 =	vcvt.f32.s32 v19;
	v5 =	vadd.s32 v6, v5  }
0x1a6: {  	v18 =	vcvt.f32.s32 v18;
	v11 =	vtrunc.f32 v11;
	v7 =	vadd.s32 v16, v7  }
0x1a7: {  	v17 =	vcvt.f32.s32 v17;
	v15 =	vmul.u32 $0xC8, v15;
	v8 =	vadd.s32 v19, v8  }
0x1a8: {  	v9 =	vtrunc.f32 v9;
	v11 =	vcvt.f32.s32 v11;
	v10 =	vadd.s32 v18, v10  }
0x1a9: {  	v14 =	vmul.u32 $0xC8, v14;
	v9 =	vcvt.f32.s32 v9;
	v13 =	vadd.s32 v17, v13  }
0x1aa: {  	v16 =	vcvt.f32.s32 v20;
	v11 =	vadd.s32 v11, v15;
	[tilespmem:v5+s17+$0x0] =	vst.idx.add.f32.msk $0xffff, v3  }
0x1ab: {  	v6 =	vadd.s32 v9, v14;
	[tilespmem:v7+s17+$0x0] =	vst.idx.add.f32.msk $0xffff, v3  }
0x1ac: {  	v12 =	vadd.s32 v16, v12;
	[tilespmem:v8+s17+$0x0] =	vst.idx.add.f32.msk $0xffff, v3  }
0x1ad: {  	[tilespmem:v10+s17+$0x0] =	vst.idx.add.f32.msk $0xffff, v3  }
0x1ae: {  	[tilespmem:v13+s17+$0x0] =	vst.idx.add.f32.msk $0xffff, v3  }
0x1af: {  	[tilespmem:v11+s17+$0x0] =	vst.idx.add.f32.msk $0xffff, v3  }
0x1b0: {  	[tilespmem:v6+s17+$0x0] =	vst.idx.add.f32.msk $0xffff, v3  }
0x1b1: {  	[tilespmem:v12+s17+$0x0] =	vst.idx.add.f32.msk $0xffff, v3  }
0x1b2: {  	[tilespmem:s3], [sflag:$0x1] =	stream.linear.gather [hbm4b:s8+s3], $0x4000, $0x38;
	[tilespmem:$0x11D80] =	vst v63  }
0x1b3: {  	_ =	swait.ge [sflag:s18], $0x4000  }
0x1b4: {  	[sflag:s18] =	ssyncset.done $0x0  }
0x1b5: {  	s0 =	simm.s32 $0x4080;
	[sflag:s18] =	ssyncadd.s32 $0xFFFFC000  }
0x1b6: {  	v5 =	vld [tilespmem:s0+$0xFFFFFFF0]  }
0x1b7: {  	v6 =	vld [tilespmem:s0+$0xFFFFFF90]  }
0x1b8: {  	v7 =	vld [tilespmem:s0+$0x70]  }
0x1b9: {  	v8 =	vld [tilespmem:s0+$0xFFFFFFA0]  }
0x1ba: {  	v9 =	vld [tilespmem:s0+$0xFFFFFFB0]  }
0x1bb: {  	v10 =	vld [tilespmem:s0+$0xFFFFFFC0]  }
0x1bc: {  	v11 =	vld [tilespmem:s0+$0xFFFFFFD0]  }
0x1bd: {  	v12 =	vld [tilespmem:s0+$0xFFFFFFE0]  }
0x1be: {  	v13 =	vld [tilespmem:s0+$0xFFFFFF80]  }
0x1bf: {  	v15 =	vld [tilespmem:s0+$0x10]  }
0x1c0: {  	v16 =	vld [tilespmem:s0+$0x20]  }
0x1c1: {  	v17 =	vld [tilespmem:s0+$0x30]  }
0x1c2: {  	v18 =	vld [tilespmem:s0+$0x40]  }
0x1c3: {  	s31 =	simm.s32 $0x4180;
	v19 =	vld [tilespmem:s0+$0x50]  }
0x1c4: {  	v24 =	vld [tilespmem:s31+$0x10]  }
0x1c5: {  	v25 =	vld [tilespmem:s31+$0x20]  }
0x1c6: {  	v26 =	vld [tilespmem:s31+$0x30];
	v5 =	vmax.f32 v5, $0.0e+00;
	v6 =	vmax.f32 v6, $0.0e+00  }
0x1c7: {  	v27 =	vld [tilespmem:s31+$0x40];
	v7 =	vmax.f32 v7, $0.0e+00;
	v8 =	vmax.f32 v8, $0.0e+00;
	v9 =	vmax.f32 v9, $0.0e+00  }
0x1c8: {  	v10 =	vmax.f32 v10, $0.0e+00;
	v11 =	vmax.f32 v11, $0.0e+00;
	v12 =	vmax.f32 v12, $0.0e+00  }
0x1c9: {  	v13 =	vmax.f32 v13, $0.0e+00;
	v15 =	vmax.f32 v15, $0.0e+00;
	v16 =	vmax.f32 v16, $0.0e+00  }
0x1ca: {  	v17 =	vmax.f32 v17, $0.0e+00;
	v18 =	vmax.f32 v18, $0.0e+00;
	v19 =	vmax.f32 v19, $0.0e+00  }
0x1cb: {  	v24 =	vmax.f32 v24, $0.0e+00;
	v25 =	vmax.f32 v25, $0.0e+00;
	v26 =	vmax.f32 v26, $0.0e+00  }
0x1cc: {  	v27 =	vmax.f32 v27, $0.0e+00;
	v5 =	vmin.f32 v5, $1.990000000e+02;
	v6 =	vmin.f32 v6, $1.990000000e+02  }
0x1cd: {  	v7 =	vmin.f32 v7, $1.990000000e+02;
	v8 =	vmin.f32 v8, $1.990000000e+02;
	v9 =	vmin.f32 v9, $1.990000000e+02  }
0x1ce: {  	v10 =	vmin.f32 v10, $1.990000000e+02;
	v11 =	vmin.f32 v11, $1.990000000e+02;
	v13 =	vmin.f32 v13, $1.990000000e+02  }
0x1cf: {  	v12 =	vmin.f32 v12, $1.990000000e+02;
	v15 =	vmin.f32 v15, $1.990000000e+02;
	v5 =	vadd.f32 $5.000000000e-01, v5  }
0x1d0: {  	v16 =	vmin.f32 v16, $1.990000000e+02;
	v6 =	vadd.f32 $5.000000000e-01, v6;
	v7 =	vadd.f32 $5.000000000e-01, v7  }
0x1d1: {  	v17 =	vmin.f32 v17, $1.990000000e+02;
	v13 =	vadd.f32 $5.000000000e-01, v13;
	v8 =	vadd.f32 $5.000000000e-01, v8  }
0x1d2: {  	v18 =	vmin.f32 v18, $1.990000000e+02;
	v9 =	vadd.f32 $5.000000000e-01, v9;
	v10 =	vadd.f32 $5.000000000e-01, v10  }
0x1d3: {  	v19 =	vmin.f32 v19, $1.990000000e+02;
	v11 =	vadd.f32 $5.000000000e-01, v11;
	v12 =	vadd.f32 $5.000000000e-01, v12  }
0x1d4: {  	v28 =	vld [tilespmem:s31+$0x50];
	v15 =	vadd.f32 $5.000000000e-01, v15;
	v5 =	vtrunc.f32 v5;
	v7 =	vtrunc.f32 v7  }
0x1d5: {  	v16 =	vadd.f32 $5.000000000e-01, v16;
	v13 =	vtrunc.f32 v13;
	v6 =	vtrunc.f32 v6  }
0x1d6: {  	v17 =	vadd.f32 $5.000000000e-01, v17;
	v8 =	vtrunc.f32 v8;
	v9 =	vtrunc.f32 v9  }
0x1d7: {  	v18 =	vadd.f32 $5.000000000e-01, v18;
	v10 =	vtrunc.f32 v10;
	v11 =	vtrunc.f32 v11  }
0x1d8: {  	v19 =	vadd.f32 $5.000000000e-01, v19;
	v12 =	vtrunc.f32 v12;
	v15 =	vtrunc.f32 v15  }
0x1d9: {  	v28 =	vmax.f32 v28, $0.0e+00;
	v16 =	vtrunc.f32 v16;
	v17 =	vtrunc.f32 v17  }
0x1da: {  	v24 =	vmin.f32 v24, $1.990000000e+02;
	v18 =	vtrunc.f32 v18;
	v19 =	vtrunc.f32 v19  }
0x1db: {  	v25 =	vmin.f32 v25, $1.990000000e+02;
	v5 =	vcvt.f32.s32 v5;
	v7 =	vcvt.f32.s32 v7  }
0x1dc: {  	v26 =	vmin.f32 v26, $1.990000000e+02;
	v13 =	vcvt.f32.s32 v13;
	v6 =	vcvt.f32.s32 v6  }
0x1dd: {  	v27 =	vmin.f32 v27, $1.990000000e+02;
	v8 =	vcvt.f32.s32 v8;
	v9 =	vcvt.f32.s32 v9  }
0x1de: {  	v28 =	vmin.f32 v28, $1.990000000e+02;
	v10 =	vcvt.f32.s32 v10;
	v11 =	vcvt.f32.s32 v11  }
0x1df: {  	v14 =	vld [tilespmem:s0+$0x0];
	v24 =	vadd.f32 $5.000000000e-01, v24;
	v12 =	vcvt.f32.s32 v12;
	v15 =	vcvt.f32.s32 v15  }
0x1e0: {  	v20 =	vld [tilespmem:s31+$0xFFFFFFF0];
	v25 =	vadd.f32 $5.000000000e-01, v25;
	v16 =	vcvt.f32.s32 v16;
	v17 =	vcvt.f32.s32 v17  }
0x1e1: {  	v21 =	vld [tilespmem:s31+$0xFFFFFF90];
	v63 =	vadd.f32 $5.000000000e-01, v27;
	v18 =	vcvt.f32.s32 v18;
	v19 =	vcvt.f32.s32 v19  }
0x1e2: {  	v23 =	vld [tilespmem:s31+$0xFFFFFFA0];
	v5 =	vmul.u32 $0xC8, v5;
	v6 =	vmul.u32 $0xC8, v6;
	v8 =	vmul.u32 $0xC8, v8  }
0x1e3: {  	v9 =	vmul.u32 $0xC8, v9;
	v10 =	vmul.u32 $0xC8, v10;
	v11 =	vmul.u32 $0xC8, v11  }
0x1e4: {  	v7 =	vadd.s32 v7, v5;
	v5 =	vmax.f32 v14, $0.0e+00;
	v15 =	vadd.s32 v15, v6  }
0x1e5: {  	v8 =	vadd.s32 v16, v8;
	v16 =	vmax.f32 v20, $0.0e+00;
	v17 =	vadd.s32 v17, v9  }
0x1e6: {  	v14 =	vld [tilespmem:s0+$0x60];
	v18 =	vadd.s32 v18, v10;
	v9 =	vmax.f32 v21, $0.0e+00;
	v20 =	vadd.s32 v19, v11  }
0x1e7: {  	v10 =	vld [tilespmem:s31+$0xFFFFFFD0];
	v21 =	vmax.f32 v23, $0.0e+00;
	v5 =	vmin.f32 v5, $1.990000000e+02;
	v16 =	vmin.f32 v16, $1.990000000e+02  }
0x1e8: {  	v11 =	vld [tilespmem:s31+$0xFFFFFFE0];
	v9 =	vmin.f32 v9, $1.990000000e+02;
	v5 =	vadd.f32 $5.000000000e-01, v5;
	v16 =	vadd.f32 $5.000000000e-01, v16  }
0x1e9: {  	v13 =	vmul.u32 $0xC8, v13;
	v19 =	vld [tilespmem:s31+$0xFFFFFF80];
	v21 =	vmin.f32 v21, $1.990000000e+02;
	v9 =	vadd.f32 $5.000000000e-01, v9  }
0x1ea: {  	v21 =	vadd.f32 $5.000000000e-01, v21;
	v5 =	vtrunc.f32 v5;
	v16 =	vtrunc.f32 v16  }
0x1eb: {  	v9 =	vtrunc.f32 v9;
	v22 =	vcvt.f32.s32 v5;
	v5 =	vmul.u32 $0xC8, v12;
	v12 =	vld [tilespmem:s31+$0x70]  }
0x1ec: {  	v21 =	vtrunc.f32 v21;
	v14 =	vmax.f32 v14, $0.0e+00;
	v16 =	vcvt.f32.s32 v16;
	[tilespmem:v15+s17+$0x0] =	vst.idx.add.f32.msk $0xffff, v3  }
0x1ed: {  	v10 =	vmax.f32 v10, $0.0e+00;
	v11 =	vmax.f32 v11, $0.0e+00;
	v15 =	vcvt.f32.s32 v9;
	[tilespmem:v17+s17+$0x0] =	vst.idx.add.f32.msk $0xffff, v3  }
0x1ee: {  	v19 =	vmax.f32 v19, $0.0e+00;
	[tilespmem:v18+s17+$0x0] =	vst.idx.add.f32.msk $0xffff, v3;
	v18 =	vtrunc.f32 v25;
	v17 =	vtrunc.f32 v63  }
0x1ef: {  	v14 =	vmin.f32 v14, $1.990000000e+02;
	v10 =	vmin.f32 v10, $1.990000000e+02;
	v19 =	vmin.f32 v19, $1.990000000e+02  }
0x1f0: {  	v11 =	vmin.f32 v11, $1.990000000e+02;
	v14 =	vadd.f32 $5.000000000e-01, v14;
	v12 =	vmax.f32 v12, $0.0e+00  }
0x1f1: {  	v13 =	vadd.s32 v22, v13;
	v22 =	vld [tilespmem:s31+$0xFFFFFFB0];
	v19 =	vadd.f32 $5.000000000e-01, v19;
	v12 =	vmin.f32 v12, $1.990000000e+02  }
0x1f2: {  	v23 =	vld [tilespmem:s31+$0x0];
	v10 =	vadd.f32 $5.000000000e-01, v10;
	v14 =	vtrunc.f32 v14;
	v12 =	vadd.f32 $5.000000000e-01, v12  }
0x1f3: {  	v11 =	vadd.f32 $5.000000000e-01, v11;
	v19 =	vtrunc.f32 v19;
	v6 =	vcvt.f32.s32 v14;
	v14 =	vld [tilespmem:s31+$0xFFFFFFC0]  }
0x1f4: {  	v16 =	vmul.u32 $0xC8, v16;
	v10 =	vtrunc.f32 v10;
	v12 =	vtrunc.f32 v12  }
0x1f5: {  	[tilespmem:v8+s17+$0x0] =	vst.idx.add.f32.msk $0xffff, v3;
	v8 =	vmul.u32 $0xC8, v15;
	v29 =	vtrunc.f32 v11;
	v12 =	vcvt.f32.s32 v12  }
0x1f6: {  	[tilespmem:v7+s17+$0x0] =	vst.idx.add.f32.msk $0xffff, v3;
	v11 =	vadd.f32 $5.000000000e-01, v28;
	v7 =	vcvt.f32.s32 v19;
	v22 =	vmax.f32 v22, $0.0e+00  }
0x1f7: {  	v22 =	vmin.f32 v22, $1.990000000e+02;
	v12 =	vadd.s32 v12, v16;
	v16 =	vmax.f32 v23, $0.0e+00;
	v23 =	vld [tilespmem:s31+$0x60]  }
0x1f8: {  	v19 =	vcvt.f32.s32 v21;
	v22 =	vadd.f32 $5.000000000e-01, v22;
	v14 =	vmax.f32 v14, $0.0e+00  }
0x1f9: {  	v15 =	vcvt.f32.s32 v10;
	[tilespmem:v13+s17+$0x0] =	vst.idx.add.f32.msk $0xffff, v3;
	v13 =	vadd.f32 $5.000000000e-01, v26;
	v14 =	vmin.f32 v14, $1.990000000e+02  }
0x1fa: {  	v7 =	vmul.u32 $0xC8, v7;
	v22 =	vtrunc.f32 v22;
	v14 =	vadd.f32 $5.000000000e-01, v14  }
0x1fb: {  	v10 =	vmul.u32 $0xC8, v19;
	v19 =	vtrunc.f32 v24;
	v21 =	vcvt.f32.s32 v22  }
0x1fc: {  	v16 =	vmin.f32 v16, $1.990000000e+02;
	v14 =	vtrunc.f32 v14;
	v23 =	vmax.f32 v23, $0.0e+00  }
0x1fd: {  	v16 =	vadd.f32 $5.000000000e-01, v16;
	v22 =	vcvt.f32.s32 v14;
	v23 =	vmin.f32 v23, $1.990000000e+02  }
0x1fe: {  	[tilespmem:v20+s17+$0x0] =	vst.idx.add.f32.msk $0xffff, v3;
	v20 =	vtrunc.f32 v13;
	v14 =	vcvt.f32.s32 v29;
	v9 =	vadd.f32 $5.000000000e-01, v23  }
0x1ff: {  	s24 =	simm.s32 $0x8;
	s25 =	simm.s32 $0x4280;
	v16 =	vtrunc.f32 v16;
	[tilespmem:v12+s17+$0x0] =	vst.idx.add.f32.msk $0xffff, v3;
	v12 =	vmul.u32 $0xC8, v21;
	v13 =	vmul.u32 $0xC8, v22  }
.LBB2_12:
0x200: {  	v21 =	vld [tilespmem:s25+$0xFFFFFFF0];
	s24 =	sadd.s32 $0x8, s24;
	v11 =	vtrunc.f32 v11;
	v15 =	vmul.u32 $0xC8, v15;
	v9 =	vtrunc.f32 v9  }
0x201: {  	v16 =	vcvt.f32.s32 v16;
	v19 =	vcvt.f32.s32 v19;
	v14 =	vmul.u32 $0xC8, v14;
	v22 =	vld [tilespmem:s25+$0xFFFFFF90];
	p1 =	slt.u32 s24, $0x1F8  }
0x202: {  	v18 =	vcvt.f32.s32 v18;
	v20 =	vcvt.f32.s32 v20;
	v24 =	vadd.s32 v6, v5;
	v23 =	vld [tilespmem:s25+$0x70]  }
0x203: {  	v11 =	vcvt.f32.s32 v11;
	v7 =	vadd.s32 v16, v7;
	v16 =	vcvt.f32.s32 v17;
	v5 =	vmovc v14;
	v25 =	vld [tilespmem:s25+$0xFFFFFFA0]  }
0x204: {  	v6 =	vcvt.f32.s32 v9;
	v8 =	vadd.s32 v19, v8;
	v10 =	vadd.s32 v18, v10;
	v14 =	vld [tilespmem:s25+$0xFFFFFFB0]  }
0x205: {  	v12 =	vadd.s32 v20, v12;
	v13 =	vadd.s32 v16, v13;
	v9 =	vld [tilespmem:s25+$0xFFFFFFC0];
	v17 =	vmax.f32 v21, $0.0e+00  }
0x206: {  	v11 =	vadd.s32 v11, v15;
	v16 =	vmax.f32 v22, $0.0e+00;
	v18 =	vld [tilespmem:s25+$0xFFFFFFD0];
	v17 =	vmin.f32 v17, $1.990000000e+02  }
0x207: {  	v15 =	vmin.f32 v16, $1.990000000e+02;
	v16 =	vld [tilespmem:s25+$0xFFFFFFE0];
	v19 =	vmax.f32 v23, $0.0e+00;
	v17 =	vadd.f32 $5.000000000e-01, v17  }
0x208: {  	v20 =	vld [tilespmem:s25+$0xFFFFFF80];
	v15 =	vadd.f32 $5.000000000e-01, v15;
	v21 =	vmax.f32 v25, $0.0e+00;
	v19 =	vmin.f32 v19, $1.990000000e+02  }
0x209: {  	v22 =	vld [tilespmem:s25+$0x0];
	v14 =	vmax.f32 v14, $0.0e+00;
	v17 =	vtrunc.f32 v17;
	v19 =	vadd.f32 $5.000000000e-01, v19  }
0x20a: {  	v21 =	vmin.f32 v21, $1.990000000e+02;
	v23 =	vld [tilespmem:s25+$0x10];
	v9 =	vmax.f32 v9, $0.0e+00;
	v17 =	vcvt.f32.s32 v17  }
0x20b: {  	v14 =	vmin.f32 v14, $1.990000000e+02;
	v25 =	vld [tilespmem:s25+$0x20];
	v18 =	vmax.f32 v18, $0.0e+00;
	v19 =	vtrunc.f32 v19  }
0x20c: {  	v26 =	vld [tilespmem:s25+$0x30];
	v16 =	vmax.f32 v16, $0.0e+00;
	v19 =	vcvt.f32.s32 v19;
	v17 =	vmul.u32 $0xC8, v17  }
0x20d: {  	v9 =	vmin.f32 v9, $1.990000000e+02;
	v18 =	vmin.f32 v18, $1.990000000e+02;
	v20 =	vmax.f32 v20, $0.0e+00;
	v27 =	vld [tilespmem:s25+$0x40]  }
0x20e: {  	v16 =	vmin.f32 v16, $1.990000000e+02;
	v20 =	vmin.f32 v20, $1.990000000e+02;
	v28 =	vld [tilespmem:s25+$0x50];
	v17 =	vadd.s32 v19, v17  }
0x20f: {  	v21 =	vadd.f32 $5.000000000e-01, v21;
	v19 =	vmax.f32 v22, $0.0e+00;
	v20 =	vadd.f32 $5.000000000e-01, v20;
	v22 =	vld [tilespmem:s25+$0x60]  }
0x210: {  	v14 =	vadd.f32 $5.000000000e-01, v14;
	v9 =	vadd.f32 $5.000000000e-01, v9;
	v23 =	vmax.f32 v23, $0.0e+00;
	[tilespmem:v7+s17+$0x0] =	vst.idx.add.f32.msk $0xffff, v3  }
0x211: {  	v18 =	vadd.f32 $5.000000000e-01, v18;
	v16 =	vadd.f32 $5.000000000e-01, v16;
	v7 =	vmax.f32 v25, $0.0e+00;
	[tilespmem:v8+s17+$0x0] =	vst.idx.add.f32.msk $0xffff, v3  }
0x212: {  	v8 =	vmin.f32 v19, $1.990000000e+02;
	v19 =	vmax.f32 v26, $0.0e+00;
	v25 =	vmax.f32 v27, $0.0e+00;
	[tilespmem:v10+s17+$0x0] =	vst.idx.add.f32.msk $0xffff, v3  }
0x213: {  	v7 =	vmin.f32 v7, $1.990000000e+02;
	v10 =	vmin.f32 v23, $1.990000000e+02;
	v23 =	vmax.f32 v28, $0.0e+00;
	[tilespmem:v17+s17+$0x0] =	vst.idx.add.f32.msk $0xffff, v3  }
0x214: {  	v17 =	vmin.f32 v19, $1.990000000e+02;
	v19 =	vmin.f32 v25, $1.990000000e+02;
	v22 =	vmax.f32 v22, $0.0e+00;
	[tilespmem:v12+s17+$0x0] =	vst.idx.add.f32.msk $0xffff, v3  }
0x215: {  	v12 =	vtrunc.f32 v20;
	v20 =	vmin.f32 v23, $1.990000000e+02;
	v22 =	vmin.f32 v22, $1.990000000e+02;
	[tilespmem:v13+s17+$0x0] =	vst.idx.add.f32.msk $0xffff, v3  }
0x216: {  	v13 =	vadd.f32 $5.000000000e-01, v8;
	v8 =	vtrunc.f32 v15;
	v15 =	vtrunc.f32 v21;
	[tilespmem:v11+s17+$0x0] =	vst.idx.add.f32.msk $0xffff, v3  }
0x217: {  	v21 =	vadd.f32 $5.000000000e-01, v10;
	v10 =	vtrunc.f32 v14;
	v14 =	vtrunc.f32 v9;
	[tilespmem:v24+s17+$0x0] =	vst.idx.add.f32.msk $0xffff, v3  }
0x218: {  	v18 =	vtrunc.f32 v18;
	v23 =	vadd.f32 $5.000000000e-01, v7;
	v24 =	vtrunc.f32 v16  }
0x219: {  	v17 =	vadd.f32 $5.000000000e-01, v17;
	v25 =	vadd.f32 $5.000000000e-01, v19;
	v7 =	vcvt.f32.s32 v12  }
0x21a: {  	v8 =	vcvt.f32.s32 v8;
	v11 =	vadd.f32 $5.000000000e-01, v20;
	v9 =	vadd.f32 $5.000000000e-01, v22  }
.Ltmp7:
0x21b: {  	v12 =	vcvt.f32.s32 v15;
	v20 =	vcvt.f32.s32 v10;
	v7 =	vmul.u32 $0xC8, v7;
	(pc) =	sbr.rel @p1 .LBB2_12-.Ltmp7, $4  }
0x21c: {  	v22 =	vcvt.f32.s32 v14;
	v15 =	vcvt.f32.s32 v18;
	v8 =	vmul.u32 $0xC8, v8  }
0x21d: {  	v16 =	vtrunc.f32 v13;
	v10 =	vmul.u32 $0xC8, v12;
	v14 =	vcvt.f32.s32 v24  }
0x21e: {  	v18 =	vtrunc.f32 v23;
	v19 =	vtrunc.f32 v21;
	v12 =	vmul.u32 $0xC8, v20  }
0x21f: {  	s25 =	sadd.s32 $0x100, s25;
	v20 =	vtrunc.f32 v17;
	v17 =	vtrunc.f32 v25;
	v13 =	vmul.u32 $0xC8, v22  }
0x220: {  	v16 =	vcvt.f32.s32 v16  }
0x221: {  	v19 =	vcvt.f32.s32 v19;
	v5 =	vadd.s32 v6, v5  }
0x222: {  	v18 =	vcvt.f32.s32 v18;
	v11 =	vtrunc.f32 v11;
	v7 =	vadd.s32 v16, v7  }
0x223: {  	v17 =	vcvt.f32.s32 v17;
	v15 =	vmul.u32 $0xC8, v15;
	v8 =	vadd.s32 v19, v8  }
0x224: {  	v9 =	vtrunc.f32 v9;
	v11 =	vcvt.f32.s32 v11;
	v10 =	vadd.s32 v18, v10  }
0x225: {  	v14 =	vmul.u32 $0xC8, v14;
	v9 =	vcvt.f32.s32 v9;
	v13 =	vadd.s32 v17, v13  }
0x226: {  	v16 =	vcvt.f32.s32 v20;
	v11 =	vadd.s32 v11, v15;
	[tilespmem:v5+s17+$0x0] =	vst.idx.add.f32.msk $0xffff, v3  }
0x227: {  	v6 =	vadd.s32 v9, v14;
	[tilespmem:v7+s17+$0x0] =	vst.idx.add.f32.msk $0xffff, v3  }
0x228: {  	v12 =	vadd.s32 v16, v12;
	[tilespmem:v8+s17+$0x0] =	vst.idx.add.f32.msk $0xffff, v3  }
0x229: {  	[tilespmem:v10+s17+$0x0] =	vst.idx.add.f32.msk $0xffff, v3  }
0x22a: {  	[tilespmem:v13+s17+$0x0] =	vst.idx.add.f32.msk $0xffff, v3  }
0x22b: {  	[tilespmem:v11+s17+$0x0] =	vst.idx.add.f32.msk $0xffff, v3  }
0x22c: {  	[tilespmem:v6+s17+$0x0] =	vst.idx.add.f32.msk $0xffff, v3  }
0x22d: {  	[tilespmem:v12+s17+$0x0] =	vst.idx.add.f32.msk $0xffff, v3  }
0x22e: {  	[tilespmem:s15], [sflag:$0x2] =	stream.linear.gather [hbm4b:s9+s3], $0x4000, $0x38;
	[tilespmem:$0x11D80] =	vst v63  }
0x22f: {  	_ =	swait.ge [sflag:s16], $0x4000  }
0x230: {  	[sflag:s16] =	ssyncset.done $0x0  }
0x231: {  	s0 =	simm.s32 $0x80;
	[sflag:s16] =	ssyncadd.s32 $0xFFFFC000  }
0x232: {  	v5 =	vld [tilespmem:s0+$0xFFFFFFF0]  }
0x233: {  	v6 =	vld [tilespmem:s0+$0xFFFFFF90]  }
0x234: {  	v7 =	vld [tilespmem:s0+$0x70]  }
0x235: {  	v8 =	vld [tilespmem:s0+$0xFFFFFFA0]  }
0x236: {  	v9 =	vld [tilespmem:s0+$0xFFFFFFB0]  }
0x237: {  	v10 =	vld [tilespmem:s0+$0xFFFFFFC0]  }
0x238: {  	v11 =	vld [tilespmem:s0+$0xFFFFFFD0]  }
0x239: {  	v12 =	vld [tilespmem:s0+$0xFFFFFFE0]  }
0x23a: {  	v13 =	vld [tilespmem:s0+$0xFFFFFF80]  }
0x23b: {  	v15 =	vld [tilespmem:s0+$0x10]  }
0x23c: {  	v16 =	vld [tilespmem:s0+$0x20]  }
0x23d: {  	v17 =	vld [tilespmem:s0+$0x30]  }
0x23e: {  	v18 =	vld [tilespmem:s0+$0x40]  }
0x23f: {  	s31 =	simm.s32 $0x180;
	v19 =	vld [tilespmem:s0+$0x50]  }
0x240: {  	v24 =	vld [tilespmem:s31+$0x10]  }
0x241: {  	v25 =	vld [tilespmem:s31+$0x20]  }
0x242: {  	v26 =	vld [tilespmem:s31+$0x30];
	v5 =	vmax.f32 v5, $0.0e+00;
	v6 =	vmax.f32 v6, $0.0e+00  }
0x243: {  	v27 =	vld [tilespmem:s31+$0x40];
	v7 =	vmax.f32 v7, $0.0e+00;
	v8 =	vmax.f32 v8, $0.0e+00;
	v9 =	vmax.f32 v9, $0.0e+00  }
0x244: {  	v10 =	vmax.f32 v10, $0.0e+00;
	v11 =	vmax.f32 v11, $0.0e+00;
	v12 =	vmax.f32 v12, $0.0e+00  }
0x245: {  	v13 =	vmax.f32 v13, $0.0e+00;
	v15 =	vmax.f32 v15, $0.0e+00;
	v16 =	vmax.f32 v16, $0.0e+00  }
0x246: {  	v17 =	vmax.f32 v17, $0.0e+00;
	v18 =	vmax.f32 v18, $0.0e+00;
	v19 =	vmax.f32 v19, $0.0e+00  }
0x247: {  	v24 =	vmax.f32 v24, $0.0e+00;
	v25 =	vmax.f32 v25, $0.0e+00;
	v26 =	vmax.f32 v26, $0.0e+00  }
0x248: {  	v27 =	vmax.f32 v27, $0.0e+00;
	v5 =	vmin.f32 v5, $1.990000000e+02;
	v6 =	vmin.f32 v6, $1.990000000e+02  }
0x249: {  	v7 =	vmin.f32 v7, $1.990000000e+02;
	v8 =	vmin.f32 v8, $1.990000000e+02;
	v9 =	vmin.f32 v9, $1.990000000e+02  }
0x24a: {  	v10 =	vmin.f32 v10, $1.990000000e+02;
	v11 =	vmin.f32 v11, $1.990000000e+02;
	v13 =	vmin.f32 v13, $1.990000000e+02  }
0x24b: {  	v12 =	vmin.f32 v12, $1.990000000e+02;
	v15 =	vmin.f32 v15, $1.990000000e+02;
	v5 =	vadd.f32 $5.000000000e-01, v5  }
0x24c: {  	v16 =	vmin.f32 v16, $1.990000000e+02;
	v6 =	vadd.f32 $5.000000000e-01, v6;
	v7 =	vadd.f32 $5.000000000e-01, v7  }
0x24d: {  	v17 =	vmin.f32 v17, $1.990000000e+02;
	v13 =	vadd.f32 $5.000000000e-01, v13;
	v8 =	vadd.f32 $5.000000000e-01, v8  }
0x24e: {  	v18 =	vmin.f32 v18, $1.990000000e+02;
	v9 =	vadd.f32 $5.000000000e-01, v9;
	v10 =	vadd.f32 $5.000000000e-01, v10  }
0x24f: {  	v19 =	vmin.f32 v19, $1.990000000e+02;
	v11 =	vadd.f32 $5.000000000e-01, v11;
	v12 =	vadd.f32 $5.000000000e-01, v12  }
0x250: {  	v28 =	vld [tilespmem:s31+$0x50];
	v15 =	vadd.f32 $5.000000000e-01, v15;
	v5 =	vtrunc.f32 v5;
	v7 =	vtrunc.f32 v7  }
0x251: {  	v16 =	vadd.f32 $5.000000000e-01, v16;
	v13 =	vtrunc.f32 v13;
	v6 =	vtrunc.f32 v6  }
0x252: {  	v17 =	vadd.f32 $5.000000000e-01, v17;
	v8 =	vtrunc.f32 v8;
	v9 =	vtrunc.f32 v9  }
0x253: {  	v18 =	vadd.f32 $5.000000000e-01, v18;
	v10 =	vtrunc.f32 v10;
	v11 =	vtrunc.f32 v11  }
0x254: {  	v19 =	vadd.f32 $5.000000000e-01, v19;
	v12 =	vtrunc.f32 v12;
	v15 =	vtrunc.f32 v15  }
0x255: {  	v28 =	vmax.f32 v28, $0.0e+00;
	v16 =	vtrunc.f32 v16;
	v17 =	vtrunc.f32 v17  }
0x256: {  	v24 =	vmin.f32 v24, $1.990000000e+02;
	v18 =	vtrunc.f32 v18;
	v19 =	vtrunc.f32 v19  }
0x257: {  	v25 =	vmin.f32 v25, $1.990000000e+02;
	v5 =	vcvt.f32.s32 v5;
	v7 =	vcvt.f32.s32 v7  }
0x258: {  	v26 =	vmin.f32 v26, $1.990000000e+02;
	v13 =	vcvt.f32.s32 v13;
	v6 =	vcvt.f32.s32 v6  }
0x259: {  	v27 =	vmin.f32 v27, $1.990000000e+02;
	v8 =	vcvt.f32.s32 v8;
	v9 =	vcvt.f32.s32 v9  }
0x25a: {  	v28 =	vmin.f32 v28, $1.990000000e+02;
	v10 =	vcvt.f32.s32 v10;
	v11 =	vcvt.f32.s32 v11  }
0x25b: {  	v14 =	vld [tilespmem:s0+$0x0];
	v24 =	vadd.f32 $5.000000000e-01, v24;
	v12 =	vcvt.f32.s32 v12;
	v15 =	vcvt.f32.s32 v15  }
0x25c: {  	v20 =	vld [tilespmem:s31+$0xFFFFFFF0];
	v25 =	vadd.f32 $5.000000000e-01, v25;
	v16 =	vcvt.f32.s32 v16;
	v17 =	vcvt.f32.s32 v17  }
0x25d: {  	v21 =	vld [tilespmem:s31+$0xFFFFFF90];
	v63 =	vadd.f32 $5.000000000e-01, v27;
	v18 =	vcvt.f32.s32 v18;
	v19 =	vcvt.f32.s32 v19  }
0x25e: {  	v23 =	vld [tilespmem:s31+$0xFFFFFFA0];
	v5 =	vmul.u32 $0xC8, v5;
	v6 =	vmul.u32 $0xC8, v6;
	v8 =	vmul.u32 $0xC8, v8  }
0x25f: {  	v9 =	vmul.u32 $0xC8, v9;
	v10 =	vmul.u32 $0xC8, v10;
	v11 =	vmul.u32 $0xC8, v11  }
0x260: {  	v7 =	vadd.s32 v7, v5;
	v5 =	vmax.f32 v14, $0.0e+00;
	v15 =	vadd.s32 v15, v6  }
0x261: {  	v8 =	vadd.s32 v16, v8;
	v16 =	vmax.f32 v20, $0.0e+00;
	v17 =	vadd.s32 v17, v9  }
0x262: {  	v14 =	vld [tilespmem:s0+$0x60];
	v18 =	vadd.s32 v18, v10;
	v9 =	vmax.f32 v21, $0.0e+00;
	v20 =	vadd.s32 v19, v11  }
0x263: {  	v10 =	vld [tilespmem:s31+$0xFFFFFFD0];
	v21 =	vmax.f32 v23, $0.0e+00;
	v5 =	vmin.f32 v5, $1.990000000e+02;
	v16 =	vmin.f32 v16, $1.990000000e+02  }
0x264: {  	v11 =	vld [tilespmem:s31+$0xFFFFFFE0];
	v9 =	vmin.f32 v9, $1.990000000e+02;
	v5 =	vadd.f32 $5.000000000e-01, v5;
	v16 =	vadd.f32 $5.000000000e-01, v16  }
0x265: {  	v13 =	vmul.u32 $0xC8, v13;
	v19 =	vld [tilespmem:s31+$0xFFFFFF80];
	v21 =	vmin.f32 v21, $1.990000000e+02;
	v9 =	vadd.f32 $5.000000000e-01, v9  }
0x266: {  	v21 =	vadd.f32 $5.000000000e-01, v21;
	v5 =	vtrunc.f32 v5;
	v16 =	vtrunc.f32 v16  }
0x267: {  	v9 =	vtrunc.f32 v9;
	v22 =	vcvt.f32.s32 v5;
	v5 =	vmul.u32 $0xC8, v12;
	v12 =	vld [tilespmem:s31+$0x70]  }
0x268: {  	v21 =	vtrunc.f32 v21;
	v14 =	vmax.f32 v14, $0.0e+00;
	v16 =	vcvt.f32.s32 v16;
	[tilespmem:v15+s17+$0x0] =	vst.idx.add.f32.msk $0xffff, v3  }
0x269: {  	v10 =	vmax.f32 v10, $0.0e+00;
	v11 =	vmax.f32 v11, $0.0e+00;
	v15 =	vcvt.f32.s32 v9;
	[tilespmem:v17+s17+$0x0] =	vst.idx.add.f32.msk $0xffff, v3  }
0x26a: {  	v19 =	vmax.f32 v19, $0.0e+00;
	[tilespmem:v18+s17+$0x0] =	vst.idx.add.f32.msk $0xffff, v3;
	v18 =	vtrunc.f32 v25;
	v17 =	vtrunc.f32 v63  }
0x26b: {  	v14 =	vmin.f32 v14, $1.990000000e+02;
	v10 =	vmin.f32 v10, $1.990000000e+02;
	v19 =	vmin.f32 v19, $1.990000000e+02  }
0x26c: {  	v11 =	vmin.f32 v11, $1.990000000e+02;
	v14 =	vadd.f32 $5.000000000e-01, v14;
	v12 =	vmax.f32 v12, $0.0e+00  }
0x26d: {  	v13 =	vadd.s32 v22, v13;
	v22 =	vld [tilespmem:s31+$0xFFFFFFB0];
	v19 =	vadd.f32 $5.000000000e-01, v19;
	v12 =	vmin.f32 v12, $1.990000000e+02  }
0x26e: {  	v23 =	vld [tilespmem:s31+$0x0];
	v10 =	vadd.f32 $5.000000000e-01, v10;
	v14 =	vtrunc.f32 v14;
	v12 =	vadd.f32 $5.000000000e-01, v12  }
0x26f: {  	v11 =	vadd.f32 $5.000000000e-01, v11;
	v19 =	vtrunc.f32 v19;
	v6 =	vcvt.f32.s32 v14;
	v14 =	vld [tilespmem:s31+$0xFFFFFFC0]  }
0x270: {  	v16 =	vmul.u32 $0xC8, v16;
	v10 =	vtrunc.f32 v10;
	v12 =	vtrunc.f32 v12  }
0x271: {  	[tilespmem:v8+s17+$0x0] =	vst.idx.add.f32.msk $0xffff, v3;
	v8 =	vmul.u32 $0xC8, v15;
	v29 =	vtrunc.f32 v11;
	v12 =	vcvt.f32.s32 v12  }
0x272: {  	[tilespmem:v7+s17+$0x0] =	vst.idx.add.f32.msk $0xffff, v3;
	v11 =	vadd.f32 $5.000000000e-01, v28;
	v7 =	vcvt.f32.s32 v19;
	v22 =	vmax.f32 v22, $0.0e+00  }
0x273: {  	v22 =	vmin.f32 v22, $1.990000000e+02;
	v12 =	vadd.s32 v12, v16;
	v16 =	vmax.f32 v23, $0.0e+00;
	v23 =	vld [tilespmem:s31+$0x60]  }
0x274: {  	v19 =	vcvt.f32.s32 v21;
	v22 =	vadd.f32 $5.000000000e-01, v22;
	v14 =	vmax.f32 v14, $0.0e+00  }
0x275: {  	v15 =	vcvt.f32.s32 v10;
	[tilespmem:v13+s17+$0x0] =	vst.idx.add.f32.msk $0xffff, v3;
	v13 =	vadd.f32 $5.000000000e-01, v26;
	v14 =	vmin.f32 v14, $1.990000000e+02  }
0x276: {  	v7 =	vmul.u32 $0xC8, v7;
	v22 =	vtrunc.f32 v22;
	v14 =	vadd.f32 $5.000000000e-01, v14  }
0x277: {  	v10 =	vmul.u32 $0xC8, v19;
	v19 =	vtrunc.f32 v24;
	v21 =	vcvt.f32.s32 v22  }
0x278: {  	v16 =	vmin.f32 v16, $1.990000000e+02;
	v14 =	vtrunc.f32 v14;
	v23 =	vmax.f32 v23, $0.0e+00  }
0x279: {  	v16 =	vadd.f32 $5.000000000e-01, v16;
	v22 =	vcvt.f32.s32 v14;
	v23 =	vmin.f32 v23, $1.990000000e+02  }
0x27a: {  	[tilespmem:v20+s17+$0x0] =	vst.idx.add.f32.msk $0xffff, v3;
	v20 =	vtrunc.f32 v13;
	v14 =	vcvt.f32.s32 v29;
	v9 =	vadd.f32 $5.000000000e-01, v23  }
0x27b: {  	s24 =	simm.s32 $0x8;
	s25 =	simm.s32 $0x280;
	v16 =	vtrunc.f32 v16;
	[tilespmem:v12+s17+$0x0] =	vst.idx.add.f32.msk $0xffff, v3;
	v12 =	vmul.u32 $0xC8, v21;
	v13 =	vmul.u32 $0xC8, v22  }
.LBB2_14:
0x27c: {  	v21 =	vld [tilespmem:s25+$0xFFFFFFF0];
	s24 =	sadd.s32 $0x8, s24;
	v11 =	vtrunc.f32 v11;
	v15 =	vmul.u32 $0xC8, v15;
	v9 =	vtrunc.f32 v9  }
0x27d: {  	v16 =	vcvt.f32.s32 v16;
	v19 =	vcvt.f32.s32 v19;
	v14 =	vmul.u32 $0xC8, v14;
	v22 =	vld [tilespmem:s25+$0xFFFFFF90];
	p1 =	slt.u32 s24, $0x1F8  }
0x27e: {  	v18 =	vcvt.f32.s32 v18;
	v20 =	vcvt.f32.s32 v20;
	v24 =	vadd.s32 v6, v5;
	v23 =	vld [tilespmem:s25+$0x70]  }
0x27f: {  	v11 =	vcvt.f32.s32 v11;
	v7 =	vadd.s32 v16, v7;
	v16 =	vcvt.f32.s32 v17;
	v5 =	vmovc v14;
	v25 =	vld [tilespmem:s25+$0xFFFFFFA0]  }
0x280: {  	v6 =	vcvt.f32.s32 v9;
	v8 =	vadd.s32 v19, v8;
	v10 =	vadd.s32 v18, v10;
	v14 =	vld [tilespmem:s25+$0xFFFFFFB0]  }
0x281: {  	v12 =	vadd.s32 v20, v12;
	v13 =	vadd.s32 v16, v13;
	v9 =	vld [tilespmem:s25+$0xFFFFFFC0];
	v17 =	vmax.f32 v21, $0.0e+00  }
0x282: {  	v11 =	vadd.s32 v11, v15;
	v16 =	vmax.f32 v22, $0.0e+00;
	v18 =	vld [tilespmem:s25+$0xFFFFFFD0];
	v17 =	vmin.f32 v17, $1.990000000e+02  }
0x283: {  	v15 =	vmin.f32 v16, $1.990000000e+02;
	v16 =	vld [tilespmem:s25+$0xFFFFFFE0];
	v19 =	vmax.f32 v23, $0.0e+00;
	v17 =	vadd.f32 $5.000000000e-01, v17  }
0x284: {  	v20 =	vld [tilespmem:s25+$0xFFFFFF80];
	v15 =	vadd.f32 $5.000000000e-01, v15;
	v21 =	vmax.f32 v25, $0.0e+00;
	v19 =	vmin.f32 v19, $1.990000000e+02  }
0x285: {  	v22 =	vld [tilespmem:s25+$0x0];
	v14 =	vmax.f32 v14, $0.0e+00;
	v17 =	vtrunc.f32 v17;
	v19 =	vadd.f32 $5.000000000e-01, v19  }
0x286: {  	v21 =	vmin.f32 v21, $1.990000000e+02;
	v23 =	vld [tilespmem:s25+$0x10];
	v9 =	vmax.f32 v9, $0.0e+00;
	v17 =	vcvt.f32.s32 v17  }
0x287: {  	v14 =	vmin.f32 v14, $1.990000000e+02;
	v25 =	vld [tilespmem:s25+$0x20];
	v18 =	vmax.f32 v18, $0.0e+00;
	v19 =	vtrunc.f32 v19  }
0x288: {  	v26 =	vld [tilespmem:s25+$0x30];
	v16 =	vmax.f32 v16, $0.0e+00;
	v19 =	vcvt.f32.s32 v19;
	v17 =	vmul.u32 $0xC8, v17  }
0x289: {  	v9 =	vmin.f32 v9, $1.990000000e+02;
	v18 =	vmin.f32 v18, $1.990000000e+02;
	v20 =	vmax.f32 v20, $0.0e+00;
	v27 =	vld [tilespmem:s25+$0x40]  }
0x28a: {  	v16 =	vmin.f32 v16, $1.990000000e+02;
	v20 =	vmin.f32 v20, $1.990000000e+02;
	v28 =	vld [tilespmem:s25+$0x50];
	v17 =	vadd.s32 v19, v17  }
0x28b: {  	v21 =	vadd.f32 $5.000000000e-01, v21;
	v19 =	vmax.f32 v22, $0.0e+00;
	v20 =	vadd.f32 $5.000000000e-01, v20;
	v22 =	vld [tilespmem:s25+$0x60]  }
0x28c: {  	v14 =	vadd.f32 $5.000000000e-01, v14;
	v9 =	vadd.f32 $5.000000000e-01, v9;
	v23 =	vmax.f32 v23, $0.0e+00;
	[tilespmem:v7+s17+$0x0] =	vst.idx.add.f32.msk $0xffff, v3  }
0x28d: {  	v18 =	vadd.f32 $5.000000000e-01, v18;
	v16 =	vadd.f32 $5.000000000e-01, v16;
	v7 =	vmax.f32 v25, $0.0e+00;
	[tilespmem:v8+s17+$0x0] =	vst.idx.add.f32.msk $0xffff, v3  }
0x28e: {  	v8 =	vmin.f32 v19, $1.990000000e+02;
	v19 =	vmax.f32 v26, $0.0e+00;
	v25 =	vmax.f32 v27, $0.0e+00;
	[tilespmem:v10+s17+$0x0] =	vst.idx.add.f32.msk $0xffff, v3  }
0x28f: {  	v7 =	vmin.f32 v7, $1.990000000e+02;
	v10 =	vmin.f32 v23, $1.990000000e+02;
	v23 =	vmax.f32 v28, $0.0e+00;
	[tilespmem:v17+s17+$0x0] =	vst.idx.add.f32.msk $0xffff, v3  }
0x290: {  	v17 =	vmin.f32 v19, $1.990000000e+02;
	v19 =	vmin.f32 v25, $1.990000000e+02;
	v22 =	vmax.f32 v22, $0.0e+00;
	[tilespmem:v12+s17+$0x0] =	vst.idx.add.f32.msk $0xffff, v3  }
0x291: {  	v12 =	vtrunc.f32 v20;
	v20 =	vmin.f32 v23, $1.990000000e+02;
	v22 =	vmin.f32 v22, $1.990000000e+02;
	[tilespmem:v13+s17+$0x0] =	vst.idx.add.f32.msk $0xffff, v3  }
0x292: {  	v13 =	vadd.f32 $5.000000000e-01, v8;
	v8 =	vtrunc.f32 v15;
	v15 =	vtrunc.f32 v21;
	[tilespmem:v11+s17+$0x0] =	vst.idx.add.f32.msk $0xffff, v3  }
0x293: {  	v21 =	vadd.f32 $5.000000000e-01, v10;
	v10 =	vtrunc.f32 v14;
	v14 =	vtrunc.f32 v9;
	[tilespmem:v24+s17+$0x0] =	vst.idx.add.f32.msk $0xffff, v3  }
0x294: {  	v18 =	vtrunc.f32 v18;
	v23 =	vadd.f32 $5.000000000e-01, v7;
	v24 =	vtrunc.f32 v16  }
0x295: {  	v17 =	vadd.f32 $5.000000000e-01, v17;
	v25 =	vadd.f32 $5.000000000e-01, v19;
	v7 =	vcvt.f32.s32 v12  }
0x296: {  	v8 =	vcvt.f32.s32 v8;
	v11 =	vadd.f32 $5.000000000e-01, v20;
	v9 =	vadd.f32 $5.000000000e-01, v22  }
.Ltmp8:
0x297: {  	v12 =	vcvt.f32.s32 v15;
	v20 =	vcvt.f32.s32 v10;
	v7 =	vmul.u32 $0xC8, v7;
	(pc) =	sbr.rel @p1 .LBB2_14-.Ltmp8, $4  }
0x298: {  	v22 =	vcvt.f32.s32 v14;
	v15 =	vcvt.f32.s32 v18;
	v8 =	vmul.u32 $0xC8, v8  }
0x299: {  	v16 =	vtrunc.f32 v13;
	v10 =	vmul.u32 $0xC8, v12;
	v14 =	vcvt.f32.s32 v24  }
0x29a: {  	v18 =	vtrunc.f32 v23;
	v19 =	vtrunc.f32 v21;
	v12 =	vmul.u32 $0xC8, v20  }
0x29b: {  	s25 =	sadd.s32 $0x100, s25;
	v20 =	vtrunc.f32 v17;
	v17 =	vtrunc.f32 v25;
	v13 =	vmul.u32 $0xC8, v22  }
0x29c: {  	v16 =	vcvt.f32.s32 v16  }
0x29d: {  	v19 =	vcvt.f32.s32 v19;
	v5 =	vadd.s32 v6, v5  }
0x29e: {  	v18 =	vcvt.f32.s32 v18;
	v11 =	vtrunc.f32 v11;
	v7 =	vadd.s32 v16, v7  }
0x29f: {  	v17 =	vcvt.f32.s32 v17;
	v15 =	vmul.u32 $0xC8, v15;
	v8 =	vadd.s32 v19, v8  }
0x2a0: {  	v9 =	vtrunc.f32 v9;
	v11 =	vcvt.f32.s32 v11;
	v10 =	vadd.s32 v18, v10  }
0x2a1: {  	v14 =	vmul.u32 $0xC8, v14;
	v9 =	vcvt.f32.s32 v9;
	v13 =	vadd.s32 v17, v13  }
0x2a2: {  	v16 =	vcvt.f32.s32 v20;
	v11 =	vadd.s32 v11, v15;
	[tilespmem:v5+s17+$0x0] =	vst.idx.add.f32.msk $0xffff, v3  }
0x2a3: {  	v6 =	vadd.s32 v9, v14;
	[tilespmem:v7+s17+$0x0] =	vst.idx.add.f32.msk $0xffff, v3  }
0x2a4: {  	v12 =	vadd.s32 v16, v12;
	[tilespmem:v8+s17+$0x0] =	vst.idx.add.f32.msk $0xffff, v3  }
0x2a5: {  	[tilespmem:v10+s17+$0x0] =	vst.idx.add.f32.msk $0xffff, v3  }
0x2a6: {  	[tilespmem:v13+s17+$0x0] =	vst.idx.add.f32.msk $0xffff, v3  }
0x2a7: {  	[tilespmem:v11+s17+$0x0] =	vst.idx.add.f32.msk $0xffff, v3  }
0x2a8: {  	[tilespmem:v6+s17+$0x0] =	vst.idx.add.f32.msk $0xffff, v3  }
0x2a9: {  	[tilespmem:v12+s17+$0x0] =	vst.idx.add.f32.msk $0xffff, v3  }
0x2aa: {  	[tilespmem:s3], [sflag:$0x1] =	stream.linear.gather [hbm4b:s10+s3], $0x4000, $0x38;
	[tilespmem:$0x11D80] =	vst v63  }
0x2ab: {  	_ =	swait.ge [sflag:s18], $0x4000  }
0x2ac: {  	[sflag:s18] =	ssyncset.done $0x0  }
0x2ad: {  	s0 =	simm.s32 $0x4080;
	[sflag:s18] =	ssyncadd.s32 $0xFFFFC000  }
0x2ae: {  	v5 =	vld [tilespmem:s0+$0xFFFFFFF0]  }
0x2af: {  	v6 =	vld [tilespmem:s0+$0xFFFFFF90]  }
0x2b0: {  	v7 =	vld [tilespmem:s0+$0x70]  }
0x2b1: {  	v8 =	vld [tilespmem:s0+$0xFFFFFFA0]  }
0x2b2: {  	v9 =	vld [tilespmem:s0+$0xFFFFFFB0]  }
0x2b3: {  	v10 =	vld [tilespmem:s0+$0xFFFFFFC0]  }
0x2b4: {  	v11 =	vld [tilespmem:s0+$0xFFFFFFD0]  }
0x2b5: {  	v12 =	vld [tilespmem:s0+$0xFFFFFFE0]  }
0x2b6: {  	v13 =	vld [tilespmem:s0+$0xFFFFFF80]  }
0x2b7: {  	v15 =	vld [tilespmem:s0+$0x10]  }
0x2b8: {  	v16 =	vld [tilespmem:s0+$0x20]  }
0x2b9: {  	v17 =	vld [tilespmem:s0+$0x30]  }
0x2ba: {  	v18 =	vld [tilespmem:s0+$0x40]  }
0x2bb: {  	s31 =	simm.s32 $0x4180;
	v19 =	vld [tilespmem:s0+$0x50]  }
0x2bc: {  	v24 =	vld [tilespmem:s31+$0x10]  }
0x2bd: {  	v25 =	vld [tilespmem:s31+$0x20]  }
0x2be: {  	v26 =	vld [tilespmem:s31+$0x30];
	v5 =	vmax.f32 v5, $0.0e+00;
	v6 =	vmax.f32 v6, $0.0e+00  }
0x2bf: {  	v27 =	vld [tilespmem:s31+$0x40];
	v7 =	vmax.f32 v7, $0.0e+00;
	v8 =	vmax.f32 v8, $0.0e+00;
	v9 =	vmax.f32 v9, $0.0e+00  }
0x2c0: {  	v10 =	vmax.f32 v10, $0.0e+00;
	v11 =	vmax.f32 v11, $0.0e+00;
	v12 =	vmax.f32 v12, $0.0e+00  }
0x2c1: {  	v13 =	vmax.f32 v13, $0.0e+00;
	v15 =	vmax.f32 v15, $0.0e+00;
	v16 =	vmax.f32 v16, $0.0e+00  }
0x2c2: {  	v17 =	vmax.f32 v17, $0.0e+00;
	v18 =	vmax.f32 v18, $0.0e+00;
	v19 =	vmax.f32 v19, $0.0e+00  }
0x2c3: {  	v24 =	vmax.f32 v24, $0.0e+00;
	v25 =	vmax.f32 v25, $0.0e+00;
	v26 =	vmax.f32 v26, $0.0e+00  }
0x2c4: {  	v27 =	vmax.f32 v27, $0.0e+00;
	v5 =	vmin.f32 v5, $1.990000000e+02;
	v6 =	vmin.f32 v6, $1.990000000e+02  }
0x2c5: {  	v7 =	vmin.f32 v7, $1.990000000e+02;
	v8 =	vmin.f32 v8, $1.990000000e+02;
	v9 =	vmin.f32 v9, $1.990000000e+02  }
0x2c6: {  	v10 =	vmin.f32 v10, $1.990000000e+02;
	v11 =	vmin.f32 v11, $1.990000000e+02;
	v13 =	vmin.f32 v13, $1.990000000e+02  }
0x2c7: {  	v12 =	vmin.f32 v12, $1.990000000e+02;
	v15 =	vmin.f32 v15, $1.990000000e+02;
	v5 =	vadd.f32 $5.000000000e-01, v5  }
0x2c8: {  	v16 =	vmin.f32 v16, $1.990000000e+02;
	v6 =	vadd.f32 $5.000000000e-01, v6;
	v7 =	vadd.f32 $5.000000000e-01, v7  }
0x2c9: {  	v17 =	vmin.f32 v17, $1.990000000e+02;
	v13 =	vadd.f32 $5.000000000e-01, v13;
	v8 =	vadd.f32 $5.000000000e-01, v8  }
0x2ca: {  	v18 =	vmin.f32 v18, $1.990000000e+02;
	v9 =	vadd.f32 $5.000000000e-01, v9;
	v10 =	vadd.f32 $5.000000000e-01, v10  }
0x2cb: {  	v19 =	vmin.f32 v19, $1.990000000e+02;
	v11 =	vadd.f32 $5.000000000e-01, v11;
	v12 =	vadd.f32 $5.000000000e-01, v12  }
0x2cc: {  	v28 =	vld [tilespmem:s31+$0x50];
	v15 =	vadd.f32 $5.000000000e-01, v15;
	v5 =	vtrunc.f32 v5;
	v7 =	vtrunc.f32 v7  }
0x2cd: {  	v16 =	vadd.f32 $5.000000000e-01, v16;
	v13 =	vtrunc.f32 v13;
	v6 =	vtrunc.f32 v6  }
0x2ce: {  	v17 =	vadd.f32 $5.000000000e-01, v17;
	v8 =	vtrunc.f32 v8;
	v9 =	vtrunc.f32 v9  }
0x2cf: {  	v18 =	vadd.f32 $5.000000000e-01, v18;
	v10 =	vtrunc.f32 v10;
	v11 =	vtrunc.f32 v11  }
0x2d0: {  	v19 =	vadd.f32 $5.000000000e-01, v19;
	v12 =	vtrunc.f32 v12;
	v15 =	vtrunc.f32 v15  }
0x2d1: {  	v28 =	vmax.f32 v28, $0.0e+00;
	v16 =	vtrunc.f32 v16;
	v17 =	vtrunc.f32 v17  }
0x2d2: {  	v24 =	vmin.f32 v24, $1.990000000e+02;
	v18 =	vtrunc.f32 v18;
	v19 =	vtrunc.f32 v19  }
0x2d3: {  	v25 =	vmin.f32 v25, $1.990000000e+02;
	v5 =	vcvt.f32.s32 v5;
	v7 =	vcvt.f32.s32 v7  }
0x2d4: {  	v26 =	vmin.f32 v26, $1.990000000e+02;
	v13 =	vcvt.f32.s32 v13;
	v6 =	vcvt.f32.s32 v6  }
0x2d5: {  	v27 =	vmin.f32 v27, $1.990000000e+02;
	v8 =	vcvt.f32.s32 v8;
	v9 =	vcvt.f32.s32 v9  }
0x2d6: {  	v28 =	vmin.f32 v28, $1.990000000e+02;
	v10 =	vcvt.f32.s32 v10;
	v11 =	vcvt.f32.s32 v11  }
0x2d7: {  	v14 =	vld [tilespmem:s0+$0x0];
	v24 =	vadd.f32 $5.000000000e-01, v24;
	v12 =	vcvt.f32.s32 v12;
	v15 =	vcvt.f32.s32 v15  }
0x2d8: {  	v20 =	vld [tilespmem:s31+$0xFFFFFFF0];
	v25 =	vadd.f32 $5.000000000e-01, v25;
	v16 =	vcvt.f32.s32 v16;
	v17 =	vcvt.f32.s32 v17  }
0x2d9: {  	v21 =	vld [tilespmem:s31+$0xFFFFFF90];
	v63 =	vadd.f32 $5.000000000e-01, v27;
	v18 =	vcvt.f32.s32 v18;
	v19 =	vcvt.f32.s32 v19  }
0x2da: {  	v23 =	vld [tilespmem:s31+$0xFFFFFFA0];
	v5 =	vmul.u32 $0xC8, v5;
	v6 =	vmul.u32 $0xC8, v6;
	v8 =	vmul.u32 $0xC8, v8  }
0x2db: {  	v9 =	vmul.u32 $0xC8, v9;
	v10 =	vmul.u32 $0xC8, v10;
	v11 =	vmul.u32 $0xC8, v11  }
0x2dc: {  	v7 =	vadd.s32 v7, v5;
	v5 =	vmax.f32 v14, $0.0e+00;
	v15 =	vadd.s32 v15, v6  }
0x2dd: {  	v8 =	vadd.s32 v16, v8;
	v16 =	vmax.f32 v20, $0.0e+00;
	v17 =	vadd.s32 v17, v9  }
0x2de: {  	v14 =	vld [tilespmem:s0+$0x60];
	v18 =	vadd.s32 v18, v10;
	v9 =	vmax.f32 v21, $0.0e+00;
	v20 =	vadd.s32 v19, v11  }
0x2df: {  	v10 =	vld [tilespmem:s31+$0xFFFFFFD0];
	v21 =	vmax.f32 v23, $0.0e+00;
	v5 =	vmin.f32 v5, $1.990000000e+02;
	v16 =	vmin.f32 v16, $1.990000000e+02  }
0x2e0: {  	v11 =	vld [tilespmem:s31+$0xFFFFFFE0];
	v9 =	vmin.f32 v9, $1.990000000e+02;
	v5 =	vadd.f32 $5.000000000e-01, v5;
	v16 =	vadd.f32 $5.000000000e-01, v16  }
0x2e1: {  	v13 =	vmul.u32 $0xC8, v13;
	v19 =	vld [tilespmem:s31+$0xFFFFFF80];
	v21 =	vmin.f32 v21, $1.990000000e+02;
	v9 =	vadd.f32 $5.000000000e-01, v9  }
0x2e2: {  	v21 =	vadd.f32 $5.000000000e-01, v21;
	v5 =	vtrunc.f32 v5;
	v16 =	vtrunc.f32 v16  }
0x2e3: {  	v9 =	vtrunc.f32 v9;
	v22 =	vcvt.f32.s32 v5;
	v5 =	vmul.u32 $0xC8, v12;
	v12 =	vld [tilespmem:s31+$0x70]  }
0x2e4: {  	v21 =	vtrunc.f32 v21;
	v14 =	vmax.f32 v14, $0.0e+00;
	v16 =	vcvt.f32.s32 v16;
	[tilespmem:v15+s17+$0x0] =	vst.idx.add.f32.msk $0xffff, v3  }
0x2e5: {  	v10 =	vmax.f32 v10, $0.0e+00;
	v11 =	vmax.f32 v11, $0.0e+00;
	v15 =	vcvt.f32.s32 v9;
	[tilespmem:v17+s17+$0x0] =	vst.idx.add.f32.msk $0xffff, v3  }
0x2e6: {  	v19 =	vmax.f32 v19, $0.0e+00;
	[tilespmem:v18+s17+$0x0] =	vst.idx.add.f32.msk $0xffff, v3;
	v18 =	vtrunc.f32 v25;
	v17 =	vtrunc.f32 v63  }
0x2e7: {  	v14 =	vmin.f32 v14, $1.990000000e+02;
	v10 =	vmin.f32 v10, $1.990000000e+02;
	v19 =	vmin.f32 v19, $1.990000000e+02  }
0x2e8: {  	v11 =	vmin.f32 v11, $1.990000000e+02;
	v14 =	vadd.f32 $5.000000000e-01, v14;
	v12 =	vmax.f32 v12, $0.0e+00  }
0x2e9: {  	v13 =	vadd.s32 v22, v13;
	v22 =	vld [tilespmem:s31+$0xFFFFFFB0];
	v19 =	vadd.f32 $5.000000000e-01, v19;
	v12 =	vmin.f32 v12, $1.990000000e+02  }
0x2ea: {  	v23 =	vld [tilespmem:s31+$0x0];
	v10 =	vadd.f32 $5.000000000e-01, v10;
	v14 =	vtrunc.f32 v14;
	v12 =	vadd.f32 $5.000000000e-01, v12  }
0x2eb: {  	v11 =	vadd.f32 $5.000000000e-01, v11;
	v19 =	vtrunc.f32 v19;
	v6 =	vcvt.f32.s32 v14;
	v14 =	vld [tilespmem:s31+$0xFFFFFFC0]  }
0x2ec: {  	v16 =	vmul.u32 $0xC8, v16;
	v10 =	vtrunc.f32 v10;
	v12 =	vtrunc.f32 v12  }
0x2ed: {  	[tilespmem:v8+s17+$0x0] =	vst.idx.add.f32.msk $0xffff, v3;
	v8 =	vmul.u32 $0xC8, v15;
	v29 =	vtrunc.f32 v11;
	v12 =	vcvt.f32.s32 v12  }
0x2ee: {  	[tilespmem:v7+s17+$0x0] =	vst.idx.add.f32.msk $0xffff, v3;
	v11 =	vadd.f32 $5.000000000e-01, v28;
	v7 =	vcvt.f32.s32 v19;
	v22 =	vmax.f32 v22, $0.0e+00  }
0x2ef: {  	v22 =	vmin.f32 v22, $1.990000000e+02;
	v12 =	vadd.s32 v12, v16;
	v16 =	vmax.f32 v23, $0.0e+00;
	v23 =	vld [tilespmem:s31+$0x60]  }
0x2f0: {  	v19 =	vcvt.f32.s32 v21;
	v22 =	vadd.f32 $5.000000000e-01, v22;
	v14 =	vmax.f32 v14, $0.0e+00  }
0x2f1: {  	v15 =	vcvt.f32.s32 v10;
	[tilespmem:v13+s17+$0x0] =	vst.idx.add.f32.msk $0xffff, v3;
	v13 =	vadd.f32 $5.000000000e-01, v26;
	v14 =	vmin.f32 v14, $1.990000000e+02  }
0x2f2: {  	v7 =	vmul.u32 $0xC8, v7;
	v22 =	vtrunc.f32 v22;
	v14 =	vadd.f32 $5.000000000e-01, v14  }
0x2f3: {  	v10 =	vmul.u32 $0xC8, v19;
	v19 =	vtrunc.f32 v24;
	v21 =	vcvt.f32.s32 v22  }
0x2f4: {  	v16 =	vmin.f32 v16, $1.990000000e+02;
	v14 =	vtrunc.f32 v14;
	v23 =	vmax.f32 v23, $0.0e+00  }
0x2f5: {  	v16 =	vadd.f32 $5.000000000e-01, v16;
	v22 =	vcvt.f32.s32 v14;
	v23 =	vmin.f32 v23, $1.990000000e+02  }
0x2f6: {  	[tilespmem:v20+s17+$0x0] =	vst.idx.add.f32.msk $0xffff, v3;
	v20 =	vtrunc.f32 v13;
	v14 =	vcvt.f32.s32 v29;
	v9 =	vadd.f32 $5.000000000e-01, v23  }
0x2f7: {  	s24 =	simm.s32 $0x8;
	s25 =	simm.s32 $0x4280;
	v16 =	vtrunc.f32 v16;
	[tilespmem:v12+s17+$0x0] =	vst.idx.add.f32.msk $0xffff, v3;
	v12 =	vmul.u32 $0xC8, v21;
	v13 =	vmul.u32 $0xC8, v22  }
.LBB2_16:
0x2f8: {  	v21 =	vld [tilespmem:s25+$0xFFFFFFF0];
	s24 =	sadd.s32 $0x8, s24;
	v11 =	vtrunc.f32 v11;
	v15 =	vmul.u32 $0xC8, v15;
	v9 =	vtrunc.f32 v9  }
0x2f9: {  	v16 =	vcvt.f32.s32 v16;
	v19 =	vcvt.f32.s32 v19;
	v14 =	vmul.u32 $0xC8, v14;
	v22 =	vld [tilespmem:s25+$0xFFFFFF90];
	p1 =	slt.u32 s24, $0x1F8  }
0x2fa: {  	v18 =	vcvt.f32.s32 v18;
	v20 =	vcvt.f32.s32 v20;
	v24 =	vadd.s32 v6, v5;
	v23 =	vld [tilespmem:s25+$0x70]  }
0x2fb: {  	v11 =	vcvt.f32.s32 v11;
	v7 =	vadd.s32 v16, v7;
	v16 =	vcvt.f32.s32 v17;
	v5 =	vmovc v14;
	v25 =	vld [tilespmem:s25+$0xFFFFFFA0]  }
0x2fc: {  	v6 =	vcvt.f32.s32 v9;
	v8 =	vadd.s32 v19, v8;
	v10 =	vadd.s32 v18, v10;
	v14 =	vld [tilespmem:s25+$0xFFFFFFB0]  }
0x2fd: {  	v12 =	vadd.s32 v20, v12;
	v13 =	vadd.s32 v16, v13;
	v9 =	vld [tilespmem:s25+$0xFFFFFFC0];
	v17 =	vmax.f32 v21, $0.0e+00  }
0x2fe: {  	v11 =	vadd.s32 v11, v15;
	v16 =	vmax.f32 v22, $0.0e+00;
	v18 =	vld [tilespmem:s25+$0xFFFFFFD0];
	v17 =	vmin.f32 v17, $1.990000000e+02  }
0x2ff: {  	v15 =	vmin.f32 v16, $1.990000000e+02;
	v16 =	vld [tilespmem:s25+$0xFFFFFFE0];
	v19 =	vmax.f32 v23, $0.0e+00;
	v17 =	vadd.f32 $5.000000000e-01, v17  }
0x300: {  	v20 =	vld [tilespmem:s25+$0xFFFFFF80];
	v15 =	vadd.f32 $5.000000000e-01, v15;
	v21 =	vmax.f32 v25, $0.0e+00;
	v19 =	vmin.f32 v19, $1.990000000e+02  }
0x301: {  	v22 =	vld [tilespmem:s25+$0x0];
	v14 =	vmax.f32 v14, $0.0e+00;
	v17 =	vtrunc.f32 v17;
	v19 =	vadd.f32 $5.000000000e-01, v19  }
0x302: {  	v21 =	vmin.f32 v21, $1.990000000e+02;
	v23 =	vld [tilespmem:s25+$0x10];
	v9 =	vmax.f32 v9, $0.0e+00;
	v17 =	vcvt.f32.s32 v17  }
0x303: {  	v14 =	vmin.f32 v14, $1.990000000e+02;
	v25 =	vld [tilespmem:s25+$0x20];
	v18 =	vmax.f32 v18, $0.0e+00;
	v19 =	vtrunc.f32 v19  }
0x304: {  	v26 =	vld [tilespmem:s25+$0x30];
	v16 =	vmax.f32 v16, $0.0e+00;
	v19 =	vcvt.f32.s32 v19;
	v17 =	vmul.u32 $0xC8, v17  }
0x305: {  	v9 =	vmin.f32 v9, $1.990000000e+02;
	v18 =	vmin.f32 v18, $1.990000000e+02;
	v20 =	vmax.f32 v20, $0.0e+00;
	v27 =	vld [tilespmem:s25+$0x40]  }
0x306: {  	v16 =	vmin.f32 v16, $1.990000000e+02;
	v20 =	vmin.f32 v20, $1.990000000e+02;
	v28 =	vld [tilespmem:s25+$0x50];
	v17 =	vadd.s32 v19, v17  }
0x307: {  	v21 =	vadd.f32 $5.000000000e-01, v21;
	v19 =	vmax.f32 v22, $0.0e+00;
	v20 =	vadd.f32 $5.000000000e-01, v20;
	v22 =	vld [tilespmem:s25+$0x60]  }
0x308: {  	v14 =	vadd.f32 $5.000000000e-01, v14;
	v9 =	vadd.f32 $5.000000000e-01, v9;
	v23 =	vmax.f32 v23, $0.0e+00;
	[tilespmem:v7+s17+$0x0] =	vst.idx.add.f32.msk $0xffff, v3  }
0x309: {  	v18 =	vadd.f32 $5.000000000e-01, v18;
	v16 =	vadd.f32 $5.000000000e-01, v16;
	v7 =	vmax.f32 v25, $0.0e+00;
	[tilespmem:v8+s17+$0x0] =	vst.idx.add.f32.msk $0xffff, v3  }
0x30a: {  	v8 =	vmin.f32 v19, $1.990000000e+02;
	v19 =	vmax.f32 v26, $0.0e+00;
	v25 =	vmax.f32 v27, $0.0e+00;
	[tilespmem:v10+s17+$0x0] =	vst.idx.add.f32.msk $0xffff, v3  }
0x30b: {  	v7 =	vmin.f32 v7, $1.990000000e+02;
	v10 =	vmin.f32 v23, $1.990000000e+02;
	v23 =	vmax.f32 v28, $0.0e+00;
	[tilespmem:v17+s17+$0x0] =	vst.idx.add.f32.msk $0xffff, v3  }
0x30c: {  	v17 =	vmin.f32 v19, $1.990000000e+02;
	v19 =	vmin.f32 v25, $1.990000000e+02;
	v22 =	vmax.f32 v22, $0.0e+00;
	[tilespmem:v12+s17+$0x0] =	vst.idx.add.f32.msk $0xffff, v3  }
0x30d: {  	v12 =	vtrunc.f32 v20;
	v20 =	vmin.f32 v23, $1.990000000e+02;
	v22 =	vmin.f32 v22, $1.990000000e+02;
	[tilespmem:v13+s17+$0x0] =	vst.idx.add.f32.msk $0xffff, v3  }
0x30e: {  	v13 =	vadd.f32 $5.000000000e-01, v8;
	v8 =	vtrunc.f32 v15;
	v15 =	vtrunc.f32 v21;
	[tilespmem:v11+s17+$0x0] =	vst.idx.add.f32.msk $0xffff, v3  }
0x30f: {  	v21 =	vadd.f32 $5.000000000e-01, v10;
	v10 =	vtrunc.f32 v14;
	v14 =	vtrunc.f32 v9;
	[tilespmem:v24+s17+$0x0] =	vst.idx.add.f32.msk $0xffff, v3  }
0x310: {  	v18 =	vtrunc.f32 v18;
	v23 =	vadd.f32 $5.000000000e-01, v7;
	v24 =	vtrunc.f32 v16  }
0x311: {  	v17 =	vadd.f32 $5.000000000e-01, v17;
	v25 =	vadd.f32 $5.000000000e-01, v19;
	v7 =	vcvt.f32.s32 v12  }
0x312: {  	v8 =	vcvt.f32.s32 v8;
	v11 =	vadd.f32 $5.000000000e-01, v20;
	v9 =	vadd.f32 $5.000000000e-01, v22  }
.Ltmp9:
0x313: {  	v12 =	vcvt.f32.s32 v15;
	v20 =	vcvt.f32.s32 v10;
	v7 =	vmul.u32 $0xC8, v7;
	(pc) =	sbr.rel @p1 .LBB2_16-.Ltmp9, $4  }
0x314: {  	v22 =	vcvt.f32.s32 v14;
	v15 =	vcvt.f32.s32 v18;
	v8 =	vmul.u32 $0xC8, v8  }
0x315: {  	v16 =	vtrunc.f32 v13;
	v10 =	vmul.u32 $0xC8, v12;
	v14 =	vcvt.f32.s32 v24  }
0x316: {  	v18 =	vtrunc.f32 v23;
	v19 =	vtrunc.f32 v21;
	v12 =	vmul.u32 $0xC8, v20  }
0x317: {  	s25 =	sadd.s32 $0x100, s25;
	v20 =	vtrunc.f32 v17;
	v17 =	vtrunc.f32 v25;
	v13 =	vmul.u32 $0xC8, v22  }
0x318: {  	v16 =	vcvt.f32.s32 v16  }
0x319: {  	v19 =	vcvt.f32.s32 v19;
	v5 =	vadd.s32 v6, v5  }
0x31a: {  	v18 =	vcvt.f32.s32 v18;
	v11 =	vtrunc.f32 v11;
	v7 =	vadd.s32 v16, v7  }
0x31b: {  	v17 =	vcvt.f32.s32 v17;
	v15 =	vmul.u32 $0xC8, v15;
	v8 =	vadd.s32 v19, v8  }
0x31c: {  	v9 =	vtrunc.f32 v9;
	v11 =	vcvt.f32.s32 v11;
	v10 =	vadd.s32 v18, v10  }
0x31d: {  	v14 =	vmul.u32 $0xC8, v14;
	v9 =	vcvt.f32.s32 v9;
	v13 =	vadd.s32 v17, v13  }
0x31e: {  	v16 =	vcvt.f32.s32 v20;
	v11 =	vadd.s32 v11, v15;
	[tilespmem:v5+s17+$0x0] =	vst.idx.add.f32.msk $0xffff, v3  }
0x31f: {  	v6 =	vadd.s32 v9, v14;
	[tilespmem:v7+s17+$0x0] =	vst.idx.add.f32.msk $0xffff, v3  }
0x320: {  	v12 =	vadd.s32 v16, v12;
	[tilespmem:v8+s17+$0x0] =	vst.idx.add.f32.msk $0xffff, v3  }
0x321: {  	[tilespmem:v10+s17+$0x0] =	vst.idx.add.f32.msk $0xffff, v3  }
0x322: {  	[tilespmem:v13+s17+$0x0] =	vst.idx.add.f32.msk $0xffff, v3  }
0x323: {  	[tilespmem:v11+s17+$0x0] =	vst.idx.add.f32.msk $0xffff, v3  }
0x324: {  	[tilespmem:v6+s17+$0x0] =	vst.idx.add.f32.msk $0xffff, v3  }
0x325: {  	[tilespmem:v12+s17+$0x0] =	vst.idx.add.f32.msk $0xffff, v3  }
0x326: {  	[tilespmem:s15], [sflag:$0x2] =	stream.linear.gather [hbm4b:s11+s3], $0x4000, $0x38;
	[tilespmem:$0x11D80] =	vst v63  }
0x327: {  	_ =	swait.ge [sflag:s16], $0x4000  }
0x328: {  	[sflag:s16] =	ssyncset.done $0x0  }
0x329: {  	s0 =	simm.s32 $0x80;
	[sflag:s16] =	ssyncadd.s32 $0xFFFFC000  }
0x32a: {  	v5 =	vld [tilespmem:s0+$0xFFFFFFF0]  }
0x32b: {  	v6 =	vld [tilespmem:s0+$0xFFFFFF90]  }
0x32c: {  	v7 =	vld [tilespmem:s0+$0x70]  }
0x32d: {  	v8 =	vld [tilespmem:s0+$0xFFFFFFA0]  }
0x32e: {  	v9 =	vld [tilespmem:s0+$0xFFFFFFB0]  }
0x32f: {  	v10 =	vld [tilespmem:s0+$0xFFFFFFC0]  }
0x330: {  	v11 =	vld [tilespmem:s0+$0xFFFFFFD0]  }
0x331: {  	v12 =	vld [tilespmem:s0+$0xFFFFFFE0]  }
0x332: {  	v13 =	vld [tilespmem:s0+$0xFFFFFF80]  }
0x333: {  	v15 =	vld [tilespmem:s0+$0x10]  }
0x334: {  	v16 =	vld [tilespmem:s0+$0x20]  }
0x335: {  	v17 =	vld [tilespmem:s0+$0x30]  }
0x336: {  	v18 =	vld [tilespmem:s0+$0x40]  }
0x337: {  	s31 =	simm.s32 $0x180;
	v19 =	vld [tilespmem:s0+$0x50]  }
0x338: {  	v24 =	vld [tilespmem:s31+$0x10]  }
0x339: {  	v25 =	vld [tilespmem:s31+$0x20]  }
0x33a: {  	v26 =	vld [tilespmem:s31+$0x30];
	v5 =	vmax.f32 v5, $0.0e+00;
	v6 =	vmax.f32 v6, $0.0e+00  }
0x33b: {  	v27 =	vld [tilespmem:s31+$0x40];
	v7 =	vmax.f32 v7, $0.0e+00;
	v8 =	vmax.f32 v8, $0.0e+00;
	v9 =	vmax.f32 v9, $0.0e+00  }
0x33c: {  	v10 =	vmax.f32 v10, $0.0e+00;
	v11 =	vmax.f32 v11, $0.0e+00;
	v12 =	vmax.f32 v12, $0.0e+00  }
0x33d: {  	v13 =	vmax.f32 v13, $0.0e+00;
	v15 =	vmax.f32 v15, $0.0e+00;
	v16 =	vmax.f32 v16, $0.0e+00  }
0x33e: {  	v17 =	vmax.f32 v17, $0.0e+00;
	v18 =	vmax.f32 v18, $0.0e+00;
	v19 =	vmax.f32 v19, $0.0e+00  }
0x33f: {  	v24 =	vmax.f32 v24, $0.0e+00;
	v25 =	vmax.f32 v25, $0.0e+00;
	v26 =	vmax.f32 v26, $0.0e+00  }
0x340: {  	v27 =	vmax.f32 v27, $0.0e+00;
	v5 =	vmin.f32 v5, $1.990000000e+02;
	v6 =	vmin.f32 v6, $1.990000000e+02  }
0x341: {  	v7 =	vmin.f32 v7, $1.990000000e+02;
	v8 =	vmin.f32 v8, $1.990000000e+02;
	v9 =	vmin.f32 v9, $1.990000000e+02  }
0x342: {  	v10 =	vmin.f32 v10, $1.990000000e+02;
	v11 =	vmin.f32 v11, $1.990000000e+02;
	v13 =	vmin.f32 v13, $1.990000000e+02  }
0x343: {  	v12 =	vmin.f32 v12, $1.990000000e+02;
	v15 =	vmin.f32 v15, $1.990000000e+02;
	v5 =	vadd.f32 $5.000000000e-01, v5  }
0x344: {  	v16 =	vmin.f32 v16, $1.990000000e+02;
	v6 =	vadd.f32 $5.000000000e-01, v6;
	v7 =	vadd.f32 $5.000000000e-01, v7  }
0x345: {  	v17 =	vmin.f32 v17, $1.990000000e+02;
	v13 =	vadd.f32 $5.000000000e-01, v13;
	v8 =	vadd.f32 $5.000000000e-01, v8  }
0x346: {  	v18 =	vmin.f32 v18, $1.990000000e+02;
	v9 =	vadd.f32 $5.000000000e-01, v9;
	v10 =	vadd.f32 $5.000000000e-01, v10  }
0x347: {  	v19 =	vmin.f32 v19, $1.990000000e+02;
	v11 =	vadd.f32 $5.000000000e-01, v11;
	v12 =	vadd.f32 $5.000000000e-01, v12  }
0x348: {  	v28 =	vld [tilespmem:s31+$0x50];
	v15 =	vadd.f32 $5.000000000e-01, v15;
	v5 =	vtrunc.f32 v5;
	v7 =	vtrunc.f32 v7  }
0x349: {  	v16 =	vadd.f32 $5.000000000e-01, v16;
	v13 =	vtrunc.f32 v13;
	v6 =	vtrunc.f32 v6  }
0x34a: {  	v17 =	vadd.f32 $5.000000000e-01, v17;
	v8 =	vtrunc.f32 v8;
	v9 =	vtrunc.f32 v9  }
0x34b: {  	v18 =	vadd.f32 $5.000000000e-01, v18;
	v10 =	vtrunc.f32 v10;
	v11 =	vtrunc.f32 v11  }
0x34c: {  	v19 =	vadd.f32 $5.000000000e-01, v19;
	v12 =	vtrunc.f32 v12;
	v15 =	vtrunc.f32 v15  }
0x34d: {  	v28 =	vmax.f32 v28, $0.0e+00;
	v16 =	vtrunc.f32 v16;
	v17 =	vtrunc.f32 v17  }
0x34e: {  	v24 =	vmin.f32 v24, $1.990000000e+02;
	v18 =	vtrunc.f32 v18;
	v19 =	vtrunc.f32 v19  }
0x34f: {  	v25 =	vmin.f32 v25, $1.990000000e+02;
	v5 =	vcvt.f32.s32 v5;
	v7 =	vcvt.f32.s32 v7  }
0x350: {  	v26 =	vmin.f32 v26, $1.990000000e+02;
	v13 =	vcvt.f32.s32 v13;
	v6 =	vcvt.f32.s32 v6  }
0x351: {  	v27 =	vmin.f32 v27, $1.990000000e+02;
	v8 =	vcvt.f32.s32 v8;
	v9 =	vcvt.f32.s32 v9  }
0x352: {  	v28 =	vmin.f32 v28, $1.990000000e+02;
	v10 =	vcvt.f32.s32 v10;
	v11 =	vcvt.f32.s32 v11  }
0x353: {  	v14 =	vld [tilespmem:s0+$0x0];
	v24 =	vadd.f32 $5.000000000e-01, v24;
	v12 =	vcvt.f32.s32 v12;
	v15 =	vcvt.f32.s32 v15  }
0x354: {  	v20 =	vld [tilespmem:s31+$0xFFFFFFF0];
	v25 =	vadd.f32 $5.000000000e-01, v25;
	v16 =	vcvt.f32.s32 v16;
	v17 =	vcvt.f32.s32 v17  }
0x355: {  	v21 =	vld [tilespmem:s31+$0xFFFFFF90];
	v63 =	vadd.f32 $5.000000000e-01, v27;
	v18 =	vcvt.f32.s32 v18;
	v19 =	vcvt.f32.s32 v19  }
0x356: {  	v23 =	vld [tilespmem:s31+$0xFFFFFFA0];
	v5 =	vmul.u32 $0xC8, v5;
	v6 =	vmul.u32 $0xC8, v6;
	v8 =	vmul.u32 $0xC8, v8  }
0x357: {  	v9 =	vmul.u32 $0xC8, v9;
	v10 =	vmul.u32 $0xC8, v10;
	v11 =	vmul.u32 $0xC8, v11  }
0x358: {  	v7 =	vadd.s32 v7, v5;
	v5 =	vmax.f32 v14, $0.0e+00;
	v15 =	vadd.s32 v15, v6  }
0x359: {  	v8 =	vadd.s32 v16, v8;
	v16 =	vmax.f32 v20, $0.0e+00;
	v17 =	vadd.s32 v17, v9  }
0x35a: {  	v14 =	vld [tilespmem:s0+$0x60];
	v18 =	vadd.s32 v18, v10;
	v9 =	vmax.f32 v21, $0.0e+00;
	v20 =	vadd.s32 v19, v11  }
0x35b: {  	v10 =	vld [tilespmem:s31+$0xFFFFFFD0];
	v21 =	vmax.f32 v23, $0.0e+00;
	v5 =	vmin.f32 v5, $1.990000000e+02;
	v16 =	vmin.f32 v16, $1.990000000e+02  }
0x35c: {  	v11 =	vld [tilespmem:s31+$0xFFFFFFE0];
	v9 =	vmin.f32 v9, $1.990000000e+02;
	v5 =	vadd.f32 $5.000000000e-01, v5;
	v16 =	vadd.f32 $5.000000000e-01, v16  }
0x35d: {  	v13 =	vmul.u32 $0xC8, v13;
	v19 =	vld [tilespmem:s31+$0xFFFFFF80];
	v21 =	vmin.f32 v21, $1.990000000e+02;
	v9 =	vadd.f32 $5.000000000e-01, v9  }
0x35e: {  	v21 =	vadd.f32 $5.000000000e-01, v21;
	v5 =	vtrunc.f32 v5;
	v16 =	vtrunc.f32 v16  }
0x35f: {  	v9 =	vtrunc.f32 v9;
	v22 =	vcvt.f32.s32 v5;
	v5 =	vmul.u32 $0xC8, v12;
	v12 =	vld [tilespmem:s31+$0x70]  }
0x360: {  	v21 =	vtrunc.f32 v21;
	v14 =	vmax.f32 v14, $0.0e+00;
	v16 =	vcvt.f32.s32 v16;
	[tilespmem:v15+s17+$0x0] =	vst.idx.add.f32.msk $0xffff, v3  }
0x361: {  	v10 =	vmax.f32 v10, $0.0e+00;
	v11 =	vmax.f32 v11, $0.0e+00;
	v15 =	vcvt.f32.s32 v9;
	[tilespmem:v17+s17+$0x0] =	vst.idx.add.f32.msk $0xffff, v3  }
0x362: {  	v19 =	vmax.f32 v19, $0.0e+00;
	[tilespmem:v18+s17+$0x0] =	vst.idx.add.f32.msk $0xffff, v3;
	v18 =	vtrunc.f32 v25;
	v17 =	vtrunc.f32 v63  }
0x363: {  	v14 =	vmin.f32 v14, $1.990000000e+02;
	v10 =	vmin.f32 v10, $1.990000000e+02;
	v19 =	vmin.f32 v19, $1.990000000e+02  }
0x364: {  	v11 =	vmin.f32 v11, $1.990000000e+02;
	v14 =	vadd.f32 $5.000000000e-01, v14;
	v12 =	vmax.f32 v12, $0.0e+00  }
0x365: {  	v13 =	vadd.s32 v22, v13;
	v22 =	vld [tilespmem:s31+$0xFFFFFFB0];
	v19 =	vadd.f32 $5.000000000e-01, v19;
	v12 =	vmin.f32 v12, $1.990000000e+02  }
0x366: {  	v23 =	vld [tilespmem:s31+$0x0];
	v10 =	vadd.f32 $5.000000000e-01, v10;
	v14 =	vtrunc.f32 v14;
	v12 =	vadd.f32 $5.000000000e-01, v12  }
0x367: {  	v11 =	vadd.f32 $5.000000000e-01, v11;
	v19 =	vtrunc.f32 v19;
	v6 =	vcvt.f32.s32 v14;
	v14 =	vld [tilespmem:s31+$0xFFFFFFC0]  }
0x368: {  	v16 =	vmul.u32 $0xC8, v16;
	v10 =	vtrunc.f32 v10;
	v12 =	vtrunc.f32 v12  }
0x369: {  	[tilespmem:v8+s17+$0x0] =	vst.idx.add.f32.msk $0xffff, v3;
	v8 =	vmul.u32 $0xC8, v15;
	v29 =	vtrunc.f32 v11;
	v12 =	vcvt.f32.s32 v12  }
0x36a: {  	[tilespmem:v7+s17+$0x0] =	vst.idx.add.f32.msk $0xffff, v3;
	v11 =	vadd.f32 $5.000000000e-01, v28;
	v7 =	vcvt.f32.s32 v19;
	v22 =	vmax.f32 v22, $0.0e+00  }
0x36b: {  	v22 =	vmin.f32 v22, $1.990000000e+02;
	v12 =	vadd.s32 v12, v16;
	v16 =	vmax.f32 v23, $0.0e+00;
	v23 =	vld [tilespmem:s31+$0x60]  }
0x36c: {  	v19 =	vcvt.f32.s32 v21;
	v22 =	vadd.f32 $5.000000000e-01, v22;
	v14 =	vmax.f32 v14, $0.0e+00  }
0x36d: {  	v15 =	vcvt.f32.s32 v10;
	[tilespmem:v13+s17+$0x0] =	vst.idx.add.f32.msk $0xffff, v3;
	v13 =	vadd.f32 $5.000000000e-01, v26;
	v14 =	vmin.f32 v14, $1.990000000e+02  }
0x36e: {  	v7 =	vmul.u32 $0xC8, v7;
	v22 =	vtrunc.f32 v22;
	v14 =	vadd.f32 $5.000000000e-01, v14  }
0x36f: {  	v10 =	vmul.u32 $0xC8, v19;
	v19 =	vtrunc.f32 v24;
	v21 =	vcvt.f32.s32 v22  }
0x370: {  	v16 =	vmin.f32 v16, $1.990000000e+02;
	v14 =	vtrunc.f32 v14;
	v23 =	vmax.f32 v23, $0.0e+00  }
0x371: {  	v16 =	vadd.f32 $5.000000000e-01, v16;
	v22 =	vcvt.f32.s32 v14;
	v23 =	vmin.f32 v23, $1.990000000e+02  }
0x372: {  	[tilespmem:v20+s17+$0x0] =	vst.idx.add.f32.msk $0xffff, v3;
	v20 =	vtrunc.f32 v13;
	v14 =	vcvt.f32.s32 v29;
	v9 =	vadd.f32 $5.000000000e-01, v23  }
0x373: {  	s24 =	simm.s32 $0x8;
	s25 =	simm.s32 $0x280;
	v16 =	vtrunc.f32 v16;
	[tilespmem:v12+s17+$0x0] =	vst.idx.add.f32.msk $0xffff, v3;
	v12 =	vmul.u32 $0xC8, v21;
	v13 =	vmul.u32 $0xC8, v22  }
.LBB2_18:
0x374: {  	v21 =	vld [tilespmem:s25+$0xFFFFFFF0];
	s24 =	sadd.s32 $0x8, s24;
	v11 =	vtrunc.f32 v11;
	v15 =	vmul.u32 $0xC8, v15;
	v9 =	vtrunc.f32 v9  }
0x375: {  	v16 =	vcvt.f32.s32 v16;
	v19 =	vcvt.f32.s32 v19;
	v14 =	vmul.u32 $0xC8, v14;
	v22 =	vld [tilespmem:s25+$0xFFFFFF90];
	p1 =	slt.u32 s24, $0x1F8  }
0x376: {  	v18 =	vcvt.f32.s32 v18;
	v20 =	vcvt.f32.s32 v20;
	v24 =	vadd.s32 v6, v5;
	v23 =	vld [tilespmem:s25+$0x70]  }
0x377: {  	v11 =	vcvt.f32.s32 v11;
	v7 =	vadd.s32 v16, v7;
	v16 =	vcvt.f32.s32 v17;
	v5 =	vmovc v14;
	v25 =	vld [tilespmem:s25+$0xFFFFFFA0]  }
0x378: {  	v6 =	vcvt.f32.s32 v9;
	v8 =	vadd.s32 v19, v8;
	v10 =	vadd.s32 v18, v10;
	v14 =	vld [tilespmem:s25+$0xFFFFFFB0]  }
0x379: {  	v12 =	vadd.s32 v20, v12;
	v13 =	vadd.s32 v16, v13;
	v9 =	vld [tilespmem:s25+$0xFFFFFFC0];
	v17 =	vmax.f32 v21, $0.0e+00  }
0x37a: {  	v11 =	vadd.s32 v11, v15;
	v16 =	vmax.f32 v22, $0.0e+00;
	v18 =	vld [tilespmem:s25+$0xFFFFFFD0];
	v17 =	vmin.f32 v17, $1.990000000e+02  }
0x37b: {  	v15 =	vmin.f32 v16, $1.990000000e+02;
	v16 =	vld [tilespmem:s25+$0xFFFFFFE0];
	v19 =	vmax.f32 v23, $0.0e+00;
	v17 =	vadd.f32 $5.000000000e-01, v17  }
0x37c: {  	v20 =	vld [tilespmem:s25+$0xFFFFFF80];
	v15 =	vadd.f32 $5.000000000e-01, v15;
	v21 =	vmax.f32 v25, $0.0e+00;
	v19 =	vmin.f32 v19, $1.990000000e+02  }
0x37d: {  	v22 =	vld [tilespmem:s25+$0x0];
	v14 =	vmax.f32 v14, $0.0e+00;
	v17 =	vtrunc.f32 v17;
	v19 =	vadd.f32 $5.000000000e-01, v19  }
0x37e: {  	v21 =	vmin.f32 v21, $1.990000000e+02;
	v23 =	vld [tilespmem:s25+$0x10];
	v9 =	vmax.f32 v9, $0.0e+00;
	v17 =	vcvt.f32.s32 v17  }
0x37f: {  	v14 =	vmin.f32 v14, $1.990000000e+02;
	v25 =	vld [tilespmem:s25+$0x20];
	v18 =	vmax.f32 v18, $0.0e+00;
	v19 =	vtrunc.f32 v19  }
0x380: {  	v26 =	vld [tilespmem:s25+$0x30];
	v16 =	vmax.f32 v16, $0.0e+00;
	v19 =	vcvt.f32.s32 v19;
	v17 =	vmul.u32 $0xC8, v17  }
0x381: {  	v9 =	vmin.f32 v9, $1.990000000e+02;
	v18 =	vmin.f32 v18, $1.990000000e+02;
	v20 =	vmax.f32 v20, $0.0e+00;
	v27 =	vld [tilespmem:s25+$0x40]  }
0x382: {  	v16 =	vmin.f32 v16, $1.990000000e+02;
	v20 =	vmin.f32 v20, $1.990000000e+02;
	v28 =	vld [tilespmem:s25+$0x50];
	v17 =	vadd.s32 v19, v17  }
0x383: {  	v21 =	vadd.f32 $5.000000000e-01, v21;
	v19 =	vmax.f32 v22, $0.0e+00;
	v20 =	vadd.f32 $5.000000000e-01, v20;
	v22 =	vld [tilespmem:s25+$0x60]  }
0x384: {  	v14 =	vadd.f32 $5.000000000e-01, v14;
	v9 =	vadd.f32 $5.000000000e-01, v9;
	v23 =	vmax.f32 v23, $0.0e+00;
	[tilespmem:v7+s17+$0x0] =	vst.idx.add.f32.msk $0xffff, v3  }
0x385: {  	v18 =	vadd.f32 $5.000000000e-01, v18;
	v16 =	vadd.f32 $5.000000000e-01, v16;
	v7 =	vmax.f32 v25, $0.0e+00;
	[tilespmem:v8+s17+$0x0] =	vst.idx.add.f32.msk $0xffff, v3  }
0x386: {  	v8 =	vmin.f32 v19, $1.990000000e+02;
	v19 =	vmax.f32 v26, $0.0e+00;
	v25 =	vmax.f32 v27, $0.0e+00;
	[tilespmem:v10+s17+$0x0] =	vst.idx.add.f32.msk $0xffff, v3  }
0x387: {  	v7 =	vmin.f32 v7, $1.990000000e+02;
	v10 =	vmin.f32 v23, $1.990000000e+02;
	v23 =	vmax.f32 v28, $0.0e+00;
	[tilespmem:v17+s17+$0x0] =	vst.idx.add.f32.msk $0xffff, v3  }
0x388: {  	v17 =	vmin.f32 v19, $1.990000000e+02;
	v19 =	vmin.f32 v25, $1.990000000e+02;
	v22 =	vmax.f32 v22, $0.0e+00;
	[tilespmem:v12+s17+$0x0] =	vst.idx.add.f32.msk $0xffff, v3  }
0x389: {  	v12 =	vtrunc.f32 v20;
	v20 =	vmin.f32 v23, $1.990000000e+02;
	v22 =	vmin.f32 v22, $1.990000000e+02;
	[tilespmem:v13+s17+$0x0] =	vst.idx.add.f32.msk $0xffff, v3  }
0x38a: {  	v13 =	vadd.f32 $5.000000000e-01, v8;
	v8 =	vtrunc.f32 v15;
	v15 =	vtrunc.f32 v21;
	[tilespmem:v11+s17+$0x0] =	vst.idx.add.f32.msk $0xffff, v3  }
0x38b: {  	v21 =	vadd.f32 $5.000000000e-01, v10;
	v10 =	vtrunc.f32 v14;
	v14 =	vtrunc.f32 v9;
	[tilespmem:v24+s17+$0x0] =	vst.idx.add.f32.msk $0xffff, v3  }
0x38c: {  	v18 =	vtrunc.f32 v18;
	v23 =	vadd.f32 $5.000000000e-01, v7;
	v24 =	vtrunc.f32 v16  }
0x38d: {  	v17 =	vadd.f32 $5.000000000e-01, v17;
	v25 =	vadd.f32 $5.000000000e-01, v19;
	v7 =	vcvt.f32.s32 v12  }
0x38e: {  	v8 =	vcvt.f32.s32 v8;
	v11 =	vadd.f32 $5.000000000e-01, v20;
	v9 =	vadd.f32 $5.000000000e-01, v22  }
.Ltmp10:
0x38f: {  	v12 =	vcvt.f32.s32 v15;
	v20 =	vcvt.f32.s32 v10;
	v7 =	vmul.u32 $0xC8, v7;
	(pc) =	sbr.rel @p1 .LBB2_18-.Ltmp10, $4  }
0x390: {  	v22 =	vcvt.f32.s32 v14;
	v15 =	vcvt.f32.s32 v18;
	v8 =	vmul.u32 $0xC8, v8  }
0x391: {  	v16 =	vtrunc.f32 v13;
	v10 =	vmul.u32 $0xC8, v12;
	v14 =	vcvt.f32.s32 v24  }
0x392: {  	v18 =	vtrunc.f32 v23;
	v19 =	vtrunc.f32 v21;
	v12 =	vmul.u32 $0xC8, v20  }
0x393: {  	s25 =	sadd.s32 $0x100, s25;
	v20 =	vtrunc.f32 v17;
	v17 =	vtrunc.f32 v25;
	v13 =	vmul.u32 $0xC8, v22  }
0x394: {  	v16 =	vcvt.f32.s32 v16  }
0x395: {  	v19 =	vcvt.f32.s32 v19;
	v5 =	vadd.s32 v6, v5  }
0x396: {  	v18 =	vcvt.f32.s32 v18;
	v11 =	vtrunc.f32 v11;
	v7 =	vadd.s32 v16, v7  }
0x397: {  	v17 =	vcvt.f32.s32 v17;
	v15 =	vmul.u32 $0xC8, v15;
	v8 =	vadd.s32 v19, v8  }
0x398: {  	v9 =	vtrunc.f32 v9;
	v11 =	vcvt.f32.s32 v11;
	v10 =	vadd.s32 v18, v10  }
0x399: {  	v14 =	vmul.u32 $0xC8, v14;
	v9 =	vcvt.f32.s32 v9;
	v13 =	vadd.s32 v17, v13  }
0x39a: {  	v16 =	vcvt.f32.s32 v20;
	v11 =	vadd.s32 v11, v15;
	[tilespmem:v5+s17+$0x0] =	vst.idx.add.f32.msk $0xffff, v3  }
0x39b: {  	v6 =	vadd.s32 v9, v14;
	[tilespmem:v7+s17+$0x0] =	vst.idx.add.f32.msk $0xffff, v3  }
0x39c: {  	v12 =	vadd.s32 v16, v12;
	[tilespmem:v8+s17+$0x0] =	vst.idx.add.f32.msk $0xffff, v3  }
0x39d: {  	[tilespmem:v10+s17+$0x0] =	vst.idx.add.f32.msk $0xffff, v3  }
0x39e: {  	[tilespmem:v13+s17+$0x0] =	vst.idx.add.f32.msk $0xffff, v3  }
0x39f: {  	[tilespmem:v11+s17+$0x0] =	vst.idx.add.f32.msk $0xffff, v3  }
0x3a0: {  	[tilespmem:v6+s17+$0x0] =	vst.idx.add.f32.msk $0xffff, v3  }
0x3a1: {  	[tilespmem:v12+s17+$0x0] =	vst.idx.add.f32.msk $0xffff, v3  }
0x3a2: {  	_ =	swait.ge [sflag:s18], $0x4000  }
0x3a3: {  	[sflag:s18] =	ssyncset.done $0x0  }
0x3a4: {  	s0 =	simm.s32 $0x4080;
	[sflag:s18] =	ssyncadd.s32 $0xFFFFC000  }
0x3a5: {  	v5 =	vld [tilespmem:s0+$0xFFFFFFF0]  }
0x3a6: {  	v6 =	vld [tilespmem:s0+$0xFFFFFF90]  }
0x3a7: {  	v7 =	vld [tilespmem:s0+$0x70]  }
0x3a8: {  	v8 =	vld [tilespmem:s0+$0xFFFFFFA0]  }
0x3a9: {  	v9 =	vld [tilespmem:s0+$0xFFFFFFB0]  }
0x3aa: {  	v10 =	vld [tilespmem:s0+$0xFFFFFFC0]  }
0x3ab: {  	s24 =	simm.s32 $0x70;
	v11 =	vld [tilespmem:s0+$0xFFFFFFD0]  }
0x3ac: {  	v18 =	vor.u32 s24, v0;
	v12 =	vld [tilespmem:s0+$0xFFFFFFE0]  }
0x3ad: {  	vm0 =	vge.u32 v18, v1;
	v18 =	vld [tilespmem:s0+$0x50];
	_ =	sdelay $0x1  }
0x3ae: {  	v5 =	vmax.f32 v5, $0.0e+00  }
0x3af: {  	v6 =	vmax.f32 v6, $0.0e+00;
	v7 =	vmax.f32 v7, $0.0e+00;
	v8 =	vmax.f32 v8, $0.0e+00  }
0x3b0: {  	v9 =	vmax.f32 v9, $0.0e+00;
	v10 =	vmax.f32 v10, $0.0e+00;
	v11 =	vmax.f32 v11, $0.0e+00  }
0x3b1: {  	v12 =	vmax.f32 v12, $0.0e+00;
	v18 =	vmax.f32 v18, $0.0e+00;
	v5 =	vmin.f32 v5, $1.990000000e+02  }
0x3b2: {  	v6 =	vmin.f32 v6, $1.990000000e+02;
	v7 =	vmin.f32 v7, $1.990000000e+02;
	v8 =	vmin.f32 v8, $1.990000000e+02  }
0x3b3: {  	v9 =	vmin.f32 v9, $1.990000000e+02;
	v10 =	vmin.f32 v10, $1.990000000e+02;
	v5 =	vadd.f32 $5.000000000e-01, v5  }
0x3b4: {  	v13 =	vld [tilespmem:s0+$0xFFFFFF80];
	v12 =	vmin.f32 v12, $1.990000000e+02;
	v6 =	vadd.f32 $5.000000000e-01, v6;
	v7 =	vadd.f32 $5.000000000e-01, v7  }
0x3b5: {  	v18 =	vmin.f32 v18, $1.990000000e+02;
	v8 =	vadd.f32 $5.000000000e-01, v8;
	v9 =	vadd.f32 $5.000000000e-01, v9  }
0x3b6: {  	v14 =	vld [tilespmem:s0+$0x0];
	v10 =	vadd.f32 $5.000000000e-01, v10;
	v5 =	vtrunc.f32 v5;
	v7 =	vtrunc.f32 v7  }
0x3b7: {  	v15 =	vld [tilespmem:s0+$0x10];
	v12 =	vadd.f32 $5.000000000e-01, v12;
	v6 =	vtrunc.f32 v6;
	v8 =	vtrunc.f32 v8  }
0x3b8: {  	v16 =	vld [tilespmem:s0+$0x20];
	v18 =	vadd.f32 $5.000000000e-01, v18;
	v9 =	vtrunc.f32 v9;
	v5 =	vcvt.f32.s32 v5  }
0x3b9: {  	v17 =	vld [tilespmem:s0+$0x30];
	v13 =	vmax.f32 v13, $0.0e+00;
	v10 =	vtrunc.f32 v10;
	v12 =	vtrunc.f32 v12  }
0x3ba: {  	v19 =	vld [tilespmem:s0+$0x40];
	v22 =	vtrunc.f32 v18;
	v7 =	vcvt.f32.s32 v7;
	v5 =	vmul.u32 $0xC8, v5  }
0x3bb: {  	v13 =	vmin.f32 v13, $1.990000000e+02;
	v8 =	vcvt.f32.s32 v8;
	v9 =	vcvt.f32.s32 v9  }
0x3bc: {  	v10 =	vcvt.f32.s32 v10;
	v12 =	vcvt.f32.s32 v12;
	v21 =	vadd.s32 v7, v5  }
0x3bd: {  	v5 =	vadd.f32 $5.000000000e-01, v13;
	v7 =	vmin.f32 v11, $1.990000000e+02;
	v13 =	vmax.f32 v14, $0.0e+00  }
0x3be: {  	v14 =	vmax.f32 v15, $0.0e+00;
	v15 =	vmax.f32 v16, $0.0e+00;
	v16 =	vmax.f32 v17, $0.0e+00  }
0x3bf: {  	v17 =	vmax.f32 v19, $0.0e+00;
	v19 =	vcvt.f32.s32 v6;
	v7 =	vadd.f32 $5.000000000e-01, v7  }
0x3c0: {  	v13 =	vmin.f32 v13, $1.990000000e+02;
	v14 =	vmin.f32 v14, $1.990000000e+02;
	v15 =	vmin.f32 v15, $1.990000000e+02  }
0x3c1: {  	v11 =	vld [tilespmem:s0+$0x60];
	v16 =	vmin.f32 v16, $1.990000000e+02;
	v17 =	vmin.f32 v17, $1.990000000e+02;
	v13 =	vadd.f32 $5.000000000e-01, v13  }
0x3c2: {  	v5 =	vtrunc.f32 v5;
	v14 =	vadd.f32 $5.000000000e-01, v14;
	v15 =	vadd.f32 $5.000000000e-01, v15  }
0x3c3: {  	v16 =	vadd.f32 $5.000000000e-01, v16;
	v7 =	vtrunc.f32 v7;
	v5 =	vcvt.f32.s32 v5  }
0x3c4: {  	v17 =	vadd.f32 $5.000000000e-01, v17;
	v13 =	vtrunc.f32 v13;
	v14 =	vtrunc.f32 v14  }
0x3c5: {  	v9 =	vmul.u32 $0xC8, v9;
	v15 =	vtrunc.f32 v15;
	v16 =	vtrunc.f32 v16  }
0x3c6: {  	v17 =	vtrunc.f32 v17;
	v11 =	vmax.f32 v11, $0.0e+00;
	v6 =	vmul.u32 $0xC8, v5  }
0x3c7: {  	v5 =	vmul.u32 $0xC8, v19;
	v19 =	vcvt.f32.s32 v7;
	v7 =	vmul.u32 $0xC8, v8  }
0x3c8: {  	s1 =	simm.s32 $0x10;
	v8 =	vmul.u32 $0xC8, v10;
	v20 =	vcvt.f32.s32 v13;
	v14 =	vcvt.f32.s32 v14  }
0x3c9: {  	s30 =	simm.s32 $0x20;
	v13 =	vor.u32 s1, v0;
	v18 =	vcvt.f32.s32 v15;
	v11 =	vmin.f32 v11, $1.990000000e+02  }
0x3ca: {  	s2 =	simm.s32 $0x40;
	v15 =	vcvt.f32.s32 v16;
	v16 =	vor.u32 s30, v0;
	v11 =	vadd.f32 $5.000000000e-01, v11  }
0x3cb: {  	s31 =	simm.s32 $0x30;
	[tilespmem:v21+s17+$0x0] =	vst.idx.add.f32.msk vm0, v3;
	v21 =	vor.u32 s2, v0;
	v10 =	vmul.u32 $0xC8, v19;
	v19 =	vcvt.f32.s32 v17  }
0x3cc: {  	s26 =	simm.s32 $0x0;
	s25 =	simm.s32 $0x0;
	v17 =	vcvt.f32.s32 v22;
	v22 =	vor.u32 s31, v0;
	v23 =	vtrunc.f32 v11  }
0x3cd: {  	s28 =	simm.s32 $0x50;
	s29 =	simm.s32 $0x60;
	v11 =	vmul.u32 $0xC8, v12;
	v12 =	vor.u32 s26, v0;
	s26 =	simm.s32 $0x4180;
	v23 =	vcvt.f32.s32 v23  }
.LBB2_20:
0x3ce: {  	v24 =	vld [tilespmem:s26+$0xFFFFFFF0];
	s25 =	sadd.s32 $0x8, s25;
	v6 =	vadd.s32 v20, v6;
	v20 =	vor.u32 s28, v0;
	v25 =	vor.u32 s29, v0  }
0x3cf: {  	v5 =	vadd.s32 v14, v5;
	v7 =	vadd.s32 v18, v7;
	v9 =	vadd.s32 v15, v9;
	v26 =	vld [tilespmem:s26+$0xFFFFFF90];
	p1 =	slt.u32 s25, $0x1F8  }
0x3d0: {  	v8 =	vadd.s32 v19, v8;
	v10 =	vadd.s32 v17, v10;
	v11 =	vadd.s32 v23, v11;
	v14 =	vld [tilespmem:s26+$0x70]  }
0x3d1: {  	vm6 =	vge.u32 v12, v1;
	vm5 =	vge.u32 v13, v1;
	vm4 =	vge.u32 v16, v1;
	v15 =	vld [tilespmem:s26+$0xFFFFFFA0]  }
0x3d2: {  	vm3 =	vge.u32 v22, v1;
	vm2 =	vge.u32 v21, v1;
	vm1 =	vge.u32 v20, v1;
	v12 =	vld [tilespmem:s26+$0xFFFFFFB0]  }
0x3d3: {  	vm0 =	vge.u32 v25, v1;
	v13 =	vld [tilespmem:s26+$0xFFFFFFC0];
	v16 =	vmax.f32 v24, $0.0e+00  }
0x3d4: {  	v17 =	vmax.f32 v26, $0.0e+00;
	v18 =	vld [tilespmem:s26+$0xFFFFFFD0];
	v16 =	vmin.f32 v16, $1.990000000e+02  }
0x3d5: {  	v17 =	vmin.f32 v17, $1.990000000e+02;
	v19 =	vld [tilespmem:s26+$0xFFFFFFE0];
	v14 =	vmax.f32 v14, $0.0e+00;
	v16 =	vadd.f32 $5.000000000e-01, v16  }
0x3d6: {  	v20 =	vld [tilespmem:s26+$0xFFFFFF80];
	v17 =	vadd.f32 $5.000000000e-01, v17;
	v15 =	vmax.f32 v15, $0.0e+00;
	v14 =	vmin.f32 v14, $1.990000000e+02  }
0x3d7: {  	v21 =	vld [tilespmem:s26+$0x0];
	v12 =	vmax.f32 v12, $0.0e+00;
	v16 =	vtrunc.f32 v16;
	v14 =	vadd.f32 $5.000000000e-01, v14  }
0x3d8: {  	v15 =	vmin.f32 v15, $1.990000000e+02;
	v22 =	vld [tilespmem:s26+$0x10];
	v13 =	vmax.f32 v13, $0.0e+00;
	v16 =	vcvt.f32.s32 v16  }
0x3d9: {  	s24 =	sadd.s32 $0x80, s24;
	v12 =	vmin.f32 v12, $1.990000000e+02;
	v23 =	vld [tilespmem:s26+$0x20];
	v18 =	vmax.f32 v18, $0.0e+00;
	v14 =	vtrunc.f32 v14  }
0x3da: {  	s2 =	sadd.s32 $0xFFFFFF90, s24;
	s31 =	sadd.s32 $0xFFFFFFA0, s24;
	s30 =	sadd.s32 $0xFFFFFFB0, s24;
	v25 =	vor.u32 s24, v0;
	v24 =	vld [tilespmem:s26+$0x30];
	v14 =	vcvt.f32.s32 v14;
	v16 =	vmul.u32 $0xC8, v16  }
0x3db: {  	s1 =	sadd.s32 $0xFFFFFFC0, s24;
	s0 =	sadd.s32 $0xFFFFFFD0, s24;
	s28 =	sadd.s32 $0xFFFFFFE0, s24;
	vm7 =	vge.u32 v25, v1;
	v19 =	vmax.f32 v19, $0.0e+00;
	v20 =	vmax.f32 v20, $0.0e+00;
	v26 =	vld [tilespmem:s26+$0x40]  }
0x3dc: {  	s29 =	sadd.s32 $0xFFFFFFF0, s24;
	v13 =	vmin.f32 v13, $1.990000000e+02;
	v20 =	vmin.f32 v20, $1.990000000e+02;
	v25 =	vld [tilespmem:s26+$0x50];
	v14 =	vadd.s32 v14, v16  }
0x3dd: {  	v18 =	vmin.f32 v18, $1.990000000e+02;
	v19 =	vmin.f32 v19, $1.990000000e+02;
	v16 =	vadd.f32 $5.000000000e-01, v20;
	v20 =	vld [tilespmem:s26+$0x60]  }
0x3de: {  	v15 =	vadd.f32 $5.000000000e-01, v15;
	v12 =	vadd.f32 $5.000000000e-01, v12;
	v21 =	vmax.f32 v21, $0.0e+00;
	[tilespmem:v6+s17+$0x0] =	vst.idx.add.f32.msk vm6, v3  }
0x3df: {  	v13 =	vadd.f32 $5.000000000e-01, v13;
	v18 =	vadd.f32 $5.000000000e-01, v18;
	v6 =	vmax.f32 v22, $0.0e+00;
	[tilespmem:v5+s17+$0x0] =	vst.idx.add.f32.msk vm5, v3  }
0x3e0: {  	v19 =	vadd.f32 $5.000000000e-01, v19;
	v5 =	vmax.f32 v23, $0.0e+00;
	v22 =	vmax.f32 v24, $0.0e+00;
	[tilespmem:v7+s17+$0x0] =	vst.idx.add.f32.msk vm4, v3  }
0x3e1: {  	v7 =	vmin.f32 v21, $1.990000000e+02;
	v21 =	vmax.f32 v26, $0.0e+00;
	v23 =	vmax.f32 v25, $0.0e+00;
	[tilespmem:v14+s17+$0x0] =	vst.idx.add.f32.msk vm7, v3  }
0x3e2: {  	v6 =	vmin.f32 v6, $1.990000000e+02;
	v5 =	vmin.f32 v5, $1.990000000e+02;
	v14 =	vmax.f32 v20, $0.0e+00;
	[tilespmem:v9+s17+$0x0] =	vst.idx.add.f32.msk vm3, v3  }
0x3e3: {  	v9 =	vmin.f32 v22, $1.990000000e+02;
	v20 =	vmin.f32 v21, $1.990000000e+02;
	v21 =	vmin.f32 v23, $1.990000000e+02;
	[tilespmem:v8+s17+$0x0] =	vst.idx.add.f32.msk vm2, v3  }
0x3e4: {  	v8 =	vtrunc.f32 v16;
	v16 =	vtrunc.f32 v17;
	v14 =	vmin.f32 v14, $1.990000000e+02;
	[tilespmem:v10+s17+$0x0] =	vst.idx.add.f32.msk vm1, v3  }
0x3e5: {  	v12 =	vtrunc.f32 v12;
	v7 =	vadd.f32 $5.000000000e-01, v7;
	v10 =	vtrunc.f32 v15;
	[tilespmem:v11+s17+$0x0] =	vst.idx.add.f32.msk vm0, v3  }
0x3e6: {  	v13 =	vtrunc.f32 v13;
	v15 =	vtrunc.f32 v18;
	v11 =	vadd.f32 $5.000000000e-01, v6  }
0x3e7: {  	v17 =	vadd.f32 $5.000000000e-01, v5;
	v9 =	vadd.f32 $5.000000000e-01, v9;
	v18 =	vtrunc.f32 v19  }
0x3e8: {  	v5 =	vcvt.f32.s32 v8;
	v8 =	vadd.f32 $5.000000000e-01, v20;
	v19 =	vadd.f32 $5.000000000e-01, v21  }
0x3e9: {  	v16 =	vcvt.f32.s32 v16;
	v14 =	vadd.f32 $5.000000000e-01, v14;
	v10 =	vcvt.f32.s32 v10  }
0x3ea: {  	v12 =	vcvt.f32.s32 v12;
	v13 =	vcvt.f32.s32 v13;
	v6 =	vmul.u32 $0xC8, v5  }
0x3eb: {  	v15 =	vcvt.f32.s32 v15;
	v5 =	vmul.u32 $0xC8, v16;
	v16 =	vcvt.f32.s32 v18  }
0x3ec: {  	v18 =	vtrunc.f32 v7;
	v21 =	vtrunc.f32 v11;
	v7 =	vmul.u32 $0xC8, v10  }
0x3ed: {  	v17 =	vtrunc.f32 v17;
	v22 =	vtrunc.f32 v9;
	v9 =	vmul.u32 $0xC8, v12  }
0x3ee: {  	v23 =	vtrunc.f32 v8;
	v8 =	vmul.u32 $0xC8, v13;
	v24 =	vtrunc.f32 v19  }
.Ltmp11:
0x3ef: {  	v25 =	vtrunc.f32 v14;
	v10 =	vmul.u32 $0xC8, v15;
	v11 =	vmul.u32 $0xC8, v16;
	(pc) =	sbr.rel @p1 .LBB2_20-.Ltmp11, $4  }
0x3f0: {  	v12 =	vor.u32 s2, v0;
	v20 =	vcvt.f32.s32 v18;
	v14 =	vcvt.f32.s32 v21  }
0x3f1: {  	v13 =	vor.u32 s31, v0;
	v18 =	vcvt.f32.s32 v17;
	v15 =	vcvt.f32.s32 v22  }
0x3f2: {  	v19 =	vcvt.f32.s32 v23;
	v17 =	vcvt.f32.s32 v24;
	v16 =	vor.u32 s30, v0  }
0x3f3: {  	s26 =	sadd.s32 $0x100, s26;
	v22 =	vor.u32 s1, v0;
	v23 =	vcvt.f32.s32 v25;
	v21 =	vor.u32 s0, v0  }
0x3f4: {  	vm0 =	vge.u32 v12, v1  }
0x3f5: {  	v6 =	vadd.s32 v20, v6;
	vm1 =	vge.u32 v13, v1  }
0x3f6: {  	v5 =	vadd.s32 v14, v5;
	vm2 =	vge.u32 v16, v1  }
0x3f7: {  	v7 =	vadd.s32 v18, v7;
	vm3 =	vge.u32 v22, v1  }
0x3f8: {  	v62 =	vor.u32 s28, v0;
	v9 =	vadd.s32 v15, v9;
	vm4 =	vge.u32 v21, v1  }
0x3f9: {  	v63 =	vor.u32 s29, v0;
	v8 =	vadd.s32 v19, v8;
	vm5 =	vge.u32 v62, v1  }
0x3fa: {  	v10 =	vadd.s32 v17, v10;
	vm6 =	vge.u32 v63, v1;
	[tilespmem:v6+s17+$0x0] =	vst.idx.add.f32.msk vm0, v3  }
0x3fb: {  	v6 =	vadd.s32 v23, v11;
	[tilespmem:v5+s17+$0x0] =	vst.idx.add.f32.msk vm1, v3  }
0x3fc: {  	[tilespmem:v7+s17+$0x0] =	vst.idx.add.f32.msk vm2, v3  }
0x3fd: {  	[tilespmem:v9+s17+$0x0] =	vst.idx.add.f32.msk vm3, v3  }
0x3fe: {  	[tilespmem:v8+s17+$0x0] =	vst.idx.add.f32.msk vm4, v3  }
.Ltmp12:
0x3ff: {  	[tilespmem:v10+s17+$0x0] =	vst.idx.add.f32.msk vm5, v3;
	(pc) =	sbr.rel @p0 .LBB2_25-.Ltmp12, $4  }
0x400: {  	[tilespmem:v6+s17+$0x0] =	vst.idx.add.f32.msk vm6, v3  }
0x401: {  	_ =	swait.ge [sflag:s19], $0x100  }
0x402: {  	[sflag:s19] =	ssyncset.done $0x0  }
0x403: {  	[sflag:s19] =	ssyncadd.s32 $0xFFFFFF00  }
0x404: {  	s1 =	simm.s32 $0x8080  }
0x405: {  	s0 =	simm.s32 $0x0;
	s2 =	simm.s32 $0x10;
	v5 =	vld [tilespmem:s1+$0xFFFFFF80]  }
.LBB2_23:
0x406: {  	p1 =	sne.s32 s2, $0x20  }
0x407: {  	v6 =	vld [tilespmem:s1+$0x0];
	_ =	sdelay $0x2  }
0x408: {  	v5 =	vmax.f32 v5, $0.0e+00  }
0x409: {  	v5 =	vmin.f32 v5, $1.990000000e+02  }
0x40a: {  	v5 =	vadd.f32 $5.000000000e-01, v5;
	v6 =	vmax.f32 v6, $0.0e+00  }
0x40b: {  	v6 =	vmin.f32 v6, $1.990000000e+02  }
0x40c: {  	v5 =	vtrunc.f32 v5;
	v6 =	vadd.f32 $5.000000000e-01, v6  }
0x40d: {  	v5 =	vcvt.f32.s32 v5  }
0x40e: {  	v6 =	vtrunc.f32 v6  }
0x40f: {  	v7 =	vmov s0;
	s0 =	smov.u32 s2;
	v5 =	vmul.u32 $0xC8, v5;
	v6 =	vcvt.f32.s32 v6  }
0x410: {  	vm0 =	vlt.u32 v7, v4  }
0x411: {  	v6 =	vadd.s32 v6, v5  }
.Ltmp13:
0x412: {  	(pc) =	sbr.rel @p1 .LBB2_23-.Ltmp13, $4  }
0x413: {  	_ = 	snop  }
0x414: {  	s1 =	sadd.s32 $0x10, s1  }
0x415: {  	v5 =	vld [tilespmem:s1+$0xFFFFFF80]  }
0x416: {  	s2 =	sadd.s32 $0x10, s2;
	[tilespmem:v6+s17+$0x0] =	vst.idx.add.f32.msk vm0, v3  }
.Ltmp14:
0x417: {  	_ = 	snop;
	(pc) =	sbr.rel .LBB2_24-.Ltmp14, $1  }
0x418: {  	_ =	sdelay $0x3  }
.LBB2_26:
0x419: {  	_ =	sfence.sel $0x180000  }
0x41a: {  	[bflag:$0x0] =	sbarrier.arrive $0xFFFF  }
0x41b: {  	_ =	strace $0x90000047  }
0x41c: {  	s0 =	stileid.u32;
	[bflag:$0x2] =	sbarrier.arrive $0xFFFF  }
0x41d: {  	p0 =	sne.s32 s0, $0x0;
	s0 =	rddreg [dreg:$0x2]  }
0x41e: {  	s0 =	sadd.s32 @!p0 $0x100000, s0  }
0x41f: {  	[sflag:s0] =	ssyncadd.tile.s32 @!p0 $0x1;
	_ =	shalt  }
.Lfunc_end2:
_tile_overlayer_lowered:
.L_overlay_start_2:
0x420: {  	(tag) =	ssettag $0x2  }
0x421: {  	s0 =	rddreg [dreg:$0x0];
	s2 =	stileid.u32  }
0x422: {  	s1 =	rddreg [dreg:$0x1];
	p0 =	sne.s32 s2, $0x0  }
0x423: {  	s3 =	rddreg [dreg:$0x2];
	[bflag:$0x3] =	sbarrier.arrive $0xFFFF;
	s2 =	simm.s32 @!p0 $0x1C04  }
0x424: {  	[timem:s3], [sflag:s2] =	dma.local @!p0 [hbm:s0], s1  }
0x425: {  	s0 =	simm.s32 @!p0 $0x4  }
0x426: {  	_ =	swait.ge @!p0 [sflag:s0], s1  }
0x427: {  	s1 =	ssub.s32 @!p0 $0x0, s1;
	[sflag:s0] =	ssyncset.done @!p0 $0x0  }
0x428: {  	[sflag:s0] =	ssyncadd.s32 @!p0 s1  }
0x429: {  	[bflag:$0x3] =	sbarrier.arrive $0xFFFF  }
0x42a: {  	_ =	shalt  }

</sc_bundles>
